<compile_context>
chip_gen: v7x
topology: tpu7x:2x2x1
jax: 0.10.2.dev20260603
libtpu: 0.0.44.dev20260713+nightly
codegen_flags: <defaults>
</compile_context>

<pallas_src>
import functools

import jax
import jax.numpy as jnp
from jax import lax
from jax.experimental import pallas as pl
from jax.experimental.pallas import tpu as pltpu
from jax.experimental.pallas import tpu_sc as plsc

N = 10000
D = 128
E = 320000
NC = 2
NS = 16
NW = NC * NS
EPW = E // NW
CHUNK = 80
NCHUNK = EPW // CHUNK
NBUF = 3
LAG = 2
NPAD = 10240
RPT = NPAD // NS
RLAST = N - (NS - 1) * RPT
BM = 2000

_sc_mesh = plsc.VectorSubcoreMesh(core_axis_name="c", subcore_axis_name="s")



@functools.partial(
    pl.kernel,
    out_type=jax.ShapeDtypeStruct((NW, NPAD), jnp.float32),
    mesh=_sc_mesh,
    scratch_types=[
        pltpu.VMEM((EPW,), jnp.int32),
        pltpu.VMEM((NPAD,), jnp.float32),
    ],
    compiler_params=pltpu.CompilerParams(needs_layout_passes=False),
)
def _deg_kernel(dst_hbm, hist_hbm, dst_v, hist_v):
    c = lax.axis_index("c")
    s = lax.axis_index("s")
    w = c * NS + s
    pltpu.sync_copy(dst_hbm.at[w], dst_v)
    zeros16 = jnp.zeros((16,), jnp.float32)

    def zbody(i, carry):
        hist_v[pl.ds(i * 16, 16)] = zeros16
        return carry

    lax.fori_loop(0, NPAD // 16, zbody, 0)
    ones16 = jnp.ones((16,), jnp.float32)

    def body(i, carry):
        v = dst_v[pl.ds(i * 16, 16)]
        plsc.addupdate_scatter(hist_v, [v], ones16)
        return carry

    lax.fori_loop(0, EPW // 16, body, 0)
    pltpu.sync_copy(hist_v, hist_hbm.at[w])



@functools.partial(
    pl.kernel,
    out_type=jax.ShapeDtypeStruct((NC, N, D), jnp.float32),
    mesh=_sc_mesh,
    scratch_types=[
        pltpu.VMEM_SHARED((N, D), jnp.float32),
        pltpu.VMEM((NCHUNK, CHUNK), jnp.int32),
        pltpu.VMEM((NCHUNK, CHUNK), jnp.int32),
        pltpu.VMEM((CHUNK, D), jnp.float32),
        pltpu.VMEM((CHUNK, D), jnp.float32),
        pltpu.VMEM((CHUNK, D), jnp.float32),
        pltpu.SemaphoreType.DMA,
        pltpu.SemaphoreType.DMA,
        pltpu.SemaphoreType.DMA,
        pltpu.SemaphoreType.DMA,
        pltpu.SemaphoreType.DMA,
        pltpu.SemaphoreType.DMA,
    ],
    compiler_params=pltpu.CompilerParams(use_tc_tiling_on_sc=False),
)
def _agg_kernel(u_hbm, src_hbm, dst_hbm, out_hbm, acc, src_v, dst_v,
                r0, r1, r2, gs0, gs1, gs2, ss0, ss1, ss2):
    bufs = (r0, r1, r2)
    gsems = (gs0, gs1, gs2)
    ssems = (ss0, ss1, ss2)
    c = lax.axis_index("c")
    s = lax.axis_index("s")
    w = c * NS + s
    pltpu.sync_copy(src_hbm.at[w], src_v)
    pltpu.sync_copy(dst_hbm.at[w], dst_v)
    @pl.when(s < NS - 1)
    def _init_full():
        pltpu.sync_copy(u_hbm.at[pl.ds(s * RPT, RPT)], acc.at[pl.ds(s * RPT, RPT)])

    @pl.when(s == NS - 1)
    def _init_last():
        pltpu.sync_copy(u_hbm.at[pl.ds(s * RPT, RLAST)], acc.at[pl.ds(s * RPT, RLAST)])

    plsc.subcore_barrier()

    def fire_gather(j, b):
        pltpu.async_copy(u_hbm.at[src_v.at[j]], bufs[b], gsems[b])

    def wait_gather(j, b):
        pltpu.make_async_copy(u_hbm.at[src_v.at[j]], bufs[b], gsems[b]).wait()

    def fire_scatter(j, b):
        pltpu.async_copy(bufs[b], acc.at[dst_v.at[j]], ssems[b], add=True)

    def wait_scatter(j, b):
        pltpu.make_async_copy(bufs[b], acc.at[dst_v.at[j]], ssems[b]).wait()

    for b in range(NBUF):
        fire_gather(b, b)

    for j in range(NBUF):
        if j >= LAG:
            wait_scatter(j - LAG, (j - LAG) % NBUF)
            fire_gather(j - LAG + NBUF, (j - LAG) % NBUF)
        wait_gather(j, j)
        fire_scatter(j, j)

    def body(g, carry):
        for b in range(NBUF):
            j = g * NBUF + b
            wait_scatter(j - LAG, (b - LAG) % NBUF)
            fire_gather(j - LAG + NBUF, (b - LAG) % NBUF)
            wait_gather(j, b)
            fire_scatter(j, b)
        return carry

    TAIL = NBUF + NCHUNK % NBUF
    lax.fori_loop(1, (NCHUNK - TAIL) // NBUF, body, 0)

    jl = NCHUNK - TAIL
    for b in range(TAIL):
        j = jl + b
        wait_scatter(j - LAG, (j - LAG) % NBUF)
        if j - LAG + NBUF < NCHUNK:
            fire_gather(j - LAG + NBUF, (j - LAG) % NBUF)
        wait_gather(j, j % NBUF)
        fire_scatter(j, j % NBUF)
    for k in range(LAG):
        wait_scatter(NCHUNK - LAG + k, (NCHUNK - LAG + k) % NBUF)

    plsc.subcore_barrier()

    @pl.when(s < NS - 1)
    def _out_full():
        pltpu.sync_copy(acc.at[pl.ds(s * RPT, RPT)], out_hbm.at[c, pl.ds(s * RPT, RPT)])

    @pl.when(s == NS - 1)
    def _out_last():
        pltpu.sync_copy(acc.at[pl.ds(s * RPT, RLAST)], out_hbm.at[c, pl.ds(s * RPT, RLAST)])



def _dis_body(hist_ref, dis_ref):
    deg = jnp.sum(hist_ref[...], axis=0) + 1.0
    dis_ref[...] = lax.rsqrt(deg)


def _dis_call(hist):
    return pl.pallas_call(
        _dis_body,
        out_shape=jax.ShapeDtypeStruct((NPAD // 128, 128), jnp.float32),
    )(hist)


def _mm_scale_body(x_ref, w_ref, dis_ref, o_ref):
    h = jnp.dot(x_ref[...], w_ref[...], preferred_element_type=jnp.float32,
                precision=lax.Precision.HIGHEST)
    o_ref[...] = h * dis_ref[...]


def _mm_scale(x, w, dis_col):
    return pl.pallas_call(
        _mm_scale_body,
        grid=(N // BM,),
        in_specs=[
            pl.BlockSpec((BM, D), lambda i: (i, 0)),
            pl.BlockSpec((D, D), lambda i: (0, 0)),
            pl.BlockSpec((BM, 1), lambda i: (i, 0)),
        ],
        out_specs=pl.BlockSpec((BM, D), lambda i: (i, 0)),
        out_shape=jax.ShapeDtypeStruct((N, D), jnp.float32),
    )(x, w, dis_col)


def _mid_body(p_ref, u_ref, dis_ref, b_ref, w_ref, o_ref):
    x2 = jnp.maximum((p_ref[0] + p_ref[1] - u_ref[...]) * dis_ref[...]
                     + b_ref[...], 0.0)
    h2 = jnp.dot(x2, w_ref[...], preferred_element_type=jnp.float32,
                 precision=lax.Precision.HIGHEST)
    o_ref[...] = h2 * dis_ref[...]


def _mid(p, u, dis_col, b, w):
    return pl.pallas_call(
        _mid_body,
        grid=(N // BM,),
        in_specs=[
            pl.BlockSpec((NC, BM, D), lambda i: (0, i, 0)),
            pl.BlockSpec((BM, D), lambda i: (i, 0)),
            pl.BlockSpec((BM, 1), lambda i: (i, 0)),
            pl.BlockSpec((1, D), lambda i: (0, 0)),
            pl.BlockSpec((D, D), lambda i: (0, 0)),
        ],
        out_specs=pl.BlockSpec((BM, D), lambda i: (i, 0)),
        out_shape=jax.ShapeDtypeStruct((N, D), jnp.float32),
    )(p, u, dis_col, b, w)


def _final_body(p_ref, u_ref, dis_ref, b_ref, o_ref):
    o_ref[...] = jnp.maximum((p_ref[0] + p_ref[1] - u_ref[...]) * dis_ref[...]
                             + b_ref[...], 0.0)


def _final(p, u, dis_col, b):
    return pl.pallas_call(
        _final_body,
        grid=(N // BM,),
        in_specs=[
            pl.BlockSpec((NC, BM, D), lambda i: (0, i, 0)),
            pl.BlockSpec((BM, D), lambda i: (i, 0)),
            pl.BlockSpec((BM, 1), lambda i: (i, 0)),
            pl.BlockSpec((1, D), lambda i: (0, 0)),
        ],
        out_specs=pl.BlockSpec((BM, D), lambda i: (i, 0)),
        out_shape=jax.ShapeDtypeStruct((N, D), jnp.float32),
    )(p, u, dis_col, b)



def kernel(node_fts, edge_index, W1, b1, W2, b2):
    ei = edge_index.astype(jnp.int32)
    src3 = ei[0].reshape(NW, NCHUNK, CHUNK)
    dst3 = ei[1].reshape(NW, NCHUNK, CHUNK)
    dstw = ei[1].reshape(NW, EPW)

    hist = _deg_kernel(dstw)
    dis = _dis_call(hist.reshape(NW, NPAD // 128, 128))
    dis_col = dis.reshape(NPAD)[:N].reshape(N, 1)

    u1 = _mm_scale(node_fts, W1, dis_col)
    p1 = _agg_kernel(u1, src3, dst3)
    u2 = _mid(p1, u1, dis_col, b1.reshape(1, D), W2)
    p2 = _agg_kernel(u2, src3, dst3)
    return _final(p2, u2, dis_col, b2.reshape(1, D))

# --- scband reference (transcript-rebuilt; emitter-appended) ---
"""Pipeline reference for scband-gcn-86990267613312 (READ-ONLY COPY).

The authoritative reference and input builder live on the scoring server;
editing this copy changes nothing except your own understanding.
"""

import jax, jax.numpy as jnp
import numpy as np

N_NODES = 10000
D_IN = 128
D_OUT = 128


def gcn_conv(x, edge_index, W, b, num_nodes):
    # GCNConv: add self-loops, symmetric normalization D^-1/2 (A+I) D^-1/2 X W + b
    src = edge_index[0]
    dst = edge_index[1]
    loop = jnp.arange(num_nodes, dtype=edge_index.dtype)
    src = jnp.concatenate([src, loop], axis=0)
    dst = jnp.concatenate([dst, loop], axis=0)
    ones = jnp.ones(src.shape[0], dtype=x.dtype)
    deg = jnp.zeros((num_nodes,), dtype=x.dtype).at[dst].add(ones)
    deg_inv_sqrt = jnp.where(deg > 0, 1.0 / jnp.sqrt(deg), 0.0)
    norm = deg_inv_sqrt[src] * deg_inv_sqrt[dst]
    h = x @ W
    msg = h[src] * norm[:, None]
    out = jnp.zeros((num_nodes, h.shape[1]), dtype=x.dtype).at[dst].add(msg)
    return out + b


def setup_inputs(seed: int = 0) -> dict:
    key = jax.random.key(seed)
    k1, k2, k3, k4 = jax.random.split(key, 4)
    node_fts = jax.random.normal(k1, (N_NODES, D_IN), dtype=jnp.float32)
    edge_index = jax.random.randint(k2, (2, 320000), 0, N_NODES, dtype=jnp.int64)
    W1 = jax.random.normal(k3, (D_IN, D_OUT), dtype=jnp.float32) * (1.0 / np.sqrt(D_IN))
    b1 = jnp.zeros((D_OUT,), dtype=jnp.float32)
    W2 = jax.random.normal(k4, (D_OUT, D_OUT), dtype=jnp.float32) * (1.0 / np.sqrt(D_OUT))
    b2 = jnp.zeros((D_OUT,), dtype=jnp.float32)
    return {"node_fts": node_fts, "edge_index": edge_index, "W1": W1, "b1": b1, "W2": W2, "b2": b2}


def reference(node_fts, edge_index, W1, b1, W2, b2):
    num_nodes = node_fts.shape[0]
    x = gcn_conv(node_fts, edge_index, W1, b1, num_nodes)
    x = jax.nn.relu(x)
    x = gcn_conv(x, edge_index, W2, b2, num_nodes)
    x = jax.nn.relu(x)
    return x

if __name__ == "__main__":
    import jax
    _d = setup_inputs()
    print(jax.jit(kernel)(*tuple(_d.values())))

</pallas_src>

<mosaic_0001>
#map = affine_map<(d0, d1) -> (0, 0)>
#map1 = affine_map<(d0, d1) -> (0, 0, 0)>
module attributes {stable_mosaic.version = 14 : i64} {
  func.func @_agg_kernel(%arg0: i32, %arg1: i32, %arg2: memref<10000x128xf32, #tpu.memory_space<hbm>>, %arg3: memref<32x125x80xi32, #tpu.memory_space<hbm>>, %arg4: memref<32x125x80xi32, #tpu.memory_space<hbm>>, %arg5: memref<2x10000x128xf32, #tpu.memory_space<hbm>>, %arg6: memref<10000x128xf32, #tpu.memory_space<vmem_shared>>, %arg7: memref<125x80xi32, #tpu.memory_space<vmem>>, %arg8: memref<125x80xi32, #tpu.memory_space<vmem>>, %arg9: memref<80x128xf32, #tpu.memory_space<vmem>>, %arg10: memref<80x128xf32, #tpu.memory_space<vmem>>, %arg11: memref<80x128xf32, #tpu.memory_space<vmem>>, %arg12: memref<!tpu.dma_semaphore, #tpu.memory_space<semaphore_mem>>, %arg13: memref<!tpu.dma_semaphore, #tpu.memory_space<semaphore_mem>>, %arg14: memref<!tpu.dma_semaphore, #tpu.memory_space<semaphore_mem>>, %arg15: memref<!tpu.dma_semaphore, #tpu.memory_space<semaphore_mem>>, %arg16: memref<!tpu.dma_semaphore, #tpu.memory_space<semaphore_mem>>, %arg17: memref<!tpu.dma_semaphore, #tpu.memory_space<semaphore_mem>>) attributes {dimension_semantics = [#tpu.dimension_semantics<core_parallel>, #tpu.dimension_semantics<subcore_parallel>], iteration_bounds = array<i64: 2, 16>, scalar_prefetch = 0 : i64, scratch_operands = 12 : i64, tpu.core_type = #tpu.core_type<sc_vector_subcore>, window_params = [{transform_indices = #map}, {transform_indices = #map1}, {transform_indices = #map1}, {transform_indices = #map1}]} {
    %mul3A = arith.constant 16 : i32
    %mul3A_0 = arith.muli %arg0, %mul3A : i32
    %add3A = arith.addi %mul3A_0, %arg1 : i32
    "tpu.region"() ({
      %run_scoped3A = tpu.sem_alloc : memref<!tpu.dma_semaphore, #tpu.memory_space<semaphore_mem>>
      %dma_start3A_245 = arith.constant 0 : i32
      %dma_start3A_246 = arith.constant 0 : i32
      %dma_start3A_247 = tpu.memref_slice %arg3[%add3A, %dma_start3A_245, %dma_start3A_246] : memref<32x125x80xi32, #tpu.memory_space<hbm>> -> memref<1x125x80xi32, #tpu.memory_space<hbm>>
      %dma_start3A_248 = tpu.memref_squeeze %dma_start3A_247 : memref<1x125x80xi32, #tpu.memory_space<hbm>> -> memref<125x80xi32, #tpu.memory_space<hbm>>
      %dma_start3A_249 = arith.constant 0 : i32
      %dma_start3A_250 = arith.constant 0 : i32
      %dma_start3A_251 = tpu.memref_slice %arg3[%add3A, %dma_start3A_249, %dma_start3A_250] : memref<32x125x80xi32, #tpu.memory_space<hbm>> -> memref<1x125x80xi32, #tpu.memory_space<hbm>>
      %dma_start3A_252 = tpu.memref_squeeze %dma_start3A_251 : memref<1x125x80xi32, #tpu.memory_space<hbm>> -> memref<125x80xi32, #tpu.memory_space<hbm>>
      tpu.enqueue_dma source(%dma_start3A_252 : memref<125x80xi32, #tpu.memory_space<hbm>>) target(%arg7 : memref<125x80xi32, #tpu.memory_space<vmem>>) target_semaphore(%run_scoped3A : memref<!tpu.dma_semaphore, #tpu.memory_space<semaphore_mem>>)
      %dma_wait3A_253 = arith.constant 0 : i32
      %dma_wait3A_254 = arith.constant 0 : i32
      %dma_wait3A_255 = tpu.memref_slice %arg3[%add3A, %dma_wait3A_253, %dma_wait3A_254] : memref<32x125x80xi32, #tpu.memory_space<hbm>> -> memref<1x125x80xi32, #tpu.memory_space<hbm>>
      %dma_wait3A_256 = tpu.memref_squeeze %dma_wait3A_255 : memref<1x125x80xi32, #tpu.memory_space<hbm>> -> memref<125x80xi32, #tpu.memory_space<hbm>>
      %dma_wait3A_257 = arith.constant 0 : i32
      %dma_wait3A_258 = arith.constant 0 : i32
      %dma_wait3A_259 = tpu.memref_slice %arg3[%add3A, %dma_wait3A_257, %dma_wait3A_258] : memref<32x125x80xi32, #tpu.memory_space<hbm>> -> memref<1x125x80xi32, #tpu.memory_space<hbm>>
      %dma_wait3A_260 = tpu.memref_squeeze %dma_wait3A_259 : memref<1x125x80xi32, #tpu.memory_space<hbm>> -> memref<125x80xi32, #tpu.memory_space<hbm>>
      tpu.wait_dma2 semaphore(%run_scoped3A : memref<!tpu.dma_semaphore, #tpu.memory_space<semaphore_mem>>) src(%dma_wait3A_260 : memref<125x80xi32, #tpu.memory_space<hbm>>) dst(%arg7 : memref<125x80xi32, #tpu.memory_space<vmem>>)
      tpu.yield
    }) : () -> ()
    "tpu.region"() ({
      %run_scoped3A = tpu.sem_alloc : memref<!tpu.dma_semaphore, #tpu.memory_space<semaphore_mem>>
      %dma_start3A_245 = arith.constant 0 : i32
      %dma_start3A_246 = arith.constant 0 : i32
      %dma_start3A_247 = tpu.memref_slice %arg4[%add3A, %dma_start3A_245, %dma_start3A_246] : memref<32x125x80xi32, #tpu.memory_space<hbm>> -> memref<1x125x80xi32, #tpu.memory_space<hbm>>
      %dma_start3A_248 = tpu.memref_squeeze %dma_start3A_247 : memref<1x125x80xi32, #tpu.memory_space<hbm>> -> memref<125x80xi32, #tpu.memory_space<hbm>>
      %dma_start3A_249 = arith.constant 0 : i32
      %dma_start3A_250 = arith.constant 0 : i32
      %dma_start3A_251 = tpu.memref_slice %arg4[%add3A, %dma_start3A_249, %dma_start3A_250] : memref<32x125x80xi32, #tpu.memory_space<hbm>> -> memref<1x125x80xi32, #tpu.memory_space<hbm>>
      %dma_start3A_252 = tpu.memref_squeeze %dma_start3A_251 : memref<1x125x80xi32, #tpu.memory_space<hbm>> -> memref<125x80xi32, #tpu.memory_space<hbm>>
      tpu.enqueue_dma source(%dma_start3A_252 : memref<125x80xi32, #tpu.memory_space<hbm>>) target(%arg8 : memref<125x80xi32, #tpu.memory_space<vmem>>) target_semaphore(%run_scoped3A : memref<!tpu.dma_semaphore, #tpu.memory_space<semaphore_mem>>)
      %dma_wait3A_253 = arith.constant 0 : i32
      %dma_wait3A_254 = arith.constant 0 : i32
      %dma_wait3A_255 = tpu.memref_slice %arg4[%add3A, %dma_wait3A_253, %dma_wait3A_254] : memref<32x125x80xi32, #tpu.memory_space<hbm>> -> memref<1x125x80xi32, #tpu.memory_space<hbm>>
      %dma_wait3A_256 = tpu.memref_squeeze %dma_wait3A_255 : memref<1x125x80xi32, #tpu.memory_space<hbm>> -> memref<125x80xi32, #tpu.memory_space<hbm>>
      %dma_wait3A_257 = arith.constant 0 : i32
      %dma_wait3A_258 = arith.constant 0 : i32
      %dma_wait3A_259 = tpu.memref_slice %arg4[%add3A, %dma_wait3A_257, %dma_wait3A_258] : memref<32x125x80xi32, #tpu.memory_space<hbm>> -> memref<1x125x80xi32, #tpu.memory_space<hbm>>
      %dma_wait3A_260 = tpu.memref_squeeze %dma_wait3A_259 : memref<1x125x80xi32, #tpu.memory_space<hbm>> -> memref<125x80xi32, #tpu.memory_space<hbm>>
      tpu.wait_dma2 semaphore(%run_scoped3A : memref<!tpu.dma_semaphore, #tpu.memory_space<semaphore_mem>>) src(%dma_wait3A_260 : memref<125x80xi32, #tpu.memory_space<hbm>>) dst(%arg8 : memref<125x80xi32, #tpu.memory_space<vmem>>)
      tpu.yield
    }) : () -> ()
    %lt3A = arith.constant 15 : i32
    %lt3A_1 = arith.cmpi slt, %arg1, %lt3A : i32
    %convert_element_type3A = arith.extui %lt3A_1 : i1 to i32
    %cond3A = arith.constant 0 : i32
    %cond3A_2 = arith.cmpi ne, %convert_element_type3A, %cond3A : i32
    scf.if %cond3A_2 {
      %mul3A_245 = arith.constant 640 : i32
      %mul3A_246 = arith.muli %arg1, %mul3A_245 : i32
      %mul3A_247 = arith.constant 640 : i32
      %mul3A_248 = arith.muli %arg1, %mul3A_247 : i32
      "tpu.region"() ({
        %run_scoped3A = tpu.sem_alloc : memref<!tpu.dma_semaphore, #tpu.memory_space<semaphore_mem>>
        %dma_start3A_249 = arith.constant 0 : i32
        %dma_start3A_250 = tpu.memref_slice %arg6[%mul3A_248, %dma_start3A_249] : memref<10000x128xf32, #tpu.memory_space<vmem_shared>> -> memref<640x128xf32, #tpu.memory_space<vmem_shared>>
        %dma_start3A_251 = arith.constant 0 : i32
        %dma_start3A_252 = tpu.memref_slice %arg2[%mul3A_246, %dma_start3A_251] : memref<10000x128xf32, #tpu.memory_space<hbm>> -> memref<640x128xf32, #tpu.memory_space<hbm>>
        tpu.enqueue_dma source(%dma_start3A_252 : memref<640x128xf32, #tpu.memory_space<hbm>>) target(%dma_start3A_250 : memref<640x128xf32, #tpu.memory_space<vmem_shared>>) target_semaphore(%run_scoped3A : memref<!tpu.dma_semaphore, #tpu.memory_space<semaphore_mem>>)
        %dma_wait3A_253 = arith.constant 0 : i32
        %dma_wait3A_254 = tpu.memref_slice %arg6[%mul3A_248, %dma_wait3A_253] : memref<10000x128xf32, #tpu.memory_space<vmem_shared>> -> memref<640x128xf32, #tpu.memory_space<vmem_shared>>
        %dma_wait3A_255 = arith.constant 0 : i32
        %dma_wait3A_256 = tpu.memref_slice %arg2[%mul3A_246, %dma_wait3A_255] : memref<10000x128xf32, #tpu.memory_space<hbm>> -> memref<640x128xf32, #tpu.memory_space<hbm>>
        tpu.wait_dma2 semaphore(%run_scoped3A : memref<!tpu.dma_semaphore, #tpu.memory_space<semaphore_mem>>) src(%dma_wait3A_256 : memref<640x128xf32, #tpu.memory_space<hbm>>) dst(%dma_wait3A_254 : memref<640x128xf32, #tpu.memory_space<vmem_shared>>)
        tpu.yield
      }) : () -> ()
    } else {
    }
    %eq3A = arith.constant 15 : i32
    %eq3A_3 = arith.cmpi eq, %arg1, %eq3A : i32
    %convert_element_type3A_4 = arith.extui %eq3A_3 : i1 to i32
    %cond3A_5 = arith.constant 0 : i32
    %cond3A_6 = arith.cmpi ne, %convert_element_type3A_4, %cond3A_5 : i32
    scf.if %cond3A_6 {
      %mul3A_245 = arith.constant 640 : i32
      %mul3A_246 = arith.muli %arg1, %mul3A_245 : i32
      %mul3A_247 = arith.constant 640 : i32
      %mul3A_248 = arith.muli %arg1, %mul3A_247 : i32
      "tpu.region"() ({
        %run_scoped3A = tpu.sem_alloc : memref<!tpu.dma_semaphore, #tpu.memory_space<semaphore_mem>>
        %dma_start3A_249 = arith.constant 0 : i32
        %dma_start3A_250 = tpu.memref_slice %arg6[%mul3A_248, %dma_start3A_249] : memref<10000x128xf32, #tpu.memory_space<vmem_shared>> -> memref<400x128xf32, #tpu.memory_space<vmem_shared>>
        %dma_start3A_251 = arith.constant 0 : i32
        %dma_start3A_252 = tpu.memref_slice %arg2[%mul3A_246, %dma_start3A_251] : memref<10000x128xf32, #tpu.memory_space<hbm>> -> memref<400x128xf32, #tpu.memory_space<hbm>>
        tpu.enqueue_dma source(%dma_start3A_252 : memref<400x128xf32, #tpu.memory_space<hbm>>) target(%dma_start3A_250 : memref<400x128xf32, #tpu.memory_space<vmem_shared>>) target_semaphore(%run_scoped3A : memref<!tpu.dma_semaphore, #tpu.memory_space<semaphore_mem>>)
        %dma_wait3A_253 = arith.constant 0 : i32
        %dma_wait3A_254 = tpu.memref_slice %arg6[%mul3A_248, %dma_wait3A_253] : memref<10000x128xf32, #tpu.memory_space<vmem_shared>> -> memref<400x128xf32, #tpu.memory_space<vmem_shared>>
        %dma_wait3A_255 = arith.constant 0 : i32
        %dma_wait3A_256 = tpu.memref_slice %arg2[%mul3A_246, %dma_wait3A_255] : memref<10000x128xf32, #tpu.memory_space<hbm>> -> memref<400x128xf32, #tpu.memory_space<hbm>>
        tpu.wait_dma2 semaphore(%run_scoped3A : memref<!tpu.dma_semaphore, #tpu.memory_space<semaphore_mem>>) src(%dma_wait3A_256 : memref<400x128xf32, #tpu.memory_space<hbm>>) dst(%dma_wait3A_254 : memref<400x128xf32, #tpu.memory_space<vmem_shared>>)
        tpu.yield
      }) : () -> ()
    } else {
    }
    %barrier3A = arith.constant 0 : index
    tpu.barrier barrier_id(%barrier3A)
    %dma_start3A = arith.constant 0 : i32
    %dma_start3A_7 = arith.constant 0 : i32
    %dma_start3A_8 = tpu.memref_slice %arg7[%dma_start3A, %dma_start3A_7] : memref<125x80xi32, #tpu.memory_space<vmem>> -> memref<1x80xi32, #tpu.memory_space<vmem>>
    %dma_start3A_9 = tpu.memref_squeeze %dma_start3A_8 : memref<1x80xi32, #tpu.memory_space<vmem>> -> memref<80xi32, #tpu.memory_space<vmem>>
    %dma_start3A_10 = arith.constant 0 : i32
    %dma_start3A_11 = arith.constant 0 : i32
    %dma_start3A_12 = tpu.memref_slice %arg2[%dma_start3A_10, %dma_start3A_11] : memref<10000x128xf32, #tpu.memory_space<hbm>> -> memref<10000x128xf32, #tpu.memory_space<hbm>>
    tpu.enqueue_indirect_dma source(%dma_start3A_12 : memref<10000x128xf32, #tpu.memory_space<hbm>>) target(%arg9 : memref<80x128xf32, #tpu.memory_space<vmem>>) offsets(%dma_start3A_9 : memref<80xi32, #tpu.memory_space<vmem>>) semaphore(%arg12 : memref<!tpu.dma_semaphore, #tpu.memory_space<semaphore_mem>>)
    %dma_start3A_13 = arith.constant 1 : i32
    %dma_start3A_14 = arith.constant 0 : i32
    %dma_start3A_15 = tpu.memref_slice %arg7[%dma_start3A_13, %dma_start3A_14] : memref<125x80xi32, #tpu.memory_space<vmem>> -> memref<1x80xi32, #tpu.memory_space<vmem>>
    %dma_start3A_16 = tpu.memref_squeeze %dma_start3A_15 : memref<1x80xi32, #tpu.memory_space<vmem>> -> memref<80xi32, #tpu.memory_space<vmem>>
    %dma_start3A_17 = arith.constant 0 : i32
    %dma_start3A_18 = arith.constant 0 : i32
    %dma_start3A_19 = tpu.memref_slice %arg2[%dma_start3A_17, %dma_start3A_18] : memref<10000x128xf32, #tpu.memory_space<hbm>> -> memref<10000x128xf32, #tpu.memory_space<hbm>>
    tpu.enqueue_indirect_dma source(%dma_start3A_19 : memref<10000x128xf32, #tpu.memory_space<hbm>>) target(%arg10 : memref<80x128xf32, #tpu.memory_space<vmem>>) offsets(%dma_start3A_16 : memref<80xi32, #tpu.memory_space<vmem>>) semaphore(%arg13 : memref<!tpu.dma_semaphore, #tpu.memory_space<semaphore_mem>>)
    %dma_start3A_20 = arith.constant 2 : i32
    %dma_start3A_21 = arith.constant 0 : i32
    %dma_start3A_22 = tpu.memref_slice %arg7[%dma_start3A_20, %dma_start3A_21] : memref<125x80xi32, #tpu.memory_space<vmem>> -> memref<1x80xi32, #tpu.memory_space<vmem>>
    %dma_start3A_23 = tpu.memref_squeeze %dma_start3A_22 : memref<1x80xi32, #tpu.memory_space<vmem>> -> memref<80xi32, #tpu.memory_space<vmem>>
    %dma_start3A_24 = arith.constant 0 : i32
    %dma_start3A_25 = arith.constant 0 : i32
    %dma_start3A_26 = tpu.memref_slice %arg2[%dma_start3A_24, %dma_start3A_25] : memref<10000x128xf32, #tpu.memory_space<hbm>> -> memref<10000x128xf32, #tpu.memory_space<hbm>>
    tpu.enqueue_indirect_dma source(%dma_start3A_26 : memref<10000x128xf32, #tpu.memory_space<hbm>>) target(%arg11 : memref<80x128xf32, #tpu.memory_space<vmem>>) offsets(%dma_start3A_23 : memref<80xi32, #tpu.memory_space<vmem>>) semaphore(%arg14 : memref<!tpu.dma_semaphore, #tpu.memory_space<semaphore_mem>>)
    %dma_wait3A = arith.constant 0 : i32
    %dma_wait3A_27 = arith.constant 0 : i32
    %dma_wait3A_28 = tpu.memref_slice %arg7[%dma_wait3A, %dma_wait3A_27] : memref<125x80xi32, #tpu.memory_space<vmem>> -> memref<1x80xi32, #tpu.memory_space<vmem>>
    %dma_wait3A_29 = tpu.memref_squeeze %dma_wait3A_28 : memref<1x80xi32, #tpu.memory_space<vmem>> -> memref<80xi32, #tpu.memory_space<vmem>>
    %dma_wait3A_30 = arith.constant 0 : i32
    %dma_wait3A_31 = arith.constant 0 : i32
    %dma_wait3A_32 = tpu.memref_slice %arg2[%dma_wait3A_30, %dma_wait3A_31] : memref<10000x128xf32, #tpu.memory_space<hbm>> -> memref<10000x128xf32, #tpu.memory_space<hbm>>
    tpu.wait_indirect_dma semaphore(%arg12 : memref<!tpu.dma_semaphore, #tpu.memory_space<semaphore_mem>>) src(%dma_wait3A_32 : memref<10000x128xf32, #tpu.memory_space<hbm>>) dst(%arg9 : memref<80x128xf32, #tpu.memory_space<vmem>>)
    %dma_start3A_33 = arith.constant 0 : i32
    %dma_start3A_34 = arith.constant 0 : i32
    %dma_start3A_35 = tpu.memref_slice %arg8[%dma_start3A_33, %dma_start3A_34] : memref<125x80xi32, #tpu.memory_space<vmem>> -> memref<1x80xi32, #tpu.memory_space<vmem>>
    %dma_start3A_36 = tpu.memref_squeeze %dma_start3A_35 : memref<1x80xi32, #tpu.memory_space<vmem>> -> memref<80xi32, #tpu.memory_space<vmem>>
    %dma_start3A_37 = arith.constant 0 : i32
    %dma_start3A_38 = arith.constant 0 : i32
    %dma_start3A_39 = tpu.memref_slice %arg6[%dma_start3A_37, %dma_start3A_38] : memref<10000x128xf32, #tpu.memory_space<vmem_shared>> -> memref<10000x128xf32, #tpu.memory_space<vmem_shared>>
    tpu.enqueue_indirect_dma source(%arg9 : memref<80x128xf32, #tpu.memory_space<vmem>>) target(%dma_start3A_39 : memref<10000x128xf32, #tpu.memory_space<vmem_shared>>) offsets(%dma_start3A_36 : memref<80xi32, #tpu.memory_space<vmem>>) semaphore(%arg15 : memref<!tpu.dma_semaphore, #tpu.memory_space<semaphore_mem>>) {add = true}
    %dma_wait3A_40 = arith.constant 1 : i32
    %dma_wait3A_41 = arith.constant 0 : i32
    %dma_wait3A_42 = tpu.memref_slice %arg7[%dma_wait3A_40, %dma_wait3A_41] : memref<125x80xi32, #tpu.memory_space<vmem>> -> memref<1x80xi32, #tpu.memory_space<vmem>>
    %dma_wait3A_43 = tpu.memref_squeeze %dma_wait3A_42 : memref<1x80xi32, #tpu.memory_space<vmem>> -> memref<80xi32, #tpu.memory_space<vmem>>
    %dma_wait3A_44 = arith.constant 0 : i32
    %dma_wait3A_45 = arith.constant 0 : i32
    %dma_wait3A_46 = tpu.memref_slice %arg2[%dma_wait3A_44, %dma_wait3A_45] : memref<10000x128xf32, #tpu.memory_space<hbm>> -> memref<10000x128xf32, #tpu.memory_space<hbm>>
    tpu.wait_indirect_dma semaphore(%arg13 : memref<!tpu.dma_semaphore, #tpu.memory_space<semaphore_mem>>) src(%dma_wait3A_46 : memref<10000x128xf32, #tpu.memory_space<hbm>>) dst(%arg10 : memref<80x128xf32, #tpu.memory_space<vmem>>)
    %dma_start3A_47 = arith.constant 1 : i32
    %dma_start3A_48 = arith.constant 0 : i32
    %dma_start3A_49 = tpu.memref_slice %arg8[%dma_start3A_47, %dma_start3A_48] : memref<125x80xi32, #tpu.memory_space<vmem>> -> memref<1x80xi32, #tpu.memory_space<vmem>>
    %dma_start3A_50 = tpu.memref_squeeze %dma_start3A_49 : memref<1x80xi32, #tpu.memory_space<vmem>> -> memref<80xi32, #tpu.memory_space<vmem>>
    %dma_start3A_51 = arith.constant 0 : i32
    %dma_start3A_52 = arith.constant 0 : i32
    %dma_start3A_53 = tpu.memref_slice %arg6[%dma_start3A_51, %dma_start3A_52] : memref<10000x128xf32, #tpu.memory_space<vmem_shared>> -> memref<10000x128xf32, #tpu.memory_space<vmem_shared>>
    tpu.enqueue_indirect_dma source(%arg10 : memref<80x128xf32, #tpu.memory_space<vmem>>) target(%dma_start3A_53 : memref<10000x128xf32, #tpu.memory_space<vmem_shared>>) offsets(%dma_start3A_50 : memref<80xi32, #tpu.memory_space<vmem>>) semaphore(%arg16 : memref<!tpu.dma_semaphore, #tpu.memory_space<semaphore_mem>>) {add = true}
    %dma_wait3A_54 = arith.constant 0 : i32
    %dma_wait3A_55 = arith.constant 0 : i32
    %dma_wait3A_56 = tpu.memref_slice %arg8[%dma_wait3A_54, %dma_wait3A_55] : memref<125x80xi32, #tpu.memory_space<vmem>> -> memref<1x80xi32, #tpu.memory_space<vmem>>
    %dma_wait3A_57 = tpu.memref_squeeze %dma_wait3A_56 : memref<1x80xi32, #tpu.memory_space<vmem>> -> memref<80xi32, #tpu.memory_space<vmem>>
    %dma_wait3A_58 = arith.constant 0 : i32
    %dma_wait3A_59 = arith.constant 0 : i32
    %dma_wait3A_60 = tpu.memref_slice %arg6[%dma_wait3A_58, %dma_wait3A_59] : memref<10000x128xf32, #tpu.memory_space<vmem_shared>> -> memref<10000x128xf32, #tpu.memory_space<vmem_shared>>
    tpu.wait_indirect_dma semaphore(%arg15 : memref<!tpu.dma_semaphore, #tpu.memory_space<semaphore_mem>>) src(%arg9 : memref<80x128xf32, #tpu.memory_space<vmem>>) dst(%dma_wait3A_60 : memref<10000x128xf32, #tpu.memory_space<vmem_shared>>)
    %dma_start3A_61 = arith.constant 3 : i32
    %dma_start3A_62 = arith.constant 0 : i32
    %dma_start3A_63 = tpu.memref_slice %arg7[%dma_start3A_61, %dma_start3A_62] : memref<125x80xi32, #tpu.memory_space<vmem>> -> memref<1x80xi32, #tpu.memory_space<vmem>>
    %dma_start3A_64 = tpu.memref_squeeze %dma_start3A_63 : memref<1x80xi32, #tpu.memory_space<vmem>> -> memref<80xi32, #tpu.memory_space<vmem>>
    %dma_start3A_65 = arith.constant 0 : i32
    %dma_start3A_66 = arith.constant 0 : i32
    %dma_start3A_67 = tpu.memref_slice %arg2[%dma_start3A_65, %dma_start3A_66] : memref<10000x128xf32, #tpu.memory_space<hbm>> -> memref<10000x128xf32, #tpu.memory_space<hbm>>
    tpu.enqueue_indirect_dma source(%dma_start3A_67 : memref<10000x128xf32, #tpu.memory_space<hbm>>) target(%arg9 : memref<80x128xf32, #tpu.memory_space<vmem>>) offsets(%dma_start3A_64 : memref<80xi32, #tpu.memory_space<vmem>>) semaphore(%arg12 : memref<!tpu.dma_semaphore, #tpu.memory_space<semaphore_mem>>)
    %dma_wait3A_68 = arith.constant 2 : i32
    %dma_wait3A_69 = arith.constant 0 : i32
    %dma_wait3A_70 = tpu.memref_slice %arg7[%dma_wait3A_68, %dma_wait3A_69] : memref<125x80xi32, #tpu.memory_space<vmem>> -> memref<1x80xi32, #tpu.memory_space<vmem>>
    %dma_wait3A_71 = tpu.memref_squeeze %dma_wait3A_70 : memref<1x80xi32, #tpu.memory_space<vmem>> -> memref<80xi32, #tpu.memory_space<vmem>>
    %dma_wait3A_72 = arith.constant 0 : i32
    %dma_wait3A_73 = arith.constant 0 : i32
    %dma_wait3A_74 = tpu.memref_slice %arg2[%dma_wait3A_72, %dma_wait3A_73] : memref<10000x128xf32, #tpu.memory_space<hbm>> -> memref<10000x128xf32, #tpu.memory_space<hbm>>
    tpu.wait_indirect_dma semaphore(%arg14 : memref<!tpu.dma_semaphore, #tpu.memory_space<semaphore_mem>>) src(%dma_wait3A_74 : memref<10000x128xf32, #tpu.memory_space<hbm>>) dst(%arg11 : memref<80x128xf32, #tpu.memory_space<vmem>>)
    %dma_start3A_75 = arith.constant 2 : i32
    %dma_start3A_76 = arith.constant 0 : i32
    %dma_start3A_77 = tpu.memref_slice %arg8[%dma_start3A_75, %dma_start3A_76] : memref<125x80xi32, #tpu.memory_space<vmem>> -> memref<1x80xi32, #tpu.memory_space<vmem>>
    %dma_start3A_78 = tpu.memref_squeeze %dma_start3A_77 : memref<1x80xi32, #tpu.memory_space<vmem>> -> memref<80xi32, #tpu.memory_space<vmem>>
    %dma_start3A_79 = arith.constant 0 : i32
    %dma_start3A_80 = arith.constant 0 : i32
    %dma_start3A_81 = tpu.memref_slice %arg6[%dma_start3A_79, %dma_start3A_80] : memref<10000x128xf32, #tpu.memory_space<vmem_shared>> -> memref<10000x128xf32, #tpu.memory_space<vmem_shared>>
    tpu.enqueue_indirect_dma source(%arg11 : memref<80x128xf32, #tpu.memory_space<vmem>>) target(%dma_start3A_81 : memref<10000x128xf32, #tpu.memory_space<vmem_shared>>) offsets(%dma_start3A_78 : memref<80xi32, #tpu.memory_space<vmem>>) semaphore(%arg17 : memref<!tpu.dma_semaphore, #tpu.memory_space<semaphore_mem>>) {add = true}
    %scan3A = arith.constant 0 : i32
    %scan3A_82 = arith.constant 1 : i32
    %scan3A_83 = arith.constant 39 : i32
    %scan3A_84 = arith.addi %scan3A_82, %scan3A_83 : i32
    %scan3A_85 = arith.constant 1 : i32
    scf.for %scan3A_245 = %scan3A_82 to %scan3A_84 step %scan3A_85  : i32 {
      %mul3A_246 = arith.constant 3 : i32
      %mul3A_247 = arith.muli %scan3A_245, %mul3A_246 : i32
      %add3A_248 = arith.constant 0 : i32
      %add3A_249 = arith.addi %mul3A_247, %add3A_248 : i32
      %sub3A = arith.constant 2 : i32
      %sub3A_250 = arith.subi %add3A_249, %sub3A : i32
      %dma_wait3A_251 = arith.constant 0 : i32
      %dma_wait3A_252 = tpu.memref_slice %arg8[%sub3A_250, %dma_wait3A_251] : memref<125x80xi32, #tpu.memory_space<vmem>> -> memref<1x80xi32, #tpu.memory_space<vmem>>
      %dma_wait3A_253 = tpu.memref_squeeze %dma_wait3A_252 : memref<1x80xi32, #tpu.memory_space<vmem>> -> memref<80xi32, #tpu.memory_space<vmem>>
      %dma_wait3A_254 = arith.constant 0 : i32
      %dma_wait3A_255 = arith.constant 0 : i32
      %dma_wait3A_256 = tpu.memref_slice %arg6[%dma_wait3A_254, %dma_wait3A_255] : memref<10000x128xf32, #tpu.memory_space<vmem_shared>> -> memref<10000x128xf32, #tpu.memory_space<vmem_shared>>
      tpu.wait_indirect_dma semaphore(%arg16 : memref<!tpu.dma_semaphore, #tpu.memory_space<semaphore_mem>>) src(%arg10 : memref<80x128xf32, #tpu.memory_space<vmem>>) dst(%dma_wait3A_256 : memref<10000x128xf32, #tpu.memory_space<vmem_shared>>)
      %sub3A_257 = arith.constant 2 : i32
      %sub3A_258 = arith.subi %add3A_249, %sub3A_257 : i32
      %add3A_259 = arith.constant 3 : i32
      %add3A_260 = arith.addi %sub3A_258, %add3A_259 : i32
      %dma_start3A_261 = arith.constant 0 : i32
      %dma_start3A_262 = tpu.memref_slice %arg7[%add3A_260, %dma_start3A_261] : memref<125x80xi32, #tpu.memory_space<vmem>> -> memref<1x80xi32, #tpu.memory_space<vmem>>
      %dma_start3A_263 = tpu.memref_squeeze %dma_start3A_262 : memref<1x80xi32, #tpu.memory_space<vmem>> -> memref<80xi32, #tpu.memory_space<vmem>>
      %dma_start3A_264 = arith.constant 0 : i32
      %dma_start3A_265 = arith.constant 0 : i32
      %dma_start3A_266 = tpu.memref_slice %arg2[%dma_start3A_264, %dma_start3A_265] : memref<10000x128xf32, #tpu.memory_space<hbm>> -> memref<10000x128xf32, #tpu.memory_space<hbm>>
      tpu.enqueue_indirect_dma source(%dma_start3A_266 : memref<10000x128xf32, #tpu.memory_space<hbm>>) target(%arg10 : memref<80x128xf32, #tpu.memory_space<vmem>>) offsets(%dma_start3A_263 : memref<80xi32, #tpu.memory_space<vmem>>) semaphore(%arg13 : memref<!tpu.dma_semaphore, #tpu.memory_space<semaphore_mem>>)
      %dma_wait3A_267 = arith.constant 0 : i32
      %dma_wait3A_268 = tpu.memref_slice %arg7[%add3A_249, %dma_wait3A_267] : memref<125x80xi32, #tpu.memory_space<vmem>> -> memref<1x80xi32, #tpu.memory_space<vmem>>
      %dma_wait3A_269 = tpu.memref_squeeze %dma_wait3A_268 : memref<1x80xi32, #tpu.memory_space<vmem>> -> memref<80xi32, #tpu.memory_space<vmem>>
      %dma_wait3A_270 = arith.constant 0 : i32
      %dma_wait3A_271 = arith.constant 0 : i32
      %dma_wait3A_272 = tpu.memref_slice %arg2[%dma_wait3A_270, %dma_wait3A_271] : memref<10000x128xf32, #tpu.memory_space<hbm>> -> memref<10000x128xf32, #tpu.memory_space<hbm>>
      tpu.wait_indirect_dma semaphore(%arg12 : memref<!tpu.dma_semaphore, #tpu.memory_space<semaphore_mem>>) src(%dma_wait3A_272 : memref<10000x128xf32, #tpu.memory_space<hbm>>) dst(%arg9 : memref<80x128xf32, #tpu.memory_space<vmem>>)
      %dma_start3A_273 = arith.constant 0 : i32
      %dma_start3A_274 = tpu.memref_slice %arg8[%add3A_249, %dma_start3A_273] : memref<125x80xi32, #tpu.memory_space<vmem>> -> memref<1x80xi32, #tpu.memory_space<vmem>>
      %dma_start3A_275 = tpu.memref_squeeze %dma_start3A_274 : memref<1x80xi32, #tpu.memory_space<vmem>> -> memref<80xi32, #tpu.memory_space<vmem>>
      %dma_start3A_276 = arith.constant 0 : i32
      %dma_start3A_277 = arith.constant 0 : i32
      %dma_start3A_278 = tpu.memref_slice %arg6[%dma_start3A_276, %dma_start3A_277] : memref<10000x128xf32, #tpu.memory_space<vmem_shared>> -> memref<10000x128xf32, #tpu.memory_space<vmem_shared>>
      tpu.enqueue_indirect_dma source(%arg9 : memref<80x128xf32, #tpu.memory_space<vmem>>) target(%dma_start3A_278 : memref<10000x128xf32, #tpu.memory_space<vmem_shared>>) offsets(%dma_start3A_275 : memref<80xi32, #tpu.memory_space<vmem>>) semaphore(%arg15 : memref<!tpu.dma_semaphore, #tpu.memory_space<semaphore_mem>>) {add = true}
      %mul3A_279 = arith.constant 3 : i32
      %mul3A_280 = arith.muli %scan3A_245, %mul3A_279 : i32
      %add3A_281 = arith.constant 1 : i32
      %add3A_282 = arith.addi %mul3A_280, %add3A_281 : i32
      %sub3A_283 = arith.constant 2 : i32
      %sub3A_284 = arith.subi %add3A_282, %sub3A_283 : i32
      %dma_wait3A_285 = arith.constant 0 : i32
      %dma_wait3A_286 = tpu.memref_slice %arg8[%sub3A_284, %dma_wait3A_285] : memref<125x80xi32, #tpu.memory_space<vmem>> -> memref<1x80xi32, #tpu.memory_space<vmem>>
      %dma_wait3A_287 = tpu.memref_squeeze %dma_wait3A_286 : memref<1x80xi32, #tpu.memory_space<vmem>> -> memref<80xi32, #tpu.memory_space<vmem>>
      %dma_wait3A_288 = arith.constant 0 : i32
      %dma_wait3A_289 = arith.constant 0 : i32
      %dma_wait3A_290 = tpu.memref_slice %arg6[%dma_wait3A_288, %dma_wait3A_289] : memref<10000x128xf32, #tpu.memory_space<vmem_shared>> -> memref<10000x128xf32, #tpu.memory_space<vmem_shared>>
      tpu.wait_indirect_dma semaphore(%arg17 : memref<!tpu.dma_semaphore, #tpu.memory_space<semaphore_mem>>) src(%arg11 : memref<80x128xf32, #tpu.memory_space<vmem>>) dst(%dma_wait3A_290 : memref<10000x128xf32, #tpu.memory_space<vmem_shared>>)
      %sub3A_291 = arith.constant 2 : i32
      %sub3A_292 = arith.subi %add3A_282, %sub3A_291 : i32
      %add3A_293 = arith.constant 3 : i32
      %add3A_294 = arith.addi %sub3A_292, %add3A_293 : i32
      %dma_start3A_295 = arith.constant 0 : i32
      %dma_start3A_296 = tpu.memref_slice %arg7[%add3A_294, %dma_start3A_295] : memref<125x80xi32, #tpu.memory_space<vmem>> -> memref<1x80xi32, #tpu.memory_space<vmem>>
      %dma_start3A_297 = tpu.memref_squeeze %dma_start3A_296 : memref<1x80xi32, #tpu.memory_space<vmem>> -> memref<80xi32, #tpu.memory_space<vmem>>
      %dma_start3A_298 = arith.constant 0 : i32
      %dma_start3A_299 = arith.constant 0 : i32
      %dma_start3A_300 = tpu.memref_slice %arg2[%dma_start3A_298, %dma_start3A_299] : memref<10000x128xf32, #tpu.memory_space<hbm>> -> memref<10000x128xf32, #tpu.memory_space<hbm>>
      tpu.enqueue_indirect_dma source(%dma_start3A_300 : memref<10000x128xf32, #tpu.memory_space<hbm>>) target(%arg11 : memref<80x128xf32, #tpu.memory_space<vmem>>) offsets(%dma_start3A_297 : memref<80xi32, #tpu.memory_space<vmem>>) semaphore(%arg14 : memref<!tpu.dma_semaphore, #tpu.memory_space<semaphore_mem>>)
      %dma_wait3A_301 = arith.constant 0 : i32
      %dma_wait3A_302 = tpu.memref_slice %arg7[%add3A_282, %dma_wait3A_301] : memref<125x80xi32, #tpu.memory_space<vmem>> -> memref<1x80xi32, #tpu.memory_space<vmem>>
      %dma_wait3A_303 = tpu.memref_squeeze %dma_wait3A_302 : memref<1x80xi32, #tpu.memory_space<vmem>> -> memref<80xi32, #tpu.memory_space<vmem>>
      %dma_wait3A_304 = arith.constant 0 : i32
      %dma_wait3A_305 = arith.constant 0 : i32
      %dma_wait3A_306 = tpu.memref_slice %arg2[%dma_wait3A_304, %dma_wait3A_305] : memref<10000x128xf32, #tpu.memory_space<hbm>> -> memref<10000x128xf32, #tpu.memory_space<hbm>>
      tpu.wait_indirect_dma semaphore(%arg13 : memref<!tpu.dma_semaphore, #tpu.memory_space<semaphore_mem>>) src(%dma_wait3A_306 : memref<10000x128xf32, #tpu.memory_space<hbm>>) dst(%arg10 : memref<80x128xf32, #tpu.memory_space<vmem>>)
      %dma_start3A_307 = arith.constant 0 : i32
      %dma_start3A_308 = tpu.memref_slice %arg8[%add3A_282, %dma_start3A_307] : memref<125x80xi32, #tpu.memory_space<vmem>> -> memref<1x80xi32, #tpu.memory_space<vmem>>
      %dma_start3A_309 = tpu.memref_squeeze %dma_start3A_308 : memref<1x80xi32, #tpu.memory_space<vmem>> -> memref<80xi32, #tpu.memory_space<vmem>>
      %dma_start3A_310 = arith.constant 0 : i32
      %dma_start3A_311 = arith.constant 0 : i32
      %dma_start3A_312 = tpu.memref_slice %arg6[%dma_start3A_310, %dma_start3A_311] : memref<10000x128xf32, #tpu.memory_space<vmem_shared>> -> memref<10000x128xf32, #tpu.memory_space<vmem_shared>>
      tpu.enqueue_indirect_dma source(%arg10 : memref<80x128xf32, #tpu.memory_space<vmem>>) target(%dma_start3A_312 : memref<10000x128xf32, #tpu.memory_space<vmem_shared>>) offsets(%dma_start3A_309 : memref<80xi32, #tpu.memory_space<vmem>>) semaphore(%arg16 : memref<!tpu.dma_semaphore, #tpu.memory_space<semaphore_mem>>) {add = true}
      %mul3A_313 = arith.constant 3 : i32
      %mul3A_314 = arith.muli %scan3A_245, %mul3A_313 : i32
      %add3A_315 = arith.constant 2 : i32
      %add3A_316 = arith.addi %mul3A_314, %add3A_315 : i32
      %sub3A_317 = arith.constant 2 : i32
      %sub3A_318 = arith.subi %add3A_316, %sub3A_317 : i32
      %dma_wait3A_319 = arith.constant 0 : i32
      %dma_wait3A_320 = tpu.memref_slice %arg8[%sub3A_318, %dma_wait3A_319] : memref<125x80xi32, #tpu.memory_space<vmem>> -> memref<1x80xi32, #tpu.memory_space<vmem>>
      %dma_wait3A_321 = tpu.memref_squeeze %dma_wait3A_320 : memref<1x80xi32, #tpu.memory_space<vmem>> -> memref<80xi32, #tpu.memory_space<vmem>>
      %dma_wait3A_322 = arith.constant 0 : i32
      %dma_wait3A_323 = arith.constant 0 : i32
      %dma_wait3A_324 = tpu.memref_slice %arg6[%dma_wait3A_322, %dma_wait3A_323] : memref<10000x128xf32, #tpu.memory_space<vmem_shared>> -> memref<10000x128xf32, #tpu.memory_space<vmem_shared>>
      tpu.wait_indirect_dma semaphore(%arg15 : memref<!tpu.dma_semaphore, #tpu.memory_space<semaphore_mem>>) src(%arg9 : memref<80x128xf32, #tpu.memory_space<vmem>>) dst(%dma_wait3A_324 : memref<10000x128xf32, #tpu.memory_space<vmem_shared>>)
      %sub3A_325 = arith.constant 2 : i32
      %sub3A_326 = arith.subi %add3A_316, %sub3A_325 : i32
      %add3A_327 = arith.constant 3 : i32
      %add3A_328 = arith.addi %sub3A_326, %add3A_327 : i32
      %dma_start3A_329 = arith.constant 0 : i32
      %dma_start3A_330 = tpu.memref_slice %arg7[%add3A_328, %dma_start3A_329] : memref<125x80xi32, #tpu.memory_space<vmem>> -> memref<1x80xi32, #tpu.memory_space<vmem>>
      %dma_start3A_331 = tpu.memref_squeeze %dma_start3A_330 : memref<1x80xi32, #tpu.memory_space<vmem>> -> memref<80xi32, #tpu.memory_space<vmem>>
      %dma_start3A_332 = arith.constant 0 : i32
      %dma_start3A_333 = arith.constant 0 : i32
      %dma_start3A_334 = tpu.memref_slice %arg2[%dma_start3A_332, %dma_start3A_333] : memref<10000x128xf32, #tpu.memory_space<hbm>> -> memref<10000x128xf32, #tpu.memory_space<hbm>>
      tpu.enqueue_indirect_dma source(%dma_start3A_334 : memref<10000x128xf32, #tpu.memory_space<hbm>>) target(%arg9 : memref<80x128xf32, #tpu.memory_space<vmem>>) offsets(%dma_start3A_331 : memref<80xi32, #tpu.memory_space<vmem>>) semaphore(%arg12 : memref<!tpu.dma_semaphore, #tpu.memory_space<semaphore_mem>>)
      %dma_wait3A_335 = arith.constant 0 : i32
      %dma_wait3A_336 = tpu.memref_slice %arg7[%add3A_316, %dma_wait3A_335] : memref<125x80xi32, #tpu.memory_space<vmem>> -> memref<1x80xi32, #tpu.memory_space<vmem>>
      %dma_wait3A_337 = tpu.memref_squeeze %dma_wait3A_336 : memref<1x80xi32, #tpu.memory_space<vmem>> -> memref<80xi32, #tpu.memory_space<vmem>>
      %dma_wait3A_338 = arith.constant 0 : i32
      %dma_wait3A_339 = arith.constant 0 : i32
      %dma_wait3A_340 = tpu.memref_slice %arg2[%dma_wait3A_338, %dma_wait3A_339] : memref<10000x128xf32, #tpu.memory_space<hbm>> -> memref<10000x128xf32, #tpu.memory_space<hbm>>
      tpu.wait_indirect_dma semaphore(%arg14 : memref<!tpu.dma_semaphore, #tpu.memory_space<semaphore_mem>>) src(%dma_wait3A_340 : memref<10000x128xf32, #tpu.memory_space<hbm>>) dst(%arg11 : memref<80x128xf32, #tpu.memory_space<vmem>>)
      %dma_start3A_341 = arith.constant 0 : i32
      %dma_start3A_342 = tpu.memref_slice %arg8[%add3A_316, %dma_start3A_341] : memref<125x80xi32, #tpu.memory_space<vmem>> -> memref<1x80xi32, #tpu.memory_space<vmem>>
      %dma_start3A_343 = tpu.memref_squeeze %dma_start3A_342 : memref<1x80xi32, #tpu.memory_space<vmem>> -> memref<80xi32, #tpu.memory_space<vmem>>
      %dma_start3A_344 = arith.constant 0 : i32
      %dma_start3A_345 = arith.constant 0 : i32
      %dma_start3A_346 = tpu.memref_slice %arg6[%dma_start3A_344, %dma_start3A_345] : memref<10000x128xf32, #tpu.memory_space<vmem_shared>> -> memref<10000x128xf32, #tpu.memory_space<vmem_shared>>
      tpu.enqueue_indirect_dma source(%arg11 : memref<80x128xf32, #tpu.memory_space<vmem>>) target(%dma_start3A_346 : memref<10000x128xf32, #tpu.memory_space<vmem_shared>>) offsets(%dma_start3A_343 : memref<80xi32, #tpu.memory_space<vmem>>) semaphore(%arg17 : memref<!tpu.dma_semaphore, #tpu.memory_space<semaphore_mem>>) {add = true}
    }
    %scan3A_86 = arith.constant 39 : i32
    %dma_wait3A_87 = arith.constant 118 : i32
    %dma_wait3A_88 = arith.constant 0 : i32
    %dma_wait3A_89 = tpu.memref_slice %arg8[%dma_wait3A_87, %dma_wait3A_88] : memref<125x80xi32, #tpu.memory_space<vmem>> -> memref<1x80xi32, #tpu.memory_space<vmem>>
    %dma_wait3A_90 = tpu.memref_squeeze %dma_wait3A_89 : memref<1x80xi32, #tpu.memory_space<vmem>> -> memref<80xi32, #tpu.memory_space<vmem>>
    %dma_wait3A_91 = arith.constant 0 : i32
    %dma_wait3A_92 = arith.constant 0 : i32
    %dma_wait3A_93 = tpu.memref_slice %arg6[%dma_wait3A_91, %dma_wait3A_92] : memref<10000x128xf32, #tpu.memory_space<vmem_shared>> -> memref<10000x128xf32, #tpu.memory_space<vmem_shared>>
    tpu.wait_indirect_dma semaphore(%arg16 : memref<!tpu.dma_semaphore, #tpu.memory_space<semaphore_mem>>) src(%arg10 : memref<80x128xf32, #tpu.memory_space<vmem>>) dst(%dma_wait3A_93 : memref<10000x128xf32, #tpu.memory_space<vmem_shared>>)
    %dma_start3A_94 = arith.constant 121 : i32
    %dma_start3A_95 = arith.constant 0 : i32
    %dma_start3A_96 = tpu.memref_slice %arg7[%dma_start3A_94, %dma_start3A_95] : memref<125x80xi32, #tpu.memory_space<vmem>> -> memref<1x80xi32, #tpu.memory_space<vmem>>
    %dma_start3A_97 = tpu.memref_squeeze %dma_start3A_96 : memref<1x80xi32, #tpu.memory_space<vmem>> -> memref<80xi32, #tpu.memory_space<vmem>>
    %dma_start3A_98 = arith.constant 0 : i32
    %dma_start3A_99 = arith.constant 0 : i32
    %dma_start3A_100 = tpu.memref_slice %arg2[%dma_start3A_98, %dma_start3A_99] : memref<10000x128xf32, #tpu.memory_space<hbm>> -> memref<10000x128xf32, #tpu.memory_space<hbm>>
    tpu.enqueue_indirect_dma source(%dma_start3A_100 : memref<10000x128xf32, #tpu.memory_space<hbm>>) target(%arg10 : memref<80x128xf32, #tpu.memory_space<vmem>>) offsets(%dma_start3A_97 : memref<80xi32, #tpu.memory_space<vmem>>) semaphore(%arg13 : memref<!tpu.dma_semaphore, #tpu.memory_space<semaphore_mem>>)
    %dma_wait3A_101 = arith.constant 120 : i32
    %dma_wait3A_102 = arith.constant 0 : i32
    %dma_wait3A_103 = tpu.memref_slice %arg7[%dma_wait3A_101, %dma_wait3A_102] : memref<125x80xi32, #tpu.memory_space<vmem>> -> memref<1x80xi32, #tpu.memory_space<vmem>>
    %dma_wait3A_104 = tpu.memref_squeeze %dma_wait3A_103 : memref<1x80xi32, #tpu.memory_space<vmem>> -> memref<80xi32, #tpu.memory_space<vmem>>
    %dma_wait3A_105 = arith.constant 0 : i32
    %dma_wait3A_106 = arith.constant 0 : i32
    %dma_wait3A_107 = tpu.memref_slice %arg2[%dma_wait3A_105, %dma_wait3A_106] : memref<10000x128xf32, #tpu.memory_space<hbm>> -> memref<10000x128xf32, #tpu.memory_space<hbm>>
    tpu.wait_indirect_dma semaphore(%arg12 : memref<!tpu.dma_semaphore, #tpu.memory_space<semaphore_mem>>) src(%dma_wait3A_107 : memref<10000x128xf32, #tpu.memory_space<hbm>>) dst(%arg9 : memref<80x128xf32, #tpu.memory_space<vmem>>)
    %dma_start3A_108 = arith.constant 120 : i32
    %dma_start3A_109 = arith.constant 0 : i32
    %dma_start3A_110 = tpu.memref_slice %arg8[%dma_start3A_108, %dma_start3A_109] : memref<125x80xi32, #tpu.memory_space<vmem>> -> memref<1x80xi32, #tpu.memory_space<vmem>>
    %dma_start3A_111 = tpu.memref_squeeze %dma_start3A_110 : memref<1x80xi32, #tpu.memory_space<vmem>> -> memref<80xi32, #tpu.memory_space<vmem>>
    %dma_start3A_112 = arith.constant 0 : i32
    %dma_start3A_113 = arith.constant 0 : i32
    %dma_start3A_114 = tpu.memref_slice %arg6[%dma_start3A_112, %dma_start3A_113] : memref<10000x128xf32, #tpu.memory_space<vmem_shared>> -> memref<10000x128xf32, #tpu.memory_space<vmem_shared>>
    tpu.enqueue_indirect_dma source(%arg9 : memref<80x128xf32, #tpu.memory_space<vmem>>) target(%dma_start3A_114 : memref<10000x128xf32, #tpu.memory_space<vmem_shared>>) offsets(%dma_start3A_111 : memref<80xi32, #tpu.memory_space<vmem>>) semaphore(%arg15 : memref<!tpu.dma_semaphore, #tpu.memory_space<semaphore_mem>>) {add = true}
    %dma_wait3A_115 = arith.constant 119 : i32
    %dma_wait3A_116 = arith.constant 0 : i32
    %dma_wait3A_117 = tpu.memref_slice %arg8[%dma_wait3A_115, %dma_wait3A_116] : memref<125x80xi32, #tpu.memory_space<vmem>> -> memref<1x80xi32, #tpu.memory_space<vmem>>
    %dma_wait3A_118 = tpu.memref_squeeze %dma_wait3A_117 : memref<1x80xi32, #tpu.memory_space<vmem>> -> memref<80xi32, #tpu.memory_space<vmem>>
    %dma_wait3A_119 = arith.constant 0 : i32
    %dma_wait3A_120 = arith.constant 0 : i32
    %dma_wait3A_121 = tpu.memref_slice %arg6[%dma_wait3A_119, %dma_wait3A_120] : memref<10000x128xf32, #tpu.memory_space<vmem_shared>> -> memref<10000x128xf32, #tpu.memory_space<vmem_shared>>
    tpu.wait_indirect_dma semaphore(%arg17 : memref<!tpu.dma_semaphore, #tpu.memory_space<semaphore_mem>>) src(%arg11 : memref<80x128xf32, #tpu.memory_space<vmem>>) dst(%dma_wait3A_121 : memref<10000x128xf32, #tpu.memory_space<vmem_shared>>)
    %dma_start3A_122 = arith.constant 122 : i32
    %dma_start3A_123 = arith.constant 0 : i32
    %dma_start3A_124 = tpu.memref_slice %arg7[%dma_start3A_122, %dma_start3A_123] : memref<125x80xi32, #tpu.memory_space<vmem>> -> memref<1x80xi32, #tpu.memory_space<vmem>>
    %dma_start3A_125 = tpu.memref_squeeze %dma_start3A_124 : memref<1x80xi32, #tpu.memory_space<vmem>> -> memref<80xi32, #tpu.memory_space<vmem>>
    %dma_start3A_126 = arith.constant 0 : i32
    %dma_start3A_127 = arith.constant 0 : i32
    %dma_start3A_128 = tpu.memref_slice %arg2[%dma_start3A_126, %dma_start3A_127] : memref<10000x128xf32, #tpu.memory_space<hbm>> -> memref<10000x128xf32, #tpu.memory_space<hbm>>
    tpu.enqueue_indirect_dma source(%dma_start3A_128 : memref<10000x128xf32, #tpu.memory_space<hbm>>) target(%arg11 : memref<80x128xf32, #tpu.memory_space<vmem>>) offsets(%dma_start3A_125 : memref<80xi32, #tpu.memory_space<vmem>>) semaphore(%arg14 : memref<!tpu.dma_semaphore, #tpu.memory_space<semaphore_mem>>)
    %dma_wait3A_129 = arith.constant 121 : i32
    %dma_wait3A_130 = arith.constant 0 : i32
    %dma_wait3A_131 = tpu.memref_slice %arg7[%dma_wait3A_129, %dma_wait3A_130] : memref<125x80xi32, #tpu.memory_space<vmem>> -> memref<1x80xi32, #tpu.memory_space<vmem>>
    %dma_wait3A_132 = tpu.memref_squeeze %dma_wait3A_131 : memref<1x80xi32, #tpu.memory_space<vmem>> -> memref<80xi32, #tpu.memory_space<vmem>>
    %dma_wait3A_133 = arith.constant 0 : i32
    %dma_wait3A_134 = arith.constant 0 : i32
    %dma_wait3A_135 = tpu.memref_slice %arg2[%dma_wait3A_133, %dma_wait3A_134] : memref<10000x128xf32, #tpu.memory_space<hbm>> -> memref<10000x128xf32, #tpu.memory_space<hbm>>
    tpu.wait_indirect_dma semaphore(%arg13 : memref<!tpu.dma_semaphore, #tpu.memory_space<semaphore_mem>>) src(%dma_wait3A_135 : memref<10000x128xf32, #tpu.memory_space<hbm>>) dst(%arg10 : memref<80x128xf32, #tpu.memory_space<vmem>>)
    %dma_start3A_136 = arith.constant 121 : i32
    %dma_start3A_137 = arith.constant 0 : i32
    %dma_start3A_138 = tpu.memref_slice %arg8[%dma_start3A_136, %dma_start3A_137] : memref<125x80xi32, #tpu.memory_space<vmem>> -> memref<1x80xi32, #tpu.memory_space<vmem>>
    %dma_start3A_139 = tpu.memref_squeeze %dma_start3A_138 : memref<1x80xi32, #tpu.memory_space<vmem>> -> memref<80xi32, #tpu.memory_space<vmem>>
    %dma_start3A_140 = arith.constant 0 : i32
    %dma_start3A_141 = arith.constant 0 : i32
    %dma_start3A_142 = tpu.memref_slice %arg6[%dma_start3A_140, %dma_start3A_141] : memref<10000x128xf32, #tpu.memory_space<vmem_shared>> -> memref<10000x128xf32, #tpu.memory_space<vmem_shared>>
    tpu.enqueue_indirect_dma source(%arg10 : memref<80x128xf32, #tpu.memory_space<vmem>>) target(%dma_start3A_142 : memref<10000x128xf32, #tpu.memory_space<vmem_shared>>) offsets(%dma_start3A_139 : memref<80xi32, #tpu.memory_space<vmem>>) semaphore(%arg16 : memref<!tpu.dma_semaphore, #tpu.memory_space<semaphore_mem>>) {add = true}
    %dma_wait3A_143 = arith.constant 120 : i32
    %dma_wait3A_144 = arith.constant 0 : i32
    %dma_wait3A_145 = tpu.memref_slice %arg8[%dma_wait3A_143, %dma_wait3A_144] : memref<125x80xi32, #tpu.memory_space<vmem>> -> memref<1x80xi32, #tpu.memory_space<vmem>>
    %dma_wait3A_146 = tpu.memref_squeeze %dma_wait3A_145 : memref<1x80xi32, #tpu.memory_space<vmem>> -> memref<80xi32, #tpu.memory_space<vmem>>
    %dma_wait3A_147 = arith.constant 0 : i32
    %dma_wait3A_148 = arith.constant 0 : i32
    %dma_wait3A_149 = tpu.memref_slice %arg6[%dma_wait3A_147, %dma_wait3A_148] : memref<10000x128xf32, #tpu.memory_space<vmem_shared>> -> memref<10000x128xf32, #tpu.memory_space<vmem_shared>>
    tpu.wait_indirect_dma semaphore(%arg15 : memref<!tpu.dma_semaphore, #tpu.memory_space<semaphore_mem>>) src(%arg9 : memref<80x128xf32, #tpu.memory_space<vmem>>) dst(%dma_wait3A_149 : memref<10000x128xf32, #tpu.memory_space<vmem_shared>>)
    %dma_start3A_150 = arith.constant 123 : i32
    %dma_start3A_151 = arith.constant 0 : i32
    %dma_start3A_152 = tpu.memref_slice %arg7[%dma_start3A_150, %dma_start3A_151] : memref<125x80xi32, #tpu.memory_space<vmem>> -> memref<1x80xi32, #tpu.memory_space<vmem>>
    %dma_start3A_153 = tpu.memref_squeeze %dma_start3A_152 : memref<1x80xi32, #tpu.memory_space<vmem>> -> memref<80xi32, #tpu.memory_space<vmem>>
    %dma_start3A_154 = arith.constant 0 : i32
    %dma_start3A_155 = arith.constant 0 : i32
    %dma_start3A_156 = tpu.memref_slice %arg2[%dma_start3A_154, %dma_start3A_155] : memref<10000x128xf32, #tpu.memory_space<hbm>> -> memref<10000x128xf32, #tpu.memory_space<hbm>>
    tpu.enqueue_indirect_dma source(%dma_start3A_156 : memref<10000x128xf32, #tpu.memory_space<hbm>>) target(%arg9 : memref<80x128xf32, #tpu.memory_space<vmem>>) offsets(%dma_start3A_153 : memref<80xi32, #tpu.memory_space<vmem>>) semaphore(%arg12 : memref<!tpu.dma_semaphore, #tpu.memory_space<semaphore_mem>>)
    %dma_wait3A_157 = arith.constant 122 : i32
    %dma_wait3A_158 = arith.constant 0 : i32
    %dma_wait3A_159 = tpu.memref_slice %arg7[%dma_wait3A_157, %dma_wait3A_158] : memref<125x80xi32, #tpu.memory_space<vmem>> -> memref<1x80xi32, #tpu.memory_space<vmem>>
    %dma_wait3A_160 = tpu.memref_squeeze %dma_wait3A_159 : memref<1x80xi32, #tpu.memory_space<vmem>> -> memref<80xi32, #tpu.memory_space<vmem>>
    %dma_wait3A_161 = arith.constant 0 : i32
    %dma_wait3A_162 = arith.constant 0 : i32
    %dma_wait3A_163 = tpu.memref_slice %arg2[%dma_wait3A_161, %dma_wait3A_162] : memref<10000x128xf32, #tpu.memory_space<hbm>> -> memref<10000x128xf32, #tpu.memory_space<hbm>>
    tpu.wait_indirect_dma semaphore(%arg14 : memref<!tpu.dma_semaphore, #tpu.memory_space<semaphore_mem>>) src(%dma_wait3A_163 : memref<10000x128xf32, #tpu.memory_space<hbm>>) dst(%arg11 : memref<80x128xf32, #tpu.memory_space<vmem>>)
    %dma_start3A_164 = arith.constant 122 : i32
    %dma_start3A_165 = arith.constant 0 : i32
    %dma_start3A_166 = tpu.memref_slice %arg8[%dma_start3A_164, %dma_start3A_165] : memref<125x80xi32, #tpu.memory_space<vmem>> -> memref<1x80xi32, #tpu.memory_space<vmem>>
    %dma_start3A_167 = tpu.memref_squeeze %dma_start3A_166 : memref<1x80xi32, #tpu.memory_space<vmem>> -> memref<80xi32, #tpu.memory_space<vmem>>
    %dma_start3A_168 = arith.constant 0 : i32
    %dma_start3A_169 = arith.constant 0 : i32
    %dma_start3A_170 = tpu.memref_slice %arg6[%dma_start3A_168, %dma_start3A_169] : memref<10000x128xf32, #tpu.memory_space<vmem_shared>> -> memref<10000x128xf32, #tpu.memory_space<vmem_shared>>
    tpu.enqueue_indirect_dma source(%arg11 : memref<80x128xf32, #tpu.memory_space<vmem>>) target(%dma_start3A_170 : memref<10000x128xf32, #tpu.memory_space<vmem_shared>>) offsets(%dma_start3A_167 : memref<80xi32, #tpu.memory_space<vmem>>) semaphore(%arg17 : memref<!tpu.dma_semaphore, #tpu.memory_space<semaphore_mem>>) {add = true}
    %dma_wait3A_171 = arith.constant 121 : i32
    %dma_wait3A_172 = arith.constant 0 : i32
    %dma_wait3A_173 = tpu.memref_slice %arg8[%dma_wait3A_171, %dma_wait3A_172] : memref<125x80xi32, #tpu.memory_space<vmem>> -> memref<1x80xi32, #tpu.memory_space<vmem>>
    %dma_wait3A_174 = tpu.memref_squeeze %dma_wait3A_173 : memref<1x80xi32, #tpu.memory_space<vmem>> -> memref<80xi32, #tpu.memory_space<vmem>>
    %dma_wait3A_175 = arith.constant 0 : i32
    %dma_wait3A_176 = arith.constant 0 : i32
    %dma_wait3A_177 = tpu.memref_slice %arg6[%dma_wait3A_175, %dma_wait3A_176] : memref<10000x128xf32, #tpu.memory_space<vmem_shared>> -> memref<10000x128xf32, #tpu.memory_space<vmem_shared>>
    tpu.wait_indirect_dma semaphore(%arg16 : memref<!tpu.dma_semaphore, #tpu.memory_space<semaphore_mem>>) src(%arg10 : memref<80x128xf32, #tpu.memory_space<vmem>>) dst(%dma_wait3A_177 : memref<10000x128xf32, #tpu.memory_space<vmem_shared>>)
    %dma_start3A_178 = arith.constant 124 : i32
    %dma_start3A_179 = arith.constant 0 : i32
    %dma_start3A_180 = tpu.memref_slice %arg7[%dma_start3A_178, %dma_start3A_179] : memref<125x80xi32, #tpu.memory_space<vmem>> -> memref<1x80xi32, #tpu.memory_space<vmem>>
    %dma_start3A_181 = tpu.memref_squeeze %dma_start3A_180 : memref<1x80xi32, #tpu.memory_space<vmem>> -> memref<80xi32, #tpu.memory_space<vmem>>
    %dma_start3A_182 = arith.constant 0 : i32
    %dma_start3A_183 = arith.constant 0 : i32
    %dma_start3A_184 = tpu.memref_slice %arg2[%dma_start3A_182, %dma_start3A_183] : memref<10000x128xf32, #tpu.memory_space<hbm>> -> memref<10000x128xf32, #tpu.memory_space<hbm>>
    tpu.enqueue_indirect_dma source(%dma_start3A_184 : memref<10000x128xf32, #tpu.memory_space<hbm>>) target(%arg10 : memref<80x128xf32, #tpu.memory_space<vmem>>) offsets(%dma_start3A_181 : memref<80xi32, #tpu.memory_space<vmem>>) semaphore(%arg13 : memref<!tpu.dma_semaphore, #tpu.memory_space<semaphore_mem>>)
    %dma_wait3A_185 = arith.constant 123 : i32
    %dma_wait3A_186 = arith.constant 0 : i32
    %dma_wait3A_187 = tpu.memref_slice %arg7[%dma_wait3A_185, %dma_wait3A_186] : memref<125x80xi32, #tpu.memory_space<vmem>> -> memref<1x80xi32, #tpu.memory_space<vmem>>
    %dma_wait3A_188 = tpu.memref_squeeze %dma_wait3A_187 : memref<1x80xi32, #tpu.memory_space<vmem>> -> memref<80xi32, #tpu.memory_space<vmem>>
    %dma_wait3A_189 = arith.constant 0 : i32
    %dma_wait3A_190 = arith.constant 0 : i32
    %dma_wait3A_191 = tpu.memref_slice %arg2[%dma_wait3A_189, %dma_wait3A_190] : memref<10000x128xf32, #tpu.memory_space<hbm>> -> memref<10000x128xf32, #tpu.memory_space<hbm>>
    tpu.wait_indirect_dma semaphore(%arg12 : memref<!tpu.dma_semaphore, #tpu.memory_space<semaphore_mem>>) src(%dma_wait3A_191 : memref<10000x128xf32, #tpu.memory_space<hbm>>) dst(%arg9 : memref<80x128xf32, #tpu.memory_space<vmem>>)
    %dma_start3A_192 = arith.constant 123 : i32
    %dma_start3A_193 = arith.constant 0 : i32
    %dma_start3A_194 = tpu.memref_slice %arg8[%dma_start3A_192, %dma_start3A_193] : memref<125x80xi32, #tpu.memory_space<vmem>> -> memref<1x80xi32, #tpu.memory_space<vmem>>
    %dma_start3A_195 = tpu.memref_squeeze %dma_start3A_194 : memref<1x80xi32, #tpu.memory_space<vmem>> -> memref<80xi32, #tpu.memory_space<vmem>>
    %dma_start3A_196 = arith.constant 0 : i32
    %dma_start3A_197 = arith.constant 0 : i32
    %dma_start3A_198 = tpu.memref_slice %arg6[%dma_start3A_196, %dma_start3A_197] : memref<10000x128xf32, #tpu.memory_space<vmem_shared>> -> memref<10000x128xf32, #tpu.memory_space<vmem_shared>>
    tpu.enqueue_indirect_dma source(%arg9 : memref<80x128xf32, #tpu.memory_space<vmem>>) target(%dma_start3A_198 : memref<10000x128xf32, #tpu.memory_space<vmem_shared>>) offsets(%dma_start3A_195 : memref<80xi32, #tpu.memory_space<vmem>>) semaphore(%arg15 : memref<!tpu.dma_semaphore, #tpu.memory_space<semaphore_mem>>) {add = true}
    %dma_wait3A_199 = arith.constant 122 : i32
    %dma_wait3A_200 = arith.constant 0 : i32
    %dma_wait3A_201 = tpu.memref_slice %arg8[%dma_wait3A_199, %dma_wait3A_200] : memref<125x80xi32, #tpu.memory_space<vmem>> -> memref<1x80xi32, #tpu.memory_space<vmem>>
    %dma_wait3A_202 = tpu.memref_squeeze %dma_wait3A_201 : memref<1x80xi32, #tpu.memory_space<vmem>> -> memref<80xi32, #tpu.memory_space<vmem>>
    %dma_wait3A_203 = arith.constant 0 : i32
    %dma_wait3A_204 = arith.constant 0 : i32
    %dma_wait3A_205 = tpu.memref_slice %arg6[%dma_wait3A_203, %dma_wait3A_204] : memref<10000x128xf32, #tpu.memory_space<vmem_shared>> -> memref<10000x128xf32, #tpu.memory_space<vmem_shared>>
    tpu.wait_indirect_dma semaphore(%arg17 : memref<!tpu.dma_semaphore, #tpu.memory_space<semaphore_mem>>) src(%arg11 : memref<80x128xf32, #tpu.memory_space<vmem>>) dst(%dma_wait3A_205 : memref<10000x128xf32, #tpu.memory_space<vmem_shared>>)
    %dma_wait3A_206 = arith.constant 124 : i32
    %dma_wait3A_207 = arith.constant 0 : i32
    %dma_wait3A_208 = tpu.memref_slice %arg7[%dma_wait3A_206, %dma_wait3A_207] : memref<125x80xi32, #tpu.memory_space<vmem>> -> memref<1x80xi32, #tpu.memory_space<vmem>>
    %dma_wait3A_209 = tpu.memref_squeeze %dma_wait3A_208 : memref<1x80xi32, #tpu.memory_space<vmem>> -> memref<80xi32, #tpu.memory_space<vmem>>
    %dma_wait3A_210 = arith.constant 0 : i32
    %dma_wait3A_211 = arith.constant 0 : i32
    %dma_wait3A_212 = tpu.memref_slice %arg2[%dma_wait3A_210, %dma_wait3A_211] : memref<10000x128xf32, #tpu.memory_space<hbm>> -> memref<10000x128xf32, #tpu.memory_space<hbm>>
    tpu.wait_indirect_dma semaphore(%arg13 : memref<!tpu.dma_semaphore, #tpu.memory_space<semaphore_mem>>) src(%dma_wait3A_212 : memref<10000x128xf32, #tpu.memory_space<hbm>>) dst(%arg10 : memref<80x128xf32, #tpu.memory_space<vmem>>)
    %dma_start3A_213 = arith.constant 124 : i32
    %dma_start3A_214 = arith.constant 0 : i32
    %dma_start3A_215 = tpu.memref_slice %arg8[%dma_start3A_213, %dma_start3A_214] : memref<125x80xi32, #tpu.memory_space<vmem>> -> memref<1x80xi32, #tpu.memory_space<vmem>>
    %dma_start3A_216 = tpu.memref_squeeze %dma_start3A_215 : memref<1x80xi32, #tpu.memory_space<vmem>> -> memref<80xi32, #tpu.memory_space<vmem>>
    %dma_start3A_217 = arith.constant 0 : i32
    %dma_start3A_218 = arith.constant 0 : i32
    %dma_start3A_219 = tpu.memref_slice %arg6[%dma_start3A_217, %dma_start3A_218] : memref<10000x128xf32, #tpu.memory_space<vmem_shared>> -> memref<10000x128xf32, #tpu.memory_space<vmem_shared>>
    tpu.enqueue_indirect_dma source(%arg10 : memref<80x128xf32, #tpu.memory_space<vmem>>) target(%dma_start3A_219 : memref<10000x128xf32, #tpu.memory_space<vmem_shared>>) offsets(%dma_start3A_216 : memref<80xi32, #tpu.memory_space<vmem>>) semaphore(%arg16 : memref<!tpu.dma_semaphore, #tpu.memory_space<semaphore_mem>>) {add = true}
    %dma_wait3A_220 = arith.constant 123 : i32
    %dma_wait3A_221 = arith.constant 0 : i32
    %dma_wait3A_222 = tpu.memref_slice %arg8[%dma_wait3A_220, %dma_wait3A_221] : memref<125x80xi32, #tpu.memory_space<vmem>> -> memref<1x80xi32, #tpu.memory_space<vmem>>
    %dma_wait3A_223 = tpu.memref_squeeze %dma_wait3A_222 : memref<1x80xi32, #tpu.memory_space<vmem>> -> memref<80xi32, #tpu.memory_space<vmem>>
    %dma_wait3A_224 = arith.constant 0 : i32
    %dma_wait3A_225 = arith.constant 0 : i32
    %dma_wait3A_226 = tpu.memref_slice %arg6[%dma_wait3A_224, %dma_wait3A_225] : memref<10000x128xf32, #tpu.memory_space<vmem_shared>> -> memref<10000x128xf32, #tpu.memory_space<vmem_shared>>
    tpu.wait_indirect_dma semaphore(%arg15 : memref<!tpu.dma_semaphore, #tpu.memory_space<semaphore_mem>>) src(%arg9 : memref<80x128xf32, #tpu.memory_space<vmem>>) dst(%dma_wait3A_226 : memref<10000x128xf32, #tpu.memory_space<vmem_shared>>)
    %dma_wait3A_227 = arith.constant 124 : i32
    %dma_wait3A_228 = arith.constant 0 : i32
    %dma_wait3A_229 = tpu.memref_slice %arg8[%dma_wait3A_227, %dma_wait3A_228] : memref<125x80xi32, #tpu.memory_space<vmem>> -> memref<1x80xi32, #tpu.memory_space<vmem>>
    %dma_wait3A_230 = tpu.memref_squeeze %dma_wait3A_229 : memref<1x80xi32, #tpu.memory_space<vmem>> -> memref<80xi32, #tpu.memory_space<vmem>>
    %dma_wait3A_231 = arith.constant 0 : i32
    %dma_wait3A_232 = arith.constant 0 : i32
    %dma_wait3A_233 = tpu.memref_slice %arg6[%dma_wait3A_231, %dma_wait3A_232] : memref<10000x128xf32, #tpu.memory_space<vmem_shared>> -> memref<10000x128xf32, #tpu.memory_space<vmem_shared>>
    tpu.wait_indirect_dma semaphore(%arg16 : memref<!tpu.dma_semaphore, #tpu.memory_space<semaphore_mem>>) src(%arg10 : memref<80x128xf32, #tpu.memory_space<vmem>>) dst(%dma_wait3A_233 : memref<10000x128xf32, #tpu.memory_space<vmem_shared>>)
    %barrier3A_234 = arith.constant 0 : index
    tpu.barrier barrier_id(%barrier3A_234)
    %lt3A_235 = arith.constant 15 : i32
    %lt3A_236 = arith.cmpi slt, %arg1, %lt3A_235 : i32
    %convert_element_type3A_237 = arith.extui %lt3A_236 : i1 to i32
    %cond3A_238 = arith.constant 0 : i32
    %cond3A_239 = arith.cmpi ne, %convert_element_type3A_237, %cond3A_238 : i32
    scf.if %cond3A_239 {
      %mul3A_245 = arith.constant 640 : i32
      %mul3A_246 = arith.muli %arg1, %mul3A_245 : i32
      %mul3A_247 = arith.constant 640 : i32
      %mul3A_248 = arith.muli %arg1, %mul3A_247 : i32
      "tpu.region"() ({
        %run_scoped3A = tpu.sem_alloc : memref<!tpu.dma_semaphore, #tpu.memory_space<semaphore_mem>>
        %dma_start3A_249 = arith.constant 0 : i32
        %dma_start3A_250 = tpu.memref_slice %arg5[%arg0, %mul3A_248, %dma_start3A_249] : memref<2x10000x128xf32, #tpu.memory_space<hbm>> -> memref<1x640x128xf32, #tpu.memory_space<hbm>>
        %dma_start3A_251 = tpu.memref_squeeze %dma_start3A_250 : memref<1x640x128xf32, #tpu.memory_space<hbm>> -> memref<640x128xf32, #tpu.memory_space<hbm>>
        %dma_start3A_252 = arith.constant 0 : i32
        %dma_start3A_253 = tpu.memref_slice %arg6[%mul3A_246, %dma_start3A_252] : memref<10000x128xf32, #tpu.memory_space<vmem_shared>> -> memref<640x128xf32, #tpu.memory_space<vmem_shared>>
        tpu.enqueue_dma source(%dma_start3A_253 : memref<640x128xf32, #tpu.memory_space<vmem_shared>>) target(%dma_start3A_251 : memref<640x128xf32, #tpu.memory_space<hbm>>) target_semaphore(%run_scoped3A : memref<!tpu.dma_semaphore, #tpu.memory_space<semaphore_mem>>)
        %dma_wait3A_254 = arith.constant 0 : i32
        %dma_wait3A_255 = tpu.memref_slice %arg5[%arg0, %mul3A_248, %dma_wait3A_254] : memref<2x10000x128xf32, #tpu.memory_space<hbm>> -> memref<1x640x128xf32, #tpu.memory_space<hbm>>
        %dma_wait3A_256 = tpu.memref_squeeze %dma_wait3A_255 : memref<1x640x128xf32, #tpu.memory_space<hbm>> -> memref<640x128xf32, #tpu.memory_space<hbm>>
        %dma_wait3A_257 = arith.constant 0 : i32
        %dma_wait3A_258 = tpu.memref_slice %arg6[%mul3A_246, %dma_wait3A_257] : memref<10000x128xf32, #tpu.memory_space<vmem_shared>> -> memref<640x128xf32, #tpu.memory_space<vmem_shared>>
        tpu.wait_dma2 semaphore(%run_scoped3A : memref<!tpu.dma_semaphore, #tpu.memory_space<semaphore_mem>>) src(%dma_wait3A_258 : memref<640x128xf32, #tpu.memory_space<vmem_shared>>) dst(%dma_wait3A_256 : memref<640x128xf32, #tpu.memory_space<hbm>>)
        tpu.yield
      }) : () -> ()
    } else {
    }
    %eq3A_240 = arith.constant 15 : i32
    %eq3A_241 = arith.cmpi eq, %arg1, %eq3A_240 : i32
    %convert_element_type3A_242 = arith.extui %eq3A_241 : i1 to i32
    %cond3A_243 = arith.constant 0 : i32
    %cond3A_244 = arith.cmpi ne, %convert_element_type3A_242, %cond3A_243 : i32
    scf.if %cond3A_244 {
      %mul3A_245 = arith.constant 640 : i32
      %mul3A_246 = arith.muli %arg1, %mul3A_245 : i32
      %mul3A_247 = arith.constant 640 : i32
      %mul3A_248 = arith.muli %arg1, %mul3A_247 : i32
      "tpu.region"() ({
        %run_scoped3A = tpu.sem_alloc : memref<!tpu.dma_semaphore, #tpu.memory_space<semaphore_mem>>
        %dma_start3A_249 = arith.constant 0 : i32
        %dma_start3A_250 = tpu.memref_slice %arg5[%arg0, %mul3A_248, %dma_start3A_249] : memref<2x10000x128xf32, #tpu.memory_space<hbm>> -> memref<1x400x128xf32, #tpu.memory_space<hbm>>
        %dma_start3A_251 = tpu.memref_squeeze %dma_start3A_250 : memref<1x400x128xf32, #tpu.memory_space<hbm>> -> memref<400x128xf32, #tpu.memory_space<hbm>>
        %dma_start3A_252 = arith.constant 0 : i32
        %dma_start3A_253 = tpu.memref_slice %arg6[%mul3A_246, %dma_start3A_252] : memref<10000x128xf32, #tpu.memory_space<vmem_shared>> -> memref<400x128xf32, #tpu.memory_space<vmem_shared>>
        tpu.enqueue_dma source(%dma_start3A_253 : memref<400x128xf32, #tpu.memory_space<vmem_shared>>) target(%dma_start3A_251 : memref<400x128xf32, #tpu.memory_space<hbm>>) target_semaphore(%run_scoped3A : memref<!tpu.dma_semaphore, #tpu.memory_space<semaphore_mem>>)
        %dma_wait3A_254 = arith.constant 0 : i32
        %dma_wait3A_255 = tpu.memref_slice %arg5[%arg0, %mul3A_248, %dma_wait3A_254] : memref<2x10000x128xf32, #tpu.memory_space<hbm>> -> memref<1x400x128xf32, #tpu.memory_space<hbm>>
        %dma_wait3A_256 = tpu.memref_squeeze %dma_wait3A_255 : memref<1x400x128xf32, #tpu.memory_space<hbm>> -> memref<400x128xf32, #tpu.memory_space<hbm>>
        %dma_wait3A_257 = arith.constant 0 : i32
        %dma_wait3A_258 = tpu.memref_slice %arg6[%mul3A_246, %dma_wait3A_257] : memref<10000x128xf32, #tpu.memory_space<vmem_shared>> -> memref<400x128xf32, #tpu.memory_space<vmem_shared>>
        tpu.wait_dma2 semaphore(%run_scoped3A : memref<!tpu.dma_semaphore, #tpu.memory_space<semaphore_mem>>) src(%dma_wait3A_258 : memref<400x128xf32, #tpu.memory_space<vmem_shared>>) dst(%dma_wait3A_256 : memref<400x128xf32, #tpu.memory_space<hbm>>)
        tpu.yield
      }) : () -> ()
    } else {
    }
    return
  }
}

#map = affine_map<(d0, d1) -> (0, 0)>
module attributes {stable_mosaic.version = 14 : i64} {
  func.func @_deg_kernel(%arg0: i32, %arg1: i32, %arg2: memref<32x10000xi32, #tpu.memory_space<hbm>>, %arg3: memref<32x10240xf32, #tpu.memory_space<hbm>>, %arg4: memref<10000xi32, #tpu.memory_space<vmem>>, %arg5: memref<10240xf32, #tpu.memory_space<vmem>>) attributes {dimension_semantics = [#tpu.dimension_semantics<core_parallel>, #tpu.dimension_semantics<subcore_parallel>], iteration_bounds = array<i64: 2, 16>, scalar_prefetch = 0 : i64, scratch_operands = 2 : i64, tpu.core_type = #tpu.core_type<sc_vector_subcore>, window_params = [{transform_indices = #map}, {transform_indices = #map}]} {
    %mul3A = arith.constant 16 : i32
    %mul3A_0 = arith.muli %arg0, %mul3A : i32
    %add3A = arith.addi %mul3A_0, %arg1 : i32
    "tpu.region"() ({
      %run_scoped3A = tpu.sem_alloc : memref<!tpu.dma_semaphore, #tpu.memory_space<semaphore_mem>>
      %dma_start3A = arith.constant 0 : i32
      %dma_start3A_15 = tpu.memref_slice %arg2[%add3A, %dma_start3A] : memref<32x10000xi32, #tpu.memory_space<hbm>> -> memref<1x10000xi32, #tpu.memory_space<hbm>>
      %dma_start3A_16 = tpu.memref_squeeze %dma_start3A_15 : memref<1x10000xi32, #tpu.memory_space<hbm>> -> memref<10000xi32, #tpu.memory_space<hbm>>
      %dma_start3A_17 = arith.constant 0 : i32
      %dma_start3A_18 = tpu.memref_slice %arg2[%add3A, %dma_start3A_17] : memref<32x10000xi32, #tpu.memory_space<hbm>> -> memref<1x10000xi32, #tpu.memory_space<hbm>>
      %dma_start3A_19 = tpu.memref_squeeze %dma_start3A_18 : memref<1x10000xi32, #tpu.memory_space<hbm>> -> memref<10000xi32, #tpu.memory_space<hbm>>
      tpu.enqueue_dma source(%dma_start3A_19 : memref<10000xi32, #tpu.memory_space<hbm>>) target(%arg4 : memref<10000xi32, #tpu.memory_space<vmem>>) target_semaphore(%run_scoped3A : memref<!tpu.dma_semaphore, #tpu.memory_space<semaphore_mem>>)
      %dma_wait3A = arith.constant 0 : i32
      %dma_wait3A_20 = tpu.memref_slice %arg2[%add3A, %dma_wait3A] : memref<32x10000xi32, #tpu.memory_space<hbm>> -> memref<1x10000xi32, #tpu.memory_space<hbm>>
      %dma_wait3A_21 = tpu.memref_squeeze %dma_wait3A_20 : memref<1x10000xi32, #tpu.memory_space<hbm>> -> memref<10000xi32, #tpu.memory_space<hbm>>
      %dma_wait3A_22 = arith.constant 0 : i32
      %dma_wait3A_23 = tpu.memref_slice %arg2[%add3A, %dma_wait3A_22] : memref<32x10000xi32, #tpu.memory_space<hbm>> -> memref<1x10000xi32, #tpu.memory_space<hbm>>
      %dma_wait3A_24 = tpu.memref_squeeze %dma_wait3A_23 : memref<1x10000xi32, #tpu.memory_space<hbm>> -> memref<10000xi32, #tpu.memory_space<hbm>>
      tpu.wait_dma2 semaphore(%run_scoped3A : memref<!tpu.dma_semaphore, #tpu.memory_space<semaphore_mem>>) src(%dma_wait3A_24 : memref<10000xi32, #tpu.memory_space<hbm>>) dst(%arg4 : memref<10000xi32, #tpu.memory_space<vmem>>)
      tpu.yield
    }) : () -> ()
    %broadcast_in_dim3A = arith.constant 0.000000e+00 : f32
    %broadcast_in_dim3A_1 = vector.broadcast %broadcast_in_dim3A : f32 to vector<16xf32>
    %scan3A = arith.constant 0 : i32
    %scan3A_2 = arith.constant 0 : i32
    %scan3A_3 = arith.constant 640 : i32
    %scan3A_4 = arith.addi %scan3A_2, %scan3A_3 : i32
    %scan3A_5 = arith.constant 1 : i32
    scf.for %scan3A_15 = %scan3A_2 to %scan3A_4 step %scan3A_5  : i32 {
      %mul3A_16 = arith.constant 16 : i32
      %mul3A_17 = arith.muli %scan3A_15, %mul3A_16 : i32
      %swap3A = arith.index_cast %mul3A_17 : i32 to index
      %swap3A_18 = tpu.vector_load %arg5[%swap3A] {strides = array<i32>} : memref<10240xf32, #tpu.memory_space<vmem>>, vector<16xf32>,
      tpu.vector_store %arg5[%swap3A], %broadcast_in_dim3A_1 {strides = array<i32>} : memref<10240xf32, #tpu.memory_space<vmem>>, vector<16xf32>,
    }
    %scan3A_6 = arith.constant 640 : i32
    %broadcast_in_dim3A_7 = arith.constant 1.000000e+00 : f32
    %broadcast_in_dim3A_8 = vector.broadcast %broadcast_in_dim3A_7 : f32 to vector<16xf32>
    %scan3A_9 = arith.constant 0 : i32
    %scan3A_10 = arith.constant 0 : i32
    %scan3A_11 = arith.constant 625 : i32
    %scan3A_12 = arith.addi %scan3A_10, %scan3A_11 : i32
    %scan3A_13 = arith.constant 1 : i32
    scf.for %scan3A_15 = %scan3A_10 to %scan3A_12 step %scan3A_13  : i32 {
      %mul3A_16 = arith.constant 16 : i32
      %mul3A_17 = arith.muli %scan3A_15, %mul3A_16 : i32
      %get3A = arith.index_cast %mul3A_17 : i32 to index
      %get3A_18 = tpu.vector_load %arg4[%get3A] {strides = array<i32>} : memref<10000xi32, #tpu.memory_space<vmem>>, vector<16xi32>,
      tpu.vector_store_idx %arg5[%get3A_18], %broadcast_in_dim3A_8 {add = true} : memref<10240xf32, #tpu.memory_space<vmem>>[vector<16xi32>], vector<16xf32>,
    }
    %scan3A_14 = arith.constant 625 : i32
    "tpu.region"() ({
      %run_scoped3A = tpu.sem_alloc : memref<!tpu.dma_semaphore, #tpu.memory_space<semaphore_mem>>
      %dma_start3A = arith.constant 0 : i32
      %dma_start3A_15 = tpu.memref_slice %arg3[%add3A, %dma_start3A] : memref<32x10240xf32, #tpu.memory_space<hbm>> -> memref<1x10240xf32, #tpu.memory_space<hbm>>
      %dma_start3A_16 = tpu.memref_squeeze %dma_start3A_15 : memref<1x10240xf32, #tpu.memory_space<hbm>> -> memref<10240xf32, #tpu.memory_space<hbm>>
      %dma_start3A_17 = arith.constant 0 : i32
      %dma_start3A_18 = tpu.memref_slice %arg3[%add3A, %dma_start3A_17] : memref<32x10240xf32, #tpu.memory_space<hbm>> -> memref<1x10240xf32, #tpu.memory_space<hbm>>
      %dma_start3A_19 = tpu.memref_squeeze %dma_start3A_18 : memref<1x10240xf32, #tpu.memory_space<hbm>> -> memref<10240xf32, #tpu.memory_space<hbm>>
      tpu.enqueue_dma source(%arg5 : memref<10240xf32, #tpu.memory_space<vmem>>) target(%dma_start3A_19 : memref<10240xf32, #tpu.memory_space<hbm>>) target_semaphore(%run_scoped3A : memref<!tpu.dma_semaphore, #tpu.memory_space<semaphore_mem>>)
      %dma_wait3A = arith.constant 0 : i32
      %dma_wait3A_20 = tpu.memref_slice %arg3[%add3A, %dma_wait3A] : memref<32x10240xf32, #tpu.memory_space<hbm>> -> memref<1x10240xf32, #tpu.memory_space<hbm>>
      %dma_wait3A_21 = tpu.memref_squeeze %dma_wait3A_20 : memref<1x10240xf32, #tpu.memory_space<hbm>> -> memref<10240xf32, #tpu.memory_space<hbm>>
      %dma_wait3A_22 = arith.constant 0 : i32
      %dma_wait3A_23 = tpu.memref_slice %arg3[%add3A, %dma_wait3A_22] : memref<32x10240xf32, #tpu.memory_space<hbm>> -> memref<1x10240xf32, #tpu.memory_space<hbm>>
      %dma_wait3A_24 = tpu.memref_squeeze %dma_wait3A_23 : memref<1x10240xf32, #tpu.memory_space<hbm>> -> memref<10240xf32, #tpu.memory_space<hbm>>
      tpu.wait_dma2 semaphore(%run_scoped3A : memref<!tpu.dma_semaphore, #tpu.memory_space<semaphore_mem>>) src(%arg5 : memref<10240xf32, #tpu.memory_space<vmem>>) dst(%dma_wait3A_24 : memref<10240xf32, #tpu.memory_space<hbm>>)
      tpu.yield
    }) : () -> ()
    return
  }
}

#map = affine_map<(d0, d1) -> (0, 0)>
#map1 = affine_map<(d0, d1) -> (0, 0, 0)>
module attributes {stable_mosaic.version = 14 : i64} {
  func.func @_agg_kernel(%arg0: i32, %arg1: i32, %arg2: memref<10000x128xf32, #tpu.memory_space<hbm>>, %arg3: memref<32x125x80xi32, #tpu.memory_space<hbm>>, %arg4: memref<32x125x80xi32, #tpu.memory_space<hbm>>, %arg5: memref<2x10000x128xf32, #tpu.memory_space<hbm>>, %arg6: memref<10000x128xf32, #tpu.memory_space<vmem_shared>>, %arg7: memref<125x80xi32, #tpu.memory_space<vmem>>, %arg8: memref<125x80xi32, #tpu.memory_space<vmem>>, %arg9: memref<80x128xf32, #tpu.memory_space<vmem>>, %arg10: memref<80x128xf32, #tpu.memory_space<vmem>>, %arg11: memref<80x128xf32, #tpu.memory_space<vmem>>, %arg12: memref<!tpu.dma_semaphore, #tpu.memory_space<semaphore_mem>>, %arg13: memref<!tpu.dma_semaphore, #tpu.memory_space<semaphore_mem>>, %arg14: memref<!tpu.dma_semaphore, #tpu.memory_space<semaphore_mem>>, %arg15: memref<!tpu.dma_semaphore, #tpu.memory_space<semaphore_mem>>, %arg16: memref<!tpu.dma_semaphore, #tpu.memory_space<semaphore_mem>>, %arg17: memref<!tpu.dma_semaphore, #tpu.memory_space<semaphore_mem>>) attributes {dimension_semantics = [#tpu.dimension_semantics<core_parallel>, #tpu.dimension_semantics<subcore_parallel>], iteration_bounds = array<i64: 2, 16>, scalar_prefetch = 0 : i64, scratch_operands = 12 : i64, tpu.core_type = #tpu.core_type<sc_vector_subcore>, window_params = [{transform_indices = #map}, {transform_indices = #map1}, {transform_indices = #map1}, {transform_indices = #map1}]} {
    %mul3A = arith.constant 16 : i32
    %mul3A_0 = arith.muli %arg0, %mul3A : i32
    %add3A = arith.addi %mul3A_0, %arg1 : i32
    "tpu.region"() ({
      %run_scoped3A = tpu.sem_alloc : memref<!tpu.dma_semaphore, #tpu.memory_space<semaphore_mem>>
      %dma_start3A_245 = arith.constant 0 : i32
      %dma_start3A_246 = arith.constant 0 : i32
      %dma_start3A_247 = tpu.memref_slice %arg3[%add3A, %dma_start3A_245, %dma_start3A_246] : memref<32x125x80xi32, #tpu.memory_space<hbm>> -> memref<1x125x80xi32, #tpu.memory_space<hbm>>
      %dma_start3A_248 = tpu.memref_squeeze %dma_start3A_247 : memref<1x125x80xi32, #tpu.memory_space<hbm>> -> memref<125x80xi32, #tpu.memory_space<hbm>>
      %dma_start3A_249 = arith.constant 0 : i32
      %dma_start3A_250 = arith.constant 0 : i32
      %dma_start3A_251 = tpu.memref_slice %arg3[%add3A, %dma_start3A_249, %dma_start3A_250] : memref<32x125x80xi32, #tpu.memory_space<hbm>> -> memref<1x125x80xi32, #tpu.memory_space<hbm>>
      %dma_start3A_252 = tpu.memref_squeeze %dma_start3A_251 : memref<1x125x80xi32, #tpu.memory_space<hbm>> -> memref<125x80xi32, #tpu.memory_space<hbm>>
      tpu.enqueue_dma source(%dma_start3A_252 : memref<125x80xi32, #tpu.memory_space<hbm>>) target(%arg7 : memref<125x80xi32, #tpu.memory_space<vmem>>) target_semaphore(%run_scoped3A : memref<!tpu.dma_semaphore, #tpu.memory_space<semaphore_mem>>)
      %dma_wait3A_253 = arith.constant 0 : i32
      %dma_wait3A_254 = arith.constant 0 : i32
      %dma_wait3A_255 = tpu.memref_slice %arg3[%add3A, %dma_wait3A_253, %dma_wait3A_254] : memref<32x125x80xi32, #tpu.memory_space<hbm>> -> memref<1x125x80xi32, #tpu.memory_space<hbm>>
      %dma_wait3A_256 = tpu.memref_squeeze %dma_wait3A_255 : memref<1x125x80xi32, #tpu.memory_space<hbm>> -> memref<125x80xi32, #tpu.memory_space<hbm>>
      %dma_wait3A_257 = arith.constant 0 : i32
      %dma_wait3A_258 = arith.constant 0 : i32
      %dma_wait3A_259 = tpu.memref_slice %arg3[%add3A, %dma_wait3A_257, %dma_wait3A_258] : memref<32x125x80xi32, #tpu.memory_space<hbm>> -> memref<1x125x80xi32, #tpu.memory_space<hbm>>
      %dma_wait3A_260 = tpu.memref_squeeze %dma_wait3A_259 : memref<1x125x80xi32, #tpu.memory_space<hbm>> -> memref<125x80xi32, #tpu.memory_space<hbm>>
      tpu.wait_dma2 semaphore(%run_scoped3A : memref<!tpu.dma_semaphore, #tpu.memory_space<semaphore_mem>>) src(%dma_wait3A_260 : memref<125x80xi32, #tpu.memory_space<hbm>>) dst(%arg7 : memref<125x80xi32, #tpu.memory_space<vmem>>)
      tpu.yield
    }) : () -> ()
    "tpu.region"() ({
      %run_scoped3A = tpu.sem_alloc : memref<!tpu.dma_semaphore, #tpu.memory_space<semaphore_mem>>
      %dma_start3A_245 = arith.constant 0 : i32
      %dma_start3A_246 = arith.constant 0 : i32
      %dma_start3A_247 = tpu.memref_slice %arg4[%add3A, %dma_start3A_245, %dma_start3A_246] : memref<32x125x80xi32, #tpu.memory_space<hbm>> -> memref<1x125x80xi32, #tpu.memory_space<hbm>>
      %dma_start3A_248 = tpu.memref_squeeze %dma_start3A_247 : memref<1x125x80xi32, #tpu.memory_space<hbm>> -> memref<125x80xi32, #tpu.memory_space<hbm>>
      %dma_start3A_249 = arith.constant 0 : i32
      %dma_start3A_250 = arith.constant 0 : i32
      %dma_start3A_251 = tpu.memref_slice %arg4[%add3A, %dma_start3A_249, %dma_start3A_250] : memref<32x125x80xi32, #tpu.memory_space<hbm>> -> memref<1x125x80xi32, #tpu.memory_space<hbm>>
      %dma_start3A_252 = tpu.memref_squeeze %dma_start3A_251 : memref<1x125x80xi32, #tpu.memory_space<hbm>> -> memref<125x80xi32, #tpu.memory_space<hbm>>
      tpu.enqueue_dma source(%dma_start3A_252 : memref<125x80xi32, #tpu.memory_space<hbm>>) target(%arg8 : memref<125x80xi32, #tpu.memory_space<vmem>>) target_semaphore(%run_scoped3A : memref<!tpu.dma_semaphore, #tpu.memory_space<semaphore_mem>>)
      %dma_wait3A_253 = arith.constant 0 : i32
      %dma_wait3A_254 = arith.constant 0 : i32
      %dma_wait3A_255 = tpu.memref_slice %arg4[%add3A, %dma_wait3A_253, %dma_wait3A_254] : memref<32x125x80xi32, #tpu.memory_space<hbm>> -> memref<1x125x80xi32, #tpu.memory_space<hbm>>
      %dma_wait3A_256 = tpu.memref_squeeze %dma_wait3A_255 : memref<1x125x80xi32, #tpu.memory_space<hbm>> -> memref<125x80xi32, #tpu.memory_space<hbm>>
      %dma_wait3A_257 = arith.constant 0 : i32
      %dma_wait3A_258 = arith.constant 0 : i32
      %dma_wait3A_259 = tpu.memref_slice %arg4[%add3A, %dma_wait3A_257, %dma_wait3A_258] : memref<32x125x80xi32, #tpu.memory_space<hbm>> -> memref<1x125x80xi32, #tpu.memory_space<hbm>>
      %dma_wait3A_260 = tpu.memref_squeeze %dma_wait3A_259 : memref<1x125x80xi32, #tpu.memory_space<hbm>> -> memref<125x80xi32, #tpu.memory_space<hbm>>
      tpu.wait_dma2 semaphore(%run_scoped3A : memref<!tpu.dma_semaphore, #tpu.memory_space<semaphore_mem>>) src(%dma_wait3A_260 : memref<125x80xi32, #tpu.memory_space<hbm>>) dst(%arg8 : memref<125x80xi32, #tpu.memory_space<vmem>>)
      tpu.yield
    }) : () -> ()
    %lt3A = arith.constant 15 : i32
    %lt3A_1 = arith.cmpi slt, %arg1, %lt3A : i32
    %convert_element_type3A = arith.extui %lt3A_1 : i1 to i32
    %cond3A = arith.constant 0 : i32
    %cond3A_2 = arith.cmpi ne, %convert_element_type3A, %cond3A : i32
    scf.if %cond3A_2 {
      %mul3A_245 = arith.constant 640 : i32
      %mul3A_246 = arith.muli %arg1, %mul3A_245 : i32
      %mul3A_247 = arith.constant 640 : i32
      %mul3A_248 = arith.muli %arg1, %mul3A_247 : i32
      "tpu.region"() ({
        %run_scoped3A = tpu.sem_alloc : memref<!tpu.dma_semaphore, #tpu.memory_space<semaphore_mem>>
        %dma_start3A_249 = arith.constant 0 : i32
        %dma_start3A_250 = tpu.memref_slice %arg6[%mul3A_248, %dma_start3A_249] : memref<10000x128xf32, #tpu.memory_space<vmem_shared>> -> memref<640x128xf32, #tpu.memory_space<vmem_shared>>
        %dma_start3A_251 = arith.constant 0 : i32
        %dma_start3A_252 = tpu.memref_slice %arg2[%mul3A_246, %dma_start3A_251] : memref<10000x128xf32, #tpu.memory_space<hbm>> -> memref<640x128xf32, #tpu.memory_space<hbm>>
        tpu.enqueue_dma source(%dma_start3A_252 : memref<640x128xf32, #tpu.memory_space<hbm>>) target(%dma_start3A_250 : memref<640x128xf32, #tpu.memory_space<vmem_shared>>) target_semaphore(%run_scoped3A : memref<!tpu.dma_semaphore, #tpu.memory_space<semaphore_mem>>)
        %dma_wait3A_253 = arith.constant 0 : i32
        %dma_wait3A_254 = tpu.memref_slice %arg6[%mul3A_248, %dma_wait3A_253] : memref<10000x128xf32, #tpu.memory_space<vmem_shared>> -> memref<640x128xf32, #tpu.memory_space<vmem_shared>>
        %dma_wait3A_255 = arith.constant 0 : i32
        %dma_wait3A_256 = tpu.memref_slice %arg2[%mul3A_246, %dma_wait3A_255] : memref<10000x128xf32, #tpu.memory_space<hbm>> -> memref<640x128xf32, #tpu.memory_space<hbm>>
        tpu.wait_dma2 semaphore(%run_scoped3A : memref<!tpu.dma_semaphore, #tpu.memory_space<semaphore_mem>>) src(%dma_wait3A_256 : memref<640x128xf32, #tpu.memory_space<hbm>>) dst(%dma_wait3A_254 : memref<640x128xf32, #tpu.memory_space<vmem_shared>>)
        tpu.yield
      }) : () -> ()
    } else {
    }
    %eq3A = arith.constant 15 : i32
    %eq3A_3 = arith.cmpi eq, %arg1, %eq3A : i32
    %convert_element_type3A_4 = arith.extui %eq3A_3 : i1 to i32
    %cond3A_5 = arith.constant 0 : i32
    %cond3A_6 = arith.cmpi ne, %convert_element_type3A_4, %cond3A_5 : i32
    scf.if %cond3A_6 {
      %mul3A_245 = arith.constant 640 : i32
      %mul3A_246 = arith.muli %arg1, %mul3A_245 : i32
      %mul3A_247 = arith.constant 640 : i32
      %mul3A_248 = arith.muli %arg1, %mul3A_247 : i32
      "tpu.region"() ({
        %run_scoped3A = tpu.sem_alloc : memref<!tpu.dma_semaphore, #tpu.memory_space<semaphore_mem>>
        %dma_start3A_249 = arith.constant 0 : i32
        %dma_start3A_250 = tpu.memref_slice %arg6[%mul3A_248, %dma_start3A_249] : memref<10000x128xf32, #tpu.memory_space<vmem_shared>> -> memref<400x128xf32, #tpu.memory_space<vmem_shared>>
        %dma_start3A_251 = arith.constant 0 : i32
        %dma_start3A_252 = tpu.memref_slice %arg2[%mul3A_246, %dma_start3A_251] : memref<10000x128xf32, #tpu.memory_space<hbm>> -> memref<400x128xf32, #tpu.memory_space<hbm>>
        tpu.enqueue_dma source(%dma_start3A_252 : memref<400x128xf32, #tpu.memory_space<hbm>>) target(%dma_start3A_250 : memref<400x128xf32, #tpu.memory_space<vmem_shared>>) target_semaphore(%run_scoped3A : memref<!tpu.dma_semaphore, #tpu.memory_space<semaphore_mem>>)
        %dma_wait3A_253 = arith.constant 0 : i32
        %dma_wait3A_254 = tpu.memref_slice %arg6[%mul3A_248, %dma_wait3A_253] : memref<10000x128xf32, #tpu.memory_space<vmem_shared>> -> memref<400x128xf32, #tpu.memory_space<vmem_shared>>
        %dma_wait3A_255 = arith.constant 0 : i32
        %dma_wait3A_256 = tpu.memref_slice %arg2[%mul3A_246, %dma_wait3A_255] : memref<10000x128xf32, #tpu.memory_space<hbm>> -> memref<400x128xf32, #tpu.memory_space<hbm>>
        tpu.wait_dma2 semaphore(%run_scoped3A : memref<!tpu.dma_semaphore, #tpu.memory_space<semaphore_mem>>) src(%dma_wait3A_256 : memref<400x128xf32, #tpu.memory_space<hbm>>) dst(%dma_wait3A_254 : memref<400x128xf32, #tpu.memory_space<vmem_shared>>)
        tpu.yield
      }) : () -> ()
    } else {
    }
    %barrier3A = arith.constant 0 : index
    tpu.barrier barrier_id(%barrier3A)
    %dma_start3A = arith.constant 0 : i32
    %dma_start3A_7 = arith.constant 0 : i32
    %dma_start3A_8 = tpu.memref_slice %arg7[%dma_start3A, %dma_start3A_7] : memref<125x80xi32, #tpu.memory_space<vmem>> -> memref<1x80xi32, #tpu.memory_space<vmem>>
    %dma_start3A_9 = tpu.memref_squeeze %dma_start3A_8 : memref<1x80xi32, #tpu.memory_space<vmem>> -> memref<80xi32, #tpu.memory_space<vmem>>
    %dma_start3A_10 = arith.constant 0 : i32
    %dma_start3A_11 = arith.constant 0 : i32
    %dma_start3A_12 = tpu.memref_slice %arg2[%dma_start3A_10, %dma_start3A_11] : memref<10000x128xf32, #tpu.memory_space<hbm>> -> memref<10000x128xf32, #tpu.memory_space<hbm>>
    tpu.enqueue_indirect_dma source(%dma_start3A_12 : memref<10000x128xf32, #tpu.memory_space<hbm>>) target(%arg9 : memref<80x128xf32, #tpu.memory_space<vmem>>) offsets(%dma_start3A_9 : memref<80xi32, #tpu.memory_space<vmem>>) semaphore(%arg12 : memref<!tpu.dma_semaphore, #tpu.memory_space<semaphore_mem>>)
    %dma_start3A_13 = arith.constant 1 : i32
    %dma_start3A_14 = arith.constant 0 : i32
    %dma_start3A_15 = tpu.memref_slice %arg7[%dma_start3A_13, %dma_start3A_14] : memref<125x80xi32, #tpu.memory_space<vmem>> -> memref<1x80xi32, #tpu.memory_space<vmem>>
    %dma_start3A_16 = tpu.memref_squeeze %dma_start3A_15 : memref<1x80xi32, #tpu.memory_space<vmem>> -> memref<80xi32, #tpu.memory_space<vmem>>
    %dma_start3A_17 = arith.constant 0 : i32
    %dma_start3A_18 = arith.constant 0 : i32
    %dma_start3A_19 = tpu.memref_slice %arg2[%dma_start3A_17, %dma_start3A_18] : memref<10000x128xf32, #tpu.memory_space<hbm>> -> memref<10000x128xf32, #tpu.memory_space<hbm>>
    tpu.enqueue_indirect_dma source(%dma_start3A_19 : memref<10000x128xf32, #tpu.memory_space<hbm>>) target(%arg10 : memref<80x128xf32, #tpu.memory_space<vmem>>) offsets(%dma_start3A_16 : memref<80xi32, #tpu.memory_space<vmem>>) semaphore(%arg13 : memref<!tpu.dma_semaphore, #tpu.memory_space<semaphore_mem>>)
    %dma_start3A_20 = arith.constant 2 : i32
    %dma_start3A_21 = arith.constant 0 : i32
    %dma_start3A_22 = tpu.memref_slice %arg7[%dma_start3A_20, %dma_start3A_21] : memref<125x80xi32, #tpu.memory_space<vmem>> -> memref<1x80xi32, #tpu.memory_space<vmem>>
    %dma_start3A_23 = tpu.memref_squeeze %dma_start3A_22 : memref<1x80xi32, #tpu.memory_space<vmem>> -> memref<80xi32, #tpu.memory_space<vmem>>
    %dma_start3A_24 = arith.constant 0 : i32
    %dma_start3A_25 = arith.constant 0 : i32
    %dma_start3A_26 = tpu.memref_slice %arg2[%dma_start3A_24, %dma_start3A_25] : memref<10000x128xf32, #tpu.memory_space<hbm>> -> memref<10000x128xf32, #tpu.memory_space<hbm>>
    tpu.enqueue_indirect_dma source(%dma_start3A_26 : memref<10000x128xf32, #tpu.memory_space<hbm>>) target(%arg11 : memref<80x128xf32, #tpu.memory_space<vmem>>) offsets(%dma_start3A_23 : memref<80xi32, #tpu.memory_space<vmem>>) semaphore(%arg14 : memref<!tpu.dma_semaphore, #tpu.memory_space<semaphore_mem>>)
    %dma_wait3A = arith.constant 0 : i32
    %dma_wait3A_27 = arith.constant 0 : i32
    %dma_wait3A_28 = tpu.memref_slice %arg7[%dma_wait3A, %dma_wait3A_27] : memref<125x80xi32, #tpu.memory_space<vmem>> -> memref<1x80xi32, #tpu.memory_space<vmem>>
    %dma_wait3A_29 = tpu.memref_squeeze %dma_wait3A_28 : memref<1x80xi32, #tpu.memory_space<vmem>> -> memref<80xi32, #tpu.memory_space<vmem>>
    %dma_wait3A_30 = arith.constant 0 : i32
    %dma_wait3A_31 = arith.constant 0 : i32
    %dma_wait3A_32 = tpu.memref_slice %arg2[%dma_wait3A_30, %dma_wait3A_31] : memref<10000x128xf32, #tpu.memory_space<hbm>> -> memref<10000x128xf32, #tpu.memory_space<hbm>>
    tpu.wait_indirect_dma semaphore(%arg12 : memref<!tpu.dma_semaphore, #tpu.memory_space<semaphore_mem>>) src(%dma_wait3A_32 : memref<10000x128xf32, #tpu.memory_space<hbm>>) dst(%arg9 : memref<80x128xf32, #tpu.memory_space<vmem>>)
    %dma_start3A_33 = arith.constant 0 : i32
    %dma_start3A_34 = arith.constant 0 : i32
    %dma_start3A_35 = tpu.memref_slice %arg8[%dma_start3A_33, %dma_start3A_34] : memref<125x80xi32, #tpu.memory_space<vmem>> -> memref<1x80xi32, #tpu.memory_space<vmem>>
    %dma_start3A_36 = tpu.memref_squeeze %dma_start3A_35 : memref<1x80xi32, #tpu.memory_space<vmem>> -> memref<80xi32, #tpu.memory_space<vmem>>
    %dma_start3A_37 = arith.constant 0 : i32
    %dma_start3A_38 = arith.constant 0 : i32
    %dma_start3A_39 = tpu.memref_slice %arg6[%dma_start3A_37, %dma_start3A_38] : memref<10000x128xf32, #tpu.memory_space<vmem_shared>> -> memref<10000x128xf32, #tpu.memory_space<vmem_shared>>
    tpu.enqueue_indirect_dma source(%arg9 : memref<80x128xf32, #tpu.memory_space<vmem>>) target(%dma_start3A_39 : memref<10000x128xf32, #tpu.memory_space<vmem_shared>>) offsets(%dma_start3A_36 : memref<80xi32, #tpu.memory_space<vmem>>) semaphore(%arg15 : memref<!tpu.dma_semaphore, #tpu.memory_space<semaphore_mem>>) {add = true}
    %dma_wait3A_40 = arith.constant 1 : i32
    %dma_wait3A_41 = arith.constant 0 : i32
    %dma_wait3A_42 = tpu.memref_slice %arg7[%dma_wait3A_40, %dma_wait3A_41] : memref<125x80xi32, #tpu.memory_space<vmem>> -> memref<1x80xi32, #tpu.memory_space<vmem>>
    %dma_wait3A_43 = tpu.memref_squeeze %dma_wait3A_42 : memref<1x80xi32, #tpu.memory_space<vmem>> -> memref<80xi32, #tpu.memory_space<vmem>>
    %dma_wait3A_44 = arith.constant 0 : i32
    %dma_wait3A_45 = arith.constant 0 : i32
    %dma_wait3A_46 = tpu.memref_slice %arg2[%dma_wait3A_44, %dma_wait3A_45] : memref<10000x128xf32, #tpu.memory_space<hbm>> -> memref<10000x128xf32, #tpu.memory_space<hbm>>
    tpu.wait_indirect_dma semaphore(%arg13 : memref<!tpu.dma_semaphore, #tpu.memory_space<semaphore_mem>>) src(%dma_wait3A_46 : memref<10000x128xf32, #tpu.memory_space<hbm>>) dst(%arg10 : memref<80x128xf32, #tpu.memory_space<vmem>>)
    %dma_start3A_47 = arith.constant 1 : i32
    %dma_start3A_48 = arith.constant 0 : i32
    %dma_start3A_49 = tpu.memref_slice %arg8[%dma_start3A_47, %dma_start3A_48] : memref<125x80xi32, #tpu.memory_space<vmem>> -> memref<1x80xi32, #tpu.memory_space<vmem>>
    %dma_start3A_50 = tpu.memref_squeeze %dma_start3A_49 : memref<1x80xi32, #tpu.memory_space<vmem>> -> memref<80xi32, #tpu.memory_space<vmem>>
    %dma_start3A_51 = arith.constant 0 : i32
    %dma_start3A_52 = arith.constant 0 : i32
    %dma_start3A_53 = tpu.memref_slice %arg6[%dma_start3A_51, %dma_start3A_52] : memref<10000x128xf32, #tpu.memory_space<vmem_shared>> -> memref<10000x128xf32, #tpu.memory_space<vmem_shared>>
    tpu.enqueue_indirect_dma source(%arg10 : memref<80x128xf32, #tpu.memory_space<vmem>>) target(%dma_start3A_53 : memref<10000x128xf32, #tpu.memory_space<vmem_shared>>) offsets(%dma_start3A_50 : memref<80xi32, #tpu.memory_space<vmem>>) semaphore(%arg16 : memref<!tpu.dma_semaphore, #tpu.memory_space<semaphore_mem>>) {add = true}
    %dma_wait3A_54 = arith.constant 0 : i32
    %dma_wait3A_55 = arith.constant 0 : i32
    %dma_wait3A_56 = tpu.memref_slice %arg8[%dma_wait3A_54, %dma_wait3A_55] : memref<125x80xi32, #tpu.memory_space<vmem>> -> memref<1x80xi32, #tpu.memory_space<vmem>>
    %dma_wait3A_57 = tpu.memref_squeeze %dma_wait3A_56 : memref<1x80xi32, #tpu.memory_space<vmem>> -> memref<80xi32, #tpu.memory_space<vmem>>
    %dma_wait3A_58 = arith.constant 0 : i32
    %dma_wait3A_59 = arith.constant 0 : i32
    %dma_wait3A_60 = tpu.memref_slice %arg6[%dma_wait3A_58, %dma_wait3A_59] : memref<10000x128xf32, #tpu.memory_space<vmem_shared>> -> memref<10000x128xf32, #tpu.memory_space<vmem_shared>>
    tpu.wait_indirect_dma semaphore(%arg15 : memref<!tpu.dma_semaphore, #tpu.memory_space<semaphore_mem>>) src(%arg9 : memref<80x128xf32, #tpu.memory_space<vmem>>) dst(%dma_wait3A_60 : memref<10000x128xf32, #tpu.memory_space<vmem_shared>>)
    %dma_start3A_61 = arith.constant 3 : i32
    %dma_start3A_62 = arith.constant 0 : i32
    %dma_start3A_63 = tpu.memref_slice %arg7[%dma_start3A_61, %dma_start3A_62] : memref<125x80xi32, #tpu.memory_space<vmem>> -> memref<1x80xi32, #tpu.memory_space<vmem>>
    %dma_start3A_64 = tpu.memref_squeeze %dma_start3A_63 : memref<1x80xi32, #tpu.memory_space<vmem>> -> memref<80xi32, #tpu.memory_space<vmem>>
    %dma_start3A_65 = arith.constant 0 : i32
    %dma_start3A_66 = arith.constant 0 : i32
    %dma_start3A_67 = tpu.memref_slice %arg2[%dma_start3A_65, %dma_start3A_66] : memref<10000x128xf32, #tpu.memory_space<hbm>> -> memref<10000x128xf32, #tpu.memory_space<hbm>>
    tpu.enqueue_indirect_dma source(%dma_start3A_67 : memref<10000x128xf32, #tpu.memory_space<hbm>>) target(%arg9 : memref<80x128xf32, #tpu.memory_space<vmem>>) offsets(%dma_start3A_64 : memref<80xi32, #tpu.memory_space<vmem>>) semaphore(%arg12 : memref<!tpu.dma_semaphore, #tpu.memory_space<semaphore_mem>>)
    %dma_wait3A_68 = arith.constant 2 : i32
    %dma_wait3A_69 = arith.constant 0 : i32
    %dma_wait3A_70 = tpu.memref_slice %arg7[%dma_wait3A_68, %dma_wait3A_69] : memref<125x80xi32, #tpu.memory_space<vmem>> -> memref<1x80xi32, #tpu.memory_space<vmem>>
    %dma_wait3A_71 = tpu.memref_squeeze %dma_wait3A_70 : memref<1x80xi32, #tpu.memory_space<vmem>> -> memref<80xi32, #tpu.memory_space<vmem>>
    %dma_wait3A_72 = arith.constant 0 : i32
    %dma_wait3A_73 = arith.constant 0 : i32
    %dma_wait3A_74 = tpu.memref_slice %arg2[%dma_wait3A_72, %dma_wait3A_73] : memref<10000x128xf32, #tpu.memory_space<hbm>> -> memref<10000x128xf32, #tpu.memory_space<hbm>>
    tpu.wait_indirect_dma semaphore(%arg14 : memref<!tpu.dma_semaphore, #tpu.memory_space<semaphore_mem>>) src(%dma_wait3A_74 : memref<10000x128xf32, #tpu.memory_space<hbm>>) dst(%arg11 : memref<80x128xf32, #tpu.memory_space<vmem>>)
    %dma_start3A_75 = arith.constant 2 : i32
    %dma_start3A_76 = arith.constant 0 : i32
    %dma_start3A_77 = tpu.memref_slice %arg8[%dma_start3A_75, %dma_start3A_76] : memref<125x80xi32, #tpu.memory_space<vmem>> -> memref<1x80xi32, #tpu.memory_space<vmem>>
    %dma_start3A_78 = tpu.memref_squeeze %dma_start3A_77 : memref<1x80xi32, #tpu.memory_space<vmem>> -> memref<80xi32, #tpu.memory_space<vmem>>
    %dma_start3A_79 = arith.constant 0 : i32
    %dma_start3A_80 = arith.constant 0 : i32
    %dma_start3A_81 = tpu.memref_slice %arg6[%dma_start3A_79, %dma_start3A_80] : memref<10000x128xf32, #tpu.memory_space<vmem_shared>> -> memref<10000x128xf32, #tpu.memory_space<vmem_shared>>
    tpu.enqueue_indirect_dma source(%arg11 : memref<80x128xf32, #tpu.memory_space<vmem>>) target(%dma_start3A_81 : memref<10000x128xf32, #tpu.memory_space<vmem_shared>>) offsets(%dma_start3A_78 : memref<80xi32, #tpu.memory_space<vmem>>) semaphore(%arg17 : memref<!tpu.dma_semaphore, #tpu.memory_space<semaphore_mem>>) {add = true}
    %scan3A = arith.constant 0 : i32
    %scan3A_82 = arith.constant 1 : i32
    %scan3A_83 = arith.constant 39 : i32
    %scan3A_84 = arith.addi %scan3A_82, %scan3A_83 : i32
    %scan3A_85 = arith.constant 1 : i32
    scf.for %scan3A_245 = %scan3A_82 to %scan3A_84 step %scan3A_85  : i32 {
      %mul3A_246 = arith.constant 3 : i32
      %mul3A_247 = arith.muli %scan3A_245, %mul3A_246 : i32
      %add3A_248 = arith.constant 0 : i32
      %add3A_249 = arith.addi %mul3A_247, %add3A_248 : i32
      %sub3A = arith.constant 2 : i32
      %sub3A_250 = arith.subi %add3A_249, %sub3A : i32
      %dma_wait3A_251 = arith.constant 0 : i32
      %dma_wait3A_252 = tpu.memref_slice %arg8[%sub3A_250, %dma_wait3A_251] : memref<125x80xi32, #tpu.memory_space<vmem>> -> memref<1x80xi32, #tpu.memory_space<vmem>>
      %dma_wait3A_253 = tpu.memref_squeeze %dma_wait3A_252 : memref<1x80xi32, #tpu.memory_space<vmem>> -> memref<80xi32, #tpu.memory_space<vmem>>
      %dma_wait3A_254 = arith.constant 0 : i32
      %dma_wait3A_255 = arith.constant 0 : i32
      %dma_wait3A_256 = tpu.memref_slice %arg6[%dma_wait3A_254, %dma_wait3A_255] : memref<10000x128xf32, #tpu.memory_space<vmem_shared>> -> memref<10000x128xf32, #tpu.memory_space<vmem_shared>>
      tpu.wait_indirect_dma semaphore(%arg16 : memref<!tpu.dma_semaphore, #tpu.memory_space<semaphore_mem>>) src(%arg10 : memref<80x128xf32, #tpu.memory_space<vmem>>) dst(%dma_wait3A_256 : memref<10000x128xf32, #tpu.memory_space<vmem_shared>>)
      %sub3A_257 = arith.constant 2 : i32
      %sub3A_258 = arith.subi %add3A_249, %sub3A_257 : i32
      %add3A_259 = arith.constant 3 : i32
      %add3A_260 = arith.addi %sub3A_258, %add3A_259 : i32
      %dma_start3A_261 = arith.constant 0 : i32
      %dma_start3A_262 = tpu.memref_slice %arg7[%add3A_260, %dma_start3A_261] : memref<125x80xi32, #tpu.memory_space<vmem>> -> memref<1x80xi32, #tpu.memory_space<vmem>>
      %dma_start3A_263 = tpu.memref_squeeze %dma_start3A_262 : memref<1x80xi32, #tpu.memory_space<vmem>> -> memref<80xi32, #tpu.memory_space<vmem>>
      %dma_start3A_264 = arith.constant 0 : i32
      %dma_start3A_265 = arith.constant 0 : i32
      %dma_start3A_266 = tpu.memref_slice %arg2[%dma_start3A_264, %dma_start3A_265] : memref<10000x128xf32, #tpu.memory_space<hbm>> -> memref<10000x128xf32, #tpu.memory_space<hbm>>
      tpu.enqueue_indirect_dma source(%dma_start3A_266 : memref<10000x128xf32, #tpu.memory_space<hbm>>) target(%arg10 : memref<80x128xf32, #tpu.memory_space<vmem>>) offsets(%dma_start3A_263 : memref<80xi32, #tpu.memory_space<vmem>>) semaphore(%arg13 : memref<!tpu.dma_semaphore, #tpu.memory_space<semaphore_mem>>)
      %dma_wait3A_267 = arith.constant 0 : i32
      %dma_wait3A_268 = tpu.memref_slice %arg7[%add3A_249, %dma_wait3A_267] : memref<125x80xi32, #tpu.memory_space<vmem>> -> memref<1x80xi32, #tpu.memory_space<vmem>>
      %dma_wait3A_269 = tpu.memref_squeeze %dma_wait3A_268 : memref<1x80xi32, #tpu.memory_space<vmem>> -> memref<80xi32, #tpu.memory_space<vmem>>
      %dma_wait3A_270 = arith.constant 0 : i32
      %dma_wait3A_271 = arith.constant 0 : i32
      %dma_wait3A_272 = tpu.memref_slice %arg2[%dma_wait3A_270, %dma_wait3A_271] : memref<10000x128xf32, #tpu.memory_space<hbm>> -> memref<10000x128xf32, #tpu.memory_space<hbm>>
      tpu.wait_indirect_dma semaphore(%arg12 : memref<!tpu.dma_semaphore, #tpu.memory_space<semaphore_mem>>) src(%dma_wait3A_272 : memref<10000x128xf32, #tpu.memory_space<hbm>>) dst(%arg9 : memref<80x128xf32, #tpu.memory_space<vmem>>)
      %dma_start3A_273 = arith.constant 0 : i32
      %dma_start3A_274 = tpu.memref_slice %arg8[%add3A_249, %dma_start3A_273] : memref<125x80xi32, #tpu.memory_space<vmem>> -> memref<1x80xi32, #tpu.memory_space<vmem>>
      %dma_start3A_275 = tpu.memref_squeeze %dma_start3A_274 : memref<1x80xi32, #tpu.memory_space<vmem>> -> memref<80xi32, #tpu.memory_space<vmem>>
      %dma_start3A_276 = arith.constant 0 : i32
      %dma_start3A_277 = arith.constant 0 : i32
      %dma_start3A_278 = tpu.memref_slice %arg6[%dma_start3A_276, %dma_start3A_277] : memref<10000x128xf32, #tpu.memory_space<vmem_shared>> -> memref<10000x128xf32, #tpu.memory_space<vmem_shared>>
      tpu.enqueue_indirect_dma source(%arg9 : memref<80x128xf32, #tpu.memory_space<vmem>>) target(%dma_start3A_278 : memref<10000x128xf32, #tpu.memory_space<vmem_shared>>) offsets(%dma_start3A_275 : memref<80xi32, #tpu.memory_space<vmem>>) semaphore(%arg15 : memref<!tpu.dma_semaphore, #tpu.memory_space<semaphore_mem>>) {add = true}
      %mul3A_279 = arith.constant 3 : i32
      %mul3A_280 = arith.muli %scan3A_245, %mul3A_279 : i32
      %add3A_281 = arith.constant 1 : i32
      %add3A_282 = arith.addi %mul3A_280, %add3A_281 : i32
      %sub3A_283 = arith.constant 2 : i32
      %sub3A_284 = arith.subi %add3A_282, %sub3A_283 : i32
      %dma_wait3A_285 = arith.constant 0 : i32
      %dma_wait3A_286 = tpu.memref_slice %arg8[%sub3A_284, %dma_wait3A_285] : memref<125x80xi32, #tpu.memory_space<vmem>> -> memref<1x80xi32, #tpu.memory_space<vmem>>
      %dma_wait3A_287 = tpu.memref_squeeze %dma_wait3A_286 : memref<1x80xi32, #tpu.memory_space<vmem>> -> memref<80xi32, #tpu.memory_space<vmem>>
      %dma_wait3A_288 = arith.constant 0 : i32
      %dma_wait3A_289 = arith.constant 0 : i32
      %dma_wait3A_290 = tpu.memref_slice %arg6[%dma_wait3A_288, %dma_wait3A_289] : memref<10000x128xf32, #tpu.memory_space<vmem_shared>> -> memref<10000x128xf32, #tpu.memory_space<vmem_shared>>
      tpu.wait_indirect_dma semaphore(%arg17 : memref<!tpu.dma_semaphore, #tpu.memory_space<semaphore_mem>>) src(%arg11 : memref<80x128xf32, #tpu.memory_space<vmem>>) dst(%dma_wait3A_290 : memref<10000x128xf32, #tpu.memory_space<vmem_shared>>)
      %sub3A_291 = arith.constant 2 : i32
      %sub3A_292 = arith.subi %add3A_282, %sub3A_291 : i32
      %add3A_293 = arith.constant 3 : i32
      %add3A_294 = arith.addi %sub3A_292, %add3A_293 : i32
      %dma_start3A_295 = arith.constant 0 : i32
      %dma_start3A_296 = tpu.memref_slice %arg7[%add3A_294, %dma_start3A_295] : memref<125x80xi32, #tpu.memory_space<vmem>> -> memref<1x80xi32, #tpu.memory_space<vmem>>
      %dma_start3A_297 = tpu.memref_squeeze %dma_start3A_296 : memref<1x80xi32, #tpu.memory_space<vmem>> -> memref<80xi32, #tpu.memory_space<vmem>>
      %dma_start3A_298 = arith.constant 0 : i32
      %dma_start3A_299 = arith.constant 0 : i32
      %dma_start3A_300 = tpu.memref_slice %arg2[%dma_start3A_298, %dma_start3A_299] : memref<10000x128xf32, #tpu.memory_space<hbm>> -> memref<10000x128xf32, #tpu.memory_space<hbm>>
      tpu.enqueue_indirect_dma source(%dma_start3A_300 : memref<10000x128xf32, #tpu.memory_space<hbm>>) target(%arg11 : memref<80x128xf32, #tpu.memory_space<vmem>>) offsets(%dma_start3A_297 : memref<80xi32, #tpu.memory_space<vmem>>) semaphore(%arg14 : memref<!tpu.dma_semaphore, #tpu.memory_space<semaphore_mem>>)
      %dma_wait3A_301 = arith.constant 0 : i32
      %dma_wait3A_302 = tpu.memref_slice %arg7[%add3A_282, %dma_wait3A_301] : memref<125x80xi32, #tpu.memory_space<vmem>> -> memref<1x80xi32, #tpu.memory_space<vmem>>
      %dma_wait3A_303 = tpu.memref_squeeze %dma_wait3A_302 : memref<1x80xi32, #tpu.memory_space<vmem>> -> memref<80xi32, #tpu.memory_space<vmem>>
      %dma_wait3A_304 = arith.constant 0 : i32
      %dma_wait3A_305 = arith.constant 0 : i32
      %dma_wait3A_306 = tpu.memref_slice %arg2[%dma_wait3A_304, %dma_wait3A_305] : memref<10000x128xf32, #tpu.memory_space<hbm>> -> memref<10000x128xf32, #tpu.memory_space<hbm>>
      tpu.wait_indirect_dma semaphore(%arg13 : memref<!tpu.dma_semaphore, #tpu.memory_space<semaphore_mem>>) src(%dma_wait3A_306 : memref<10000x128xf32, #tpu.memory_space<hbm>>) dst(%arg10 : memref<80x128xf32, #tpu.memory_space<vmem>>)
      %dma_start3A_307 = arith.constant 0 : i32
      %dma_start3A_308 = tpu.memref_slice %arg8[%add3A_282, %dma_start3A_307] : memref<125x80xi32, #tpu.memory_space<vmem>> -> memref<1x80xi32, #tpu.memory_space<vmem>>
      %dma_start3A_309 = tpu.memref_squeeze %dma_start3A_308 : memref<1x80xi32, #tpu.memory_space<vmem>> -> memref<80xi32, #tpu.memory_space<vmem>>
      %dma_start3A_310 = arith.constant 0 : i32
      %dma_start3A_311 = arith.constant 0 : i32
      %dma_start3A_312 = tpu.memref_slice %arg6[%dma_start3A_310, %dma_start3A_311] : memref<10000x128xf32, #tpu.memory_space<vmem_shared>> -> memref<10000x128xf32, #tpu.memory_space<vmem_shared>>
      tpu.enqueue_indirect_dma source(%arg10 : memref<80x128xf32, #tpu.memory_space<vmem>>) target(%dma_start3A_312 : memref<10000x128xf32, #tpu.memory_space<vmem_shared>>) offsets(%dma_start3A_309 : memref<80xi32, #tpu.memory_space<vmem>>) semaphore(%arg16 : memref<!tpu.dma_semaphore, #tpu.memory_space<semaphore_mem>>) {add = true}
      %mul3A_313 = arith.constant 3 : i32
      %mul3A_314 = arith.muli %scan3A_245, %mul3A_313 : i32
      %add3A_315 = arith.constant 2 : i32
      %add3A_316 = arith.addi %mul3A_314, %add3A_315 : i32
      %sub3A_317 = arith.constant 2 : i32
      %sub3A_318 = arith.subi %add3A_316, %sub3A_317 : i32
      %dma_wait3A_319 = arith.constant 0 : i32
      %dma_wait3A_320 = tpu.memref_slice %arg8[%sub3A_318, %dma_wait3A_319] : memref<125x80xi32, #tpu.memory_space<vmem>> -> memref<1x80xi32, #tpu.memory_space<vmem>>
      %dma_wait3A_321 = tpu.memref_squeeze %dma_wait3A_320 : memref<1x80xi32, #tpu.memory_space<vmem>> -> memref<80xi32, #tpu.memory_space<vmem>>
      %dma_wait3A_322 = arith.constant 0 : i32
      %dma_wait3A_323 = arith.constant 0 : i32
      %dma_wait3A_324 = tpu.memref_slice %arg6[%dma_wait3A_322, %dma_wait3A_323] : memref<10000x128xf32, #tpu.memory_space<vmem_shared>> -> memref<10000x128xf32, #tpu.memory_space<vmem_shared>>
      tpu.wait_indirect_dma semaphore(%arg15 : memref<!tpu.dma_semaphore, #tpu.memory_space<semaphore_mem>>) src(%arg9 : memref<80x128xf32, #tpu.memory_space<vmem>>) dst(%dma_wait3A_324 : memref<10000x128xf32, #tpu.memory_space<vmem_shared>>)
      %sub3A_325 = arith.constant 2 : i32
      %sub3A_326 = arith.subi %add3A_316, %sub3A_325 : i32
      %add3A_327 = arith.constant 3 : i32
      %add3A_328 = arith.addi %sub3A_326, %add3A_327 : i32
      %dma_start3A_329 = arith.constant 0 : i32
      %dma_start3A_330 = tpu.memref_slice %arg7[%add3A_328, %dma_start3A_329] : memref<125x80xi32, #tpu.memory_space<vmem>> -> memref<1x80xi32, #tpu.memory_space<vmem>>
      %dma_start3A_331 = tpu.memref_squeeze %dma_start3A_330 : memref<1x80xi32, #tpu.memory_space<vmem>> -> memref<80xi32, #tpu.memory_space<vmem>>
      %dma_start3A_332 = arith.constant 0 : i32
      %dma_start3A_333 = arith.constant 0 : i32
      %dma_start3A_334 = tpu.memref_slice %arg2[%dma_start3A_332, %dma_start3A_333] : memref<10000x128xf32, #tpu.memory_space<hbm>> -> memref<10000x128xf32, #tpu.memory_space<hbm>>
      tpu.enqueue_indirect_dma source(%dma_start3A_334 : memref<10000x128xf32, #tpu.memory_space<hbm>>) target(%arg9 : memref<80x128xf32, #tpu.memory_space<vmem>>) offsets(%dma_start3A_331 : memref<80xi32, #tpu.memory_space<vmem>>) semaphore(%arg12 : memref<!tpu.dma_semaphore, #tpu.memory_space<semaphore_mem>>)
      %dma_wait3A_335 = arith.constant 0 : i32
      %dma_wait3A_336 = tpu.memref_slice %arg7[%add3A_316, %dma_wait3A_335] : memref<125x80xi32, #tpu.memory_space<vmem>> -> memref<1x80xi32, #tpu.memory_space<vmem>>
      %dma_wait3A_337 = tpu.memref_squeeze %dma_wait3A_336 : memref<1x80xi32, #tpu.memory_space<vmem>> -> memref<80xi32, #tpu.memory_space<vmem>>
      %dma_wait3A_338 = arith.constant 0 : i32
      %dma_wait3A_339 = arith.constant 0 : i32
      %dma_wait3A_340 = tpu.memref_slice %arg2[%dma_wait3A_338, %dma_wait3A_339] : memref<10000x128xf32, #tpu.memory_space<hbm>> -> memref<10000x128xf32, #tpu.memory_space<hbm>>
      tpu.wait_indirect_dma semaphore(%arg14 : memref<!tpu.dma_semaphore, #tpu.memory_space<semaphore_mem>>) src(%dma_wait3A_340 : memref<10000x128xf32, #tpu.memory_space<hbm>>) dst(%arg11 : memref<80x128xf32, #tpu.memory_space<vmem>>)
      %dma_start3A_341 = arith.constant 0 : i32
      %dma_start3A_342 = tpu.memref_slice %arg8[%add3A_316, %dma_start3A_341] : memref<125x80xi32, #tpu.memory_space<vmem>> -> memref<1x80xi32, #tpu.memory_space<vmem>>
      %dma_start3A_343 = tpu.memref_squeeze %dma_start3A_342 : memref<1x80xi32, #tpu.memory_space<vmem>> -> memref<80xi32, #tpu.memory_space<vmem>>
      %dma_start3A_344 = arith.constant 0 : i32
      %dma_start3A_345 = arith.constant 0 : i32
      %dma_start3A_346 = tpu.memref_slice %arg6[%dma_start3A_344, %dma_start3A_345] : memref<10000x128xf32, #tpu.memory_space<vmem_shared>> -> memref<10000x128xf32, #tpu.memory_space<vmem_shared>>
      tpu.enqueue_indirect_dma source(%arg11 : memref<80x128xf32, #tpu.memory_space<vmem>>) target(%dma_start3A_346 : memref<10000x128xf32, #tpu.memory_space<vmem_shared>>) offsets(%dma_start3A_343 : memref<80xi32, #tpu.memory_space<vmem>>) semaphore(%arg17 : memref<!tpu.dma_semaphore, #tpu.memory_space<semaphore_mem>>) {add = true}
    }
    %scan3A_86 = arith.constant 39 : i32
    %dma_wait3A_87 = arith.constant 118 : i32
    %dma_wait3A_88 = arith.constant 0 : i32
    %dma_wait3A_89 = tpu.memref_slice %arg8[%dma_wait3A_87, %dma_wait3A_88] : memref<125x80xi32, #tpu.memory_space<vmem>> -> memref<1x80xi32, #tpu.memory_space<vmem>>
    %dma_wait3A_90 = tpu.memref_squeeze %dma_wait3A_89 : memref<1x80xi32, #tpu.memory_space<vmem>> -> memref<80xi32, #tpu.memory_space<vmem>>
    %dma_wait3A_91 = arith.constant 0 : i32
    %dma_wait3A_92 = arith.constant 0 : i32
    %dma_wait3A_93 = tpu.memref_slice %arg6[%dma_wait3A_91, %dma_wait3A_92] : memref<10000x128xf32, #tpu.memory_space<vmem_shared>> -> memref<10000x128xf32, #tpu.memory_space<vmem_shared>>
    tpu.wait_indirect_dma semaphore(%arg16 : memref<!tpu.dma_semaphore, #tpu.memory_space<semaphore_mem>>) src(%arg10 : memref<80x128xf32, #tpu.memory_space<vmem>>) dst(%dma_wait3A_93 : memref<10000x128xf32, #tpu.memory_space<vmem_shared>>)
    %dma_start3A_94 = arith.constant 121 : i32
    %dma_start3A_95 = arith.constant 0 : i32
    %dma_start3A_96 = tpu.memref_slice %arg7[%dma_start3A_94, %dma_start3A_95] : memref<125x80xi32, #tpu.memory_space<vmem>> -> memref<1x80xi32, #tpu.memory_space<vmem>>
    %dma_start3A_97 = tpu.memref_squeeze %dma_start3A_96 : memref<1x80xi32, #tpu.memory_space<vmem>> -> memref<80xi32, #tpu.memory_space<vmem>>
    %dma_start3A_98 = arith.constant 0 : i32
    %dma_start3A_99 = arith.constant 0 : i32
    %dma_start3A_100 = tpu.memref_slice %arg2[%dma_start3A_98, %dma_start3A_99] : memref<10000x128xf32, #tpu.memory_space<hbm>> -> memref<10000x128xf32, #tpu.memory_space<hbm>>
    tpu.enqueue_indirect_dma source(%dma_start3A_100 : memref<10000x128xf32, #tpu.memory_space<hbm>>) target(%arg10 : memref<80x128xf32, #tpu.memory_space<vmem>>) offsets(%dma_start3A_97 : memref<80xi32, #tpu.memory_space<vmem>>) semaphore(%arg13 : memref<!tpu.dma_semaphore, #tpu.memory_space<semaphore_mem>>)
    %dma_wait3A_101 = arith.constant 120 : i32
    %dma_wait3A_102 = arith.constant 0 : i32
    %dma_wait3A_103 = tpu.memref_slice %arg7[%dma_wait3A_101, %dma_wait3A_102] : memref<125x80xi32, #tpu.memory_space<vmem>> -> memref<1x80xi32, #tpu.memory_space<vmem>>
    %dma_wait3A_104 = tpu.memref_squeeze %dma_wait3A_103 : memref<1x80xi32, #tpu.memory_space<vmem>> -> memref<80xi32, #tpu.memory_space<vmem>>
    %dma_wait3A_105 = arith.constant 0 : i32
    %dma_wait3A_106 = arith.constant 0 : i32
    %dma_wait3A_107 = tpu.memref_slice %arg2[%dma_wait3A_105, %dma_wait3A_106] : memref<10000x128xf32, #tpu.memory_space<hbm>> -> memref<10000x128xf32, #tpu.memory_space<hbm>>
    tpu.wait_indirect_dma semaphore(%arg12 : memref<!tpu.dma_semaphore, #tpu.memory_space<semaphore_mem>>) src(%dma_wait3A_107 : memref<10000x128xf32, #tpu.memory_space<hbm>>) dst(%arg9 : memref<80x128xf32, #tpu.memory_space<vmem>>)
    %dma_start3A_108 = arith.constant 120 : i32
    %dma_start3A_109 = arith.constant 0 : i32
    %dma_start3A_110 = tpu.memref_slice %arg8[%dma_start3A_108, %dma_start3A_109] : memref<125x80xi32, #tpu.memory_space<vmem>> -> memref<1x80xi32, #tpu.memory_space<vmem>>
    %dma_start3A_111 = tpu.memref_squeeze %dma_start3A_110 : memref<1x80xi32, #tpu.memory_space<vmem>> -> memref<80xi32, #tpu.memory_space<vmem>>
    %dma_start3A_112 = arith.constant 0 : i32
    %dma_start3A_113 = arith.constant 0 : i32
    %dma_start3A_114 = tpu.memref_slice %arg6[%dma_start3A_112, %dma_start3A_113] : memref<10000x128xf32, #tpu.memory_space<vmem_shared>> -> memref<10000x128xf32, #tpu.memory_space<vmem_shared>>
    tpu.enqueue_indirect_dma source(%arg9 : memref<80x128xf32, #tpu.memory_space<vmem>>) target(%dma_start3A_114 : memref<10000x128xf32, #tpu.memory_space<vmem_shared>>) offsets(%dma_start3A_111 : memref<80xi32, #tpu.memory_space<vmem>>) semaphore(%arg15 : memref<!tpu.dma_semaphore, #tpu.memory_space<semaphore_mem>>) {add = true}
    %dma_wait3A_115 = arith.constant 119 : i32
    %dma_wait3A_116 = arith.constant 0 : i32
    %dma_wait3A_117 = tpu.memref_slice %arg8[%dma_wait3A_115, %dma_wait3A_116] : memref<125x80xi32, #tpu.memory_space<vmem>> -> memref<1x80xi32, #tpu.memory_space<vmem>>
    %dma_wait3A_118 = tpu.memref_squeeze %dma_wait3A_117 : memref<1x80xi32, #tpu.memory_space<vmem>> -> memref<80xi32, #tpu.memory_space<vmem>>
    %dma_wait3A_119 = arith.constant 0 : i32
    %dma_wait3A_120 = arith.constant 0 : i32
    %dma_wait3A_121 = tpu.memref_slice %arg6[%dma_wait3A_119, %dma_wait3A_120] : memref<10000x128xf32, #tpu.memory_space<vmem_shared>> -> memref<10000x128xf32, #tpu.memory_space<vmem_shared>>
    tpu.wait_indirect_dma semaphore(%arg17 : memref<!tpu.dma_semaphore, #tpu.memory_space<semaphore_mem>>) src(%arg11 : memref<80x128xf32, #tpu.memory_space<vmem>>) dst(%dma_wait3A_121 : memref<10000x128xf32, #tpu.memory_space<vmem_shared>>)
    %dma_start3A_122 = arith.constant 122 : i32
    %dma_start3A_123 = arith.constant 0 : i32
    %dma_start3A_124 = tpu.memref_slice %arg7[%dma_start3A_122, %dma_start3A_123] : memref<125x80xi32, #tpu.memory_space<vmem>> -> memref<1x80xi32, #tpu.memory_space<vmem>>
    %dma_start3A_125 = tpu.memref_squeeze %dma_start3A_124 : memref<1x80xi32, #tpu.memory_space<vmem>> -> memref<80xi32, #tpu.memory_space<vmem>>
    %dma_start3A_126 = arith.constant 0 : i32
    %dma_start3A_127 = arith.constant 0 : i32
    %dma_start3A_128 = tpu.memref_slice %arg2[%dma_start3A_126, %dma_start3A_127] : memref<10000x128xf32, #tpu.memory_space<hbm>> -> memref<10000x128xf32, #tpu.memory_space<hbm>>
    tpu.enqueue_indirect_dma source(%dma_start3A_128 : memref<10000x128xf32, #tpu.memory_space<hbm>>) target(%arg11 : memref<80x128xf32, #tpu.memory_space<vmem>>) offsets(%dma_start3A_125 : memref<80xi32, #tpu.memory_space<vmem>>) semaphore(%arg14 : memref<!tpu.dma_semaphore, #tpu.memory_space<semaphore_mem>>)
    %dma_wait3A_129 = arith.constant 121 : i32
    %dma_wait3A_130 = arith.constant 0 : i32
    %dma_wait3A_131 = tpu.memref_slice %arg7[%dma_wait3A_129, %dma_wait3A_130] : memref<125x80xi32, #tpu.memory_space<vmem>> -> memref<1x80xi32, #tpu.memory_space<vmem>>
    %dma_wait3A_132 = tpu.memref_squeeze %dma_wait3A_131 : memref<1x80xi32, #tpu.memory_space<vmem>> -> memref<80xi32, #tpu.memory_space<vmem>>
    %dma_wait3A_133 = arith.constant 0 : i32
    %dma_wait3A_134 = arith.constant 0 : i32
    %dma_wait3A_135 = tpu.memref_slice %arg2[%dma_wait3A_133, %dma_wait3A_134] : memref<10000x128xf32, #tpu.memory_space<hbm>> -> memref<10000x128xf32, #tpu.memory_space<hbm>>
    tpu.wait_indirect_dma semaphore(%arg13 : memref<!tpu.dma_semaphore, #tpu.memory_space<semaphore_mem>>) src(%dma_wait3A_135 : memref<10000x128xf32, #tpu.memory_space<hbm>>) dst(%arg10 : memref<80x128xf32, #tpu.memory_space<vmem>>)
    %dma_start3A_136 = arith.constant 121 : i32
    %dma_start3A_137 = arith.constant 0 : i32
    %dma_start3A_138 = tpu.memref_slice %arg8[%dma_start3A_136, %dma_start3A_137] : memref<125x80xi32, #tpu.memory_space<vmem>> -> memref<1x80xi32, #tpu.memory_space<vmem>>
    %dma_start3A_139 = tpu.memref_squeeze %dma_start3A_138 : memref<1x80xi32, #tpu.memory_space<vmem>> -> memref<80xi32, #tpu.memory_space<vmem>>
    %dma_start3A_140 = arith.constant 0 : i32
    %dma_start3A_141 = arith.constant 0 : i32
    %dma_start3A_142 = tpu.memref_slice %arg6[%dma_start3A_140, %dma_start3A_141] : memref<10000x128xf32, #tpu.memory_space<vmem_shared>> -> memref<10000x128xf32, #tpu.memory_space<vmem_shared>>
    tpu.enqueue_indirect_dma source(%arg10 : memref<80x128xf32, #tpu.memory_space<vmem>>) target(%dma_start3A_142 : memref<10000x128xf32, #tpu.memory_space<vmem_shared>>) offsets(%dma_start3A_139 : memref<80xi32, #tpu.memory_space<vmem>>) semaphore(%arg16 : memref<!tpu.dma_semaphore, #tpu.memory_space<semaphore_mem>>) {add = true}
    %dma_wait3A_143 = arith.constant 120 : i32
    %dma_wait3A_144 = arith.constant 0 : i32
    %dma_wait3A_145 = tpu.memref_slice %arg8[%dma_wait3A_143, %dma_wait3A_144] : memref<125x80xi32, #tpu.memory_space<vmem>> -> memref<1x80xi32, #tpu.memory_space<vmem>>
    %dma_wait3A_146 = tpu.memref_squeeze %dma_wait3A_145 : memref<1x80xi32, #tpu.memory_space<vmem>> -> memref<80xi32, #tpu.memory_space<vmem>>
    %dma_wait3A_147 = arith.constant 0 : i32
    %dma_wait3A_148 = arith.constant 0 : i32
    %dma_wait3A_149 = tpu.memref_slice %arg6[%dma_wait3A_147, %dma_wait3A_148] : memref<10000x128xf32, #tpu.memory_space<vmem_shared>> -> memref<10000x128xf32, #tpu.memory_space<vmem_shared>>
    tpu.wait_indirect_dma semaphore(%arg15 : memref<!tpu.dma_semaphore, #tpu.memory_space<semaphore_mem>>) src(%arg9 : memref<80x128xf32, #tpu.memory_space<vmem>>) dst(%dma_wait3A_149 : memref<10000x128xf32, #tpu.memory_space<vmem_shared>>)
    %dma_start3A_150 = arith.constant 123 : i32
    %dma_start3A_151 = arith.constant 0 : i32
    %dma_start3A_152 = tpu.memref_slice %arg7[%dma_start3A_150, %dma_start3A_151] : memref<125x80xi32, #tpu.memory_space<vmem>> -> memref<1x80xi32, #tpu.memory_space<vmem>>
    %dma_start3A_153 = tpu.memref_squeeze %dma_start3A_152 : memref<1x80xi32, #tpu.memory_space<vmem>> -> memref<80xi32, #tpu.memory_space<vmem>>
    %dma_start3A_154 = arith.constant 0 : i32
    %dma_start3A_155 = arith.constant 0 : i32
    %dma_start3A_156 = tpu.memref_slice %arg2[%dma_start3A_154, %dma_start3A_155] : memref<10000x128xf32, #tpu.memory_space<hbm>> -> memref<10000x128xf32, #tpu.memory_space<hbm>>
    tpu.enqueue_indirect_dma source(%dma_start3A_156 : memref<10000x128xf32, #tpu.memory_space<hbm>>) target(%arg9 : memref<80x128xf32, #tpu.memory_space<vmem>>) offsets(%dma_start3A_153 : memref<80xi32, #tpu.memory_space<vmem>>) semaphore(%arg12 : memref<!tpu.dma_semaphore, #tpu.memory_space<semaphore_mem>>)
    %dma_wait3A_157 = arith.constant 122 : i32
    %dma_wait3A_158 = arith.constant 0 : i32
    %dma_wait3A_159 = tpu.memref_slice %arg7[%dma_wait3A_157, %dma_wait3A_158] : memref<125x80xi32, #tpu.memory_space<vmem>> -> memref<1x80xi32, #tpu.memory_space<vmem>>
    %dma_wait3A_160 = tpu.memref_squeeze %dma_wait3A_159 : memref<1x80xi32, #tpu.memory_space<vmem>> -> memref<80xi32, #tpu.memory_space<vmem>>
    %dma_wait3A_161 = arith.constant 0 : i32
    %dma_wait3A_162 = arith.constant 0 : i32
    %dma_wait3A_163 = tpu.memref_slice %arg2[%dma_wait3A_161, %dma_wait3A_162] : memref<10000x128xf32, #tpu.memory_space<hbm>> -> memref<10000x128xf32, #tpu.memory_space<hbm>>
    tpu.wait_indirect_dma semaphore(%arg14 : memref<!tpu.dma_semaphore, #tpu.memory_space<semaphore_mem>>) src(%dma_wait3A_163 : memref<10000x128xf32, #tpu.memory_space<hbm>>) dst(%arg11 : memref<80x128xf32, #tpu.memory_space<vmem>>)
    %dma_start3A_164 = arith.constant 122 : i32
    %dma_start3A_165 = arith.constant 0 : i32
    %dma_start3A_166 = tpu.memref_slice %arg8[%dma_start3A_164, %dma_start3A_165] : memref<125x80xi32, #tpu.memory_space<vmem>> -> memref<1x80xi32, #tpu.memory_space<vmem>>
    %dma_start3A_167 = tpu.memref_squeeze %dma_start3A_166 : memref<1x80xi32, #tpu.memory_space<vmem>> -> memref<80xi32, #tpu.memory_space<vmem>>
    %dma_start3A_168 = arith.constant 0 : i32
    %dma_start3A_169 = arith.constant 0 : i32
    %dma_start3A_170 = tpu.memref_slice %arg6[%dma_start3A_168, %dma_start3A_169] : memref<10000x128xf32, #tpu.memory_space<vmem_shared>> -> memref<10000x128xf32, #tpu.memory_space<vmem_shared>>
    tpu.enqueue_indirect_dma source(%arg11 : memref<80x128xf32, #tpu.memory_space<vmem>>) target(%dma_start3A_170 : memref<10000x128xf32, #tpu.memory_space<vmem_shared>>) offsets(%dma_start3A_167 : memref<80xi32, #tpu.memory_space<vmem>>) semaphore(%arg17 : memref<!tpu.dma_semaphore, #tpu.memory_space<semaphore_mem>>) {add = true}
    %dma_wait3A_171 = arith.constant 121 : i32
    %dma_wait3A_172 = arith.constant 0 : i32
    %dma_wait3A_173 = tpu.memref_slice %arg8[%dma_wait3A_171, %dma_wait3A_172] : memref<125x80xi32, #tpu.memory_space<vmem>> -> memref<1x80xi32, #tpu.memory_space<vmem>>
    %dma_wait3A_174 = tpu.memref_squeeze %dma_wait3A_173 : memref<1x80xi32, #tpu.memory_space<vmem>> -> memref<80xi32, #tpu.memory_space<vmem>>
    %dma_wait3A_175 = arith.constant 0 : i32
    %dma_wait3A_176 = arith.constant 0 : i32
    %dma_wait3A_177 = tpu.memref_slice %arg6[%dma_wait3A_175, %dma_wait3A_176] : memref<10000x128xf32, #tpu.memory_space<vmem_shared>> -> memref<10000x128xf32, #tpu.memory_space<vmem_shared>>
    tpu.wait_indirect_dma semaphore(%arg16 : memref<!tpu.dma_semaphore, #tpu.memory_space<semaphore_mem>>) src(%arg10 : memref<80x128xf32, #tpu.memory_space<vmem>>) dst(%dma_wait3A_177 : memref<10000x128xf32, #tpu.memory_space<vmem_shared>>)
    %dma_start3A_178 = arith.constant 124 : i32
    %dma_start3A_179 = arith.constant 0 : i32
    %dma_start3A_180 = tpu.memref_slice %arg7[%dma_start3A_178, %dma_start3A_179] : memref<125x80xi32, #tpu.memory_space<vmem>> -> memref<1x80xi32, #tpu.memory_space<vmem>>
    %dma_start3A_181 = tpu.memref_squeeze %dma_start3A_180 : memref<1x80xi32, #tpu.memory_space<vmem>> -> memref<80xi32, #tpu.memory_space<vmem>>
    %dma_start3A_182 = arith.constant 0 : i32
    %dma_start3A_183 = arith.constant 0 : i32
    %dma_start3A_184 = tpu.memref_slice %arg2[%dma_start3A_182, %dma_start3A_183] : memref<10000x128xf32, #tpu.memory_space<hbm>> -> memref<10000x128xf32, #tpu.memory_space<hbm>>
    tpu.enqueue_indirect_dma source(%dma_start3A_184 : memref<10000x128xf32, #tpu.memory_space<hbm>>) target(%arg10 : memref<80x128xf32, #tpu.memory_space<vmem>>) offsets(%dma_start3A_181 : memref<80xi32, #tpu.memory_space<vmem>>) semaphore(%arg13 : memref<!tpu.dma_semaphore, #tpu.memory_space<semaphore_mem>>)
    %dma_wait3A_185 = arith.constant 123 : i32
    %dma_wait3A_186 = arith.constant 0 : i32
    %dma_wait3A_187 = tpu.memref_slice %arg7[%dma_wait3A_185, %dma_wait3A_186] : memref<125x80xi32, #tpu.memory_space<vmem>> -> memref<1x80xi32, #tpu.memory_space<vmem>>
    %dma_wait3A_188 = tpu.memref_squeeze %dma_wait3A_187 : memref<1x80xi32, #tpu.memory_space<vmem>> -> memref<80xi32, #tpu.memory_space<vmem>>
    %dma_wait3A_189 = arith.constant 0 : i32
    %dma_wait3A_190 = arith.constant 0 : i32
    %dma_wait3A_191 = tpu.memref_slice %arg2[%dma_wait3A_189, %dma_wait3A_190] : memref<10000x128xf32, #tpu.memory_space<hbm>> -> memref<10000x128xf32, #tpu.memory_space<hbm>>
    tpu.wait_indirect_dma semaphore(%arg12 : memref<!tpu.dma_semaphore, #tpu.memory_space<semaphore_mem>>) src(%dma_wait3A_191 : memref<10000x128xf32, #tpu.memory_space<hbm>>) dst(%arg9 : memref<80x128xf32, #tpu.memory_space<vmem>>)
    %dma_start3A_192 = arith.constant 123 : i32
    %dma_start3A_193 = arith.constant 0 : i32
    %dma_start3A_194 = tpu.memref_slice %arg8[%dma_start3A_192, %dma_start3A_193] : memref<125x80xi32, #tpu.memory_space<vmem>> -> memref<1x80xi32, #tpu.memory_space<vmem>>
    %dma_start3A_195 = tpu.memref_squeeze %dma_start3A_194 : memref<1x80xi32, #tpu.memory_space<vmem>> -> memref<80xi32, #tpu.memory_space<vmem>>
    %dma_start3A_196 = arith.constant 0 : i32
    %dma_start3A_197 = arith.constant 0 : i32
    %dma_start3A_198 = tpu.memref_slice %arg6[%dma_start3A_196, %dma_start3A_197] : memref<10000x128xf32, #tpu.memory_space<vmem_shared>> -> memref<10000x128xf32, #tpu.memory_space<vmem_shared>>
    tpu.enqueue_indirect_dma source(%arg9 : memref<80x128xf32, #tpu.memory_space<vmem>>) target(%dma_start3A_198 : memref<10000x128xf32, #tpu.memory_space<vmem_shared>>) offsets(%dma_start3A_195 : memref<80xi32, #tpu.memory_space<vmem>>) semaphore(%arg15 : memref<!tpu.dma_semaphore, #tpu.memory_space<semaphore_mem>>) {add = true}
    %dma_wait3A_199 = arith.constant 122 : i32
    %dma_wait3A_200 = arith.constant 0 : i32
    %dma_wait3A_201 = tpu.memref_slice %arg8[%dma_wait3A_199, %dma_wait3A_200] : memref<125x80xi32, #tpu.memory_space<vmem>> -> memref<1x80xi32, #tpu.memory_space<vmem>>
    %dma_wait3A_202 = tpu.memref_squeeze %dma_wait3A_201 : memref<1x80xi32, #tpu.memory_space<vmem>> -> memref<80xi32, #tpu.memory_space<vmem>>
    %dma_wait3A_203 = arith.constant 0 : i32
    %dma_wait3A_204 = arith.constant 0 : i32
    %dma_wait3A_205 = tpu.memref_slice %arg6[%dma_wait3A_203, %dma_wait3A_204] : memref<10000x128xf32, #tpu.memory_space<vmem_shared>> -> memref<10000x128xf32, #tpu.memory_space<vmem_shared>>
    tpu.wait_indirect_dma semaphore(%arg17 : memref<!tpu.dma_semaphore, #tpu.memory_space<semaphore_mem>>) src(%arg11 : memref<80x128xf32, #tpu.memory_space<vmem>>) dst(%dma_wait3A_205 : memref<10000x128xf32, #tpu.memory_space<vmem_shared>>)
    %dma_wait3A_206 = arith.constant 124 : i32
    %dma_wait3A_207 = arith.constant 0 : i32
    %dma_wait3A_208 = tpu.memref_slice %arg7[%dma_wait3A_206, %dma_wait3A_207] : memref<125x80xi32, #tpu.memory_space<vmem>> -> memref<1x80xi32, #tpu.memory_space<vmem>>
    %dma_wait3A_209 = tpu.memref_squeeze %dma_wait3A_208 : memref<1x80xi32, #tpu.memory_space<vmem>> -> memref<80xi32, #tpu.memory_space<vmem>>
    %dma_wait3A_210 = arith.constant 0 : i32
    %dma_wait3A_211 = arith.constant 0 : i32
    %dma_wait3A_212 = tpu.memref_slice %arg2[%dma_wait3A_210, %dma_wait3A_211] : memref<10000x128xf32, #tpu.memory_space<hbm>> -> memref<10000x128xf32, #tpu.memory_space<hbm>>
    tpu.wait_indirect_dma semaphore(%arg13 : memref<!tpu.dma_semaphore, #tpu.memory_space<semaphore_mem>>) src(%dma_wait3A_212 : memref<10000x128xf32, #tpu.memory_space<hbm>>) dst(%arg10 : memref<80x128xf32, #tpu.memory_space<vmem>>)
    %dma_start3A_213 = arith.constant 124 : i32
    %dma_start3A_214 = arith.constant 0 : i32
    %dma_start3A_215 = tpu.memref_slice %arg8[%dma_start3A_213, %dma_start3A_214] : memref<125x80xi32, #tpu.memory_space<vmem>> -> memref<1x80xi32, #tpu.memory_space<vmem>>
    %dma_start3A_216 = tpu.memref_squeeze %dma_start3A_215 : memref<1x80xi32, #tpu.memory_space<vmem>> -> memref<80xi32, #tpu.memory_space<vmem>>
    %dma_start3A_217 = arith.constant 0 : i32
    %dma_start3A_218 = arith.constant 0 : i32
    %dma_start3A_219 = tpu.memref_slice %arg6[%dma_start3A_217, %dma_start3A_218] : memref<10000x128xf32, #tpu.memory_space<vmem_shared>> -> memref<10000x128xf32, #tpu.memory_space<vmem_shared>>
    tpu.enqueue_indirect_dma source(%arg10 : memref<80x128xf32, #tpu.memory_space<vmem>>) target(%dma_start3A_219 : memref<10000x128xf32, #tpu.memory_space<vmem_shared>>) offsets(%dma_start3A_216 : memref<80xi32, #tpu.memory_space<vmem>>) semaphore(%arg16 : memref<!tpu.dma_semaphore, #tpu.memory_space<semaphore_mem>>) {add = true}
    %dma_wait3A_220 = arith.constant 123 : i32
    %dma_wait3A_221 = arith.constant 0 : i32
    %dma_wait3A_222 = tpu.memref_slice %arg8[%dma_wait3A_220, %dma_wait3A_221] : memref<125x80xi32, #tpu.memory_space<vmem>> -> memref<1x80xi32, #tpu.memory_space<vmem>>
    %dma_wait3A_223 = tpu.memref_squeeze %dma_wait3A_222 : memref<1x80xi32, #tpu.memory_space<vmem>> -> memref<80xi32, #tpu.memory_space<vmem>>
    %dma_wait3A_224 = arith.constant 0 : i32
    %dma_wait3A_225 = arith.constant 0 : i32
    %dma_wait3A_226 = tpu.memref_slice %arg6[%dma_wait3A_224, %dma_wait3A_225] : memref<10000x128xf32, #tpu.memory_space<vmem_shared>> -> memref<10000x128xf32, #tpu.memory_space<vmem_shared>>
    tpu.wait_indirect_dma semaphore(%arg15 : memref<!tpu.dma_semaphore, #tpu.memory_space<semaphore_mem>>) src(%arg9 : memref<80x128xf32, #tpu.memory_space<vmem>>) dst(%dma_wait3A_226 : memref<10000x128xf32, #tpu.memory_space<vmem_shared>>)
    %dma_wait3A_227 = arith.constant 124 : i32
    %dma_wait3A_228 = arith.constant 0 : i32
    %dma_wait3A_229 = tpu.memref_slice %arg8[%dma_wait3A_227, %dma_wait3A_228] : memref<125x80xi32, #tpu.memory_space<vmem>> -> memref<1x80xi32, #tpu.memory_space<vmem>>
    %dma_wait3A_230 = tpu.memref_squeeze %dma_wait3A_229 : memref<1x80xi32, #tpu.memory_space<vmem>> -> memref<80xi32, #tpu.memory_space<vmem>>
    %dma_wait3A_231 = arith.constant 0 : i32
    %dma_wait3A_232 = arith.constant 0 : i32
    %dma_wait3A_233 = tpu.memref_slice %arg6[%dma_wait3A_231, %dma_wait3A_232] : memref<10000x128xf32, #tpu.memory_space<vmem_shared>> -> memref<10000x128xf32, #tpu.memory_space<vmem_shared>>
    tpu.wait_indirect_dma semaphore(%arg16 : memref<!tpu.dma_semaphore, #tpu.memory_space<semaphore_mem>>) src(%arg10 : memref<80x128xf32, #tpu.memory_space<vmem>>) dst(%dma_wait3A_233 : memref<10000x128xf32, #tpu.memory_space<vmem_shared>>)
    %barrier3A_234 = arith.constant 0 : index
    tpu.barrier barrier_id(%barrier3A_234)
    %lt3A_235 = arith.constant 15 : i32
    %lt3A_236 = arith.cmpi slt, %arg1, %lt3A_235 : i32
    %convert_element_type3A_237 = arith.extui %lt3A_236 : i1 to i32
    %cond3A_238 = arith.constant 0 : i32
    %cond3A_239 = arith.cmpi ne, %convert_element_type3A_237, %cond3A_238 : i32
    scf.if %cond3A_239 {
      %mul3A_245 = arith.constant 640 : i32
      %mul3A_246 = arith.muli %arg1, %mul3A_245 : i32
      %mul3A_247 = arith.constant 640 : i32
      %mul3A_248 = arith.muli %arg1, %mul3A_247 : i32
      "tpu.region"() ({
        %run_scoped3A = tpu.sem_alloc : memref<!tpu.dma_semaphore, #tpu.memory_space<semaphore_mem>>
        %dma_start3A_249 = arith.constant 0 : i32
        %dma_start3A_250 = tpu.memref_slice %arg5[%arg0, %mul3A_248, %dma_start3A_249] : memref<2x10000x128xf32, #tpu.memory_space<hbm>> -> memref<1x640x128xf32, #tpu.memory_space<hbm>>
        %dma_start3A_251 = tpu.memref_squeeze %dma_start3A_250 : memref<1x640x128xf32, #tpu.memory_space<hbm>> -> memref<640x128xf32, #tpu.memory_space<hbm>>
        %dma_start3A_252 = arith.constant 0 : i32
        %dma_start3A_253 = tpu.memref_slice %arg6[%mul3A_246, %dma_start3A_252] : memref<10000x128xf32, #tpu.memory_space<vmem_shared>> -> memref<640x128xf32, #tpu.memory_space<vmem_shared>>
        tpu.enqueue_dma source(%dma_start3A_253 : memref<640x128xf32, #tpu.memory_space<vmem_shared>>) target(%dma_start3A_251 : memref<640x128xf32, #tpu.memory_space<hbm>>) target_semaphore(%run_scoped3A : memref<!tpu.dma_semaphore, #tpu.memory_space<semaphore_mem>>)
        %dma_wait3A_254 = arith.constant 0 : i32
        %dma_wait3A_255 = tpu.memref_slice %arg5[%arg0, %mul3A_248, %dma_wait3A_254] : memref<2x10000x128xf32, #tpu.memory_space<hbm>> -> memref<1x640x128xf32, #tpu.memory_space<hbm>>
        %dma_wait3A_256 = tpu.memref_squeeze %dma_wait3A_255 : memref<1x640x128xf32, #tpu.memory_space<hbm>> -> memref<640x128xf32, #tpu.memory_space<hbm>>
        %dma_wait3A_257 = arith.constant 0 : i32
        %dma_wait3A_258 = tpu.memref_slice %arg6[%mul3A_246, %dma_wait3A_257] : memref<10000x128xf32, #tpu.memory_space<vmem_shared>> -> memref<640x128xf32, #tpu.memory_space<vmem_shared>>
        tpu.wait_dma2 semaphore(%run_scoped3A : memref<!tpu.dma_semaphore, #tpu.memory_space<semaphore_mem>>) src(%dma_wait3A_258 : memref<640x128xf32, #tpu.memory_space<vmem_shared>>) dst(%dma_wait3A_256 : memref<640x128xf32, #tpu.memory_space<hbm>>)
        tpu.yield
      }) : () -> ()
    } else {
    }
    %eq3A_240 = arith.constant 15 : i32
    %eq3A_241 = arith.cmpi eq, %arg1, %eq3A_240 : i32
    %convert_element_type3A_242 = arith.extui %eq3A_241 : i1 to i32
    %cond3A_243 = arith.constant 0 : i32
    %cond3A_244 = arith.cmpi ne, %convert_element_type3A_242, %cond3A_243 : i32
    scf.if %cond3A_244 {
      %mul3A_245 = arith.constant 640 : i32
      %mul3A_246 = arith.muli %arg1, %mul3A_245 : i32
      %mul3A_247 = arith.constant 640 : i32
      %mul3A_248 = arith.muli %arg1, %mul3A_247 : i32
      "tpu.region"() ({
        %run_scoped3A = tpu.sem_alloc : memref<!tpu.dma_semaphore, #tpu.memory_space<semaphore_mem>>
        %dma_start3A_249 = arith.constant 0 : i32
        %dma_start3A_250 = tpu.memref_slice %arg5[%arg0, %mul3A_248, %dma_start3A_249] : memref<2x10000x128xf32, #tpu.memory_space<hbm>> -> memref<1x400x128xf32, #tpu.memory_space<hbm>>
        %dma_start3A_251 = tpu.memref_squeeze %dma_start3A_250 : memref<1x400x128xf32, #tpu.memory_space<hbm>> -> memref<400x128xf32, #tpu.memory_space<hbm>>
        %dma_start3A_252 = arith.constant 0 : i32
        %dma_start3A_253 = tpu.memref_slice %arg6[%mul3A_246, %dma_start3A_252] : memref<10000x128xf32, #tpu.memory_space<vmem_shared>> -> memref<400x128xf32, #tpu.memory_space<vmem_shared>>
        tpu.enqueue_dma source(%dma_start3A_253 : memref<400x128xf32, #tpu.memory_space<vmem_shared>>) target(%dma_start3A_251 : memref<400x128xf32, #tpu.memory_space<hbm>>) target_semaphore(%run_scoped3A : memref<!tpu.dma_semaphore, #tpu.memory_space<semaphore_mem>>)
        %dma_wait3A_254 = arith.constant 0 : i32
        %dma_wait3A_255 = tpu.memref_slice %arg5[%arg0, %mul3A_248, %dma_wait3A_254] : memref<2x10000x128xf32, #tpu.memory_space<hbm>> -> memref<1x400x128xf32, #tpu.memory_space<hbm>>
        %dma_wait3A_256 = tpu.memref_squeeze %dma_wait3A_255 : memref<1x400x128xf32, #tpu.memory_space<hbm>> -> memref<400x128xf32, #tpu.memory_space<hbm>>
        %dma_wait3A_257 = arith.constant 0 : i32
        %dma_wait3A_258 = tpu.memref_slice %arg6[%mul3A_246, %dma_wait3A_257] : memref<10000x128xf32, #tpu.memory_space<vmem_shared>> -> memref<400x128xf32, #tpu.memory_space<vmem_shared>>
        tpu.wait_dma2 semaphore(%run_scoped3A : memref<!tpu.dma_semaphore, #tpu.memory_space<semaphore_mem>>) src(%dma_wait3A_258 : memref<400x128xf32, #tpu.memory_space<vmem_shared>>) dst(%dma_wait3A_256 : memref<400x128xf32, #tpu.memory_space<hbm>>)
        tpu.yield
      }) : () -> ()
    } else {
    }
    return
  }
}

module attributes {stable_mosaic.version = 14 : i64} {
  func.func @_dis_body(%arg0: memref<32x80x128xf32, #tpu.memory_space<vmem>>, %arg1: memref<80x128xf32, #tpu.memory_space<vmem>>) attributes {dimension_semantics = [], scalar_prefetch = 0 : i64, scratch_operands = 0 : i64, tpu.core_type = #tpu.core_type<tc>} {
    %get3A = arith.constant 0 : index
    %get3A_0 = arith.constant 0 : index
    %get3A_1 = arith.constant 0 : index
    %get3A_2 = vector.load %arg0[%get3A, %get3A_0, %get3A_1] : memref<32x80x128xf32, #tpu.memory_space<vmem>>, vector<32x80x128xf32>
    %reduce_sum3A = arith.constant dense<0.000000e+00> : vector<80x128xf32>
    %reduce_sum3A_3 = vector.multi_reduction <add>, %get3A_2, %reduce_sum3A [0] : vector<32x80x128xf32> to vector<80x128xf32>
    %add3A = arith.constant 1.000000e+00 : f32
    %add3A_4 = vector.broadcast %add3A : f32 to vector<80x128xf32>
    %add3A_5 = arith.addf %reduce_sum3A_3, %add3A_4 : vector<80x128xf32>
    %rsqrt3A = math.rsqrt %add3A_5 : vector<80x128xf32>
    %swap3A = arith.constant 0 : index
    %swap3A_6 = arith.constant 0 : index
    %swap3A_7 = vector.load %arg1[%swap3A, %swap3A_6] : memref<80x128xf32, #tpu.memory_space<vmem>>, vector<80x128xf32>
    tpu.vector_store %arg1[%swap3A, %swap3A_6], %rsqrt3A {strides = array<i32>} : memref<80x128xf32, #tpu.memory_space<vmem>>, vector<80x128xf32>,
    return
  }
}

module attributes {stable_mosaic.version = 14 : i64} {
  func.func @_mm_scale_body(%arg0: i32, %arg1: memref<2000x128xf32, #tpu.memory_space<vmem>>, %arg2: memref<128x128xf32, #tpu.memory_space<vmem>>, %arg3: memref<2000x1xf32, #tpu.memory_space<vmem>>, %arg4: memref<2000x128xf32, #tpu.memory_space<vmem>>) attributes {dimension_semantics = [#tpu.dimension_semantics<arbitrary>], iteration_bounds = array<i64: 5>, scalar_prefetch = 0 : i64, scratch_operands = 0 : i64, tpu.core_type = #tpu.core_type<tc>, window_params = [{transform_indices = @transform_0, window_bounds = array<i64: 2000, 128>}, {pipeline_mode = #tpu.pipeline_mode<synchronous>, transform_indices = @transform_1, window_bounds = array<i64: 128, 128>}, {transform_indices = @transform_2, window_bounds = array<i64: 2000, 1>}, {transform_indices = @transform_3, window_bounds = array<i64: 2000, 128>}]} {
    %get3A = arith.constant 0 : index
    %get3A_0 = arith.constant 0 : index
    %get3A_1 = vector.load %arg1[%get3A, %get3A_0] : memref<2000x128xf32, #tpu.memory_space<vmem>>, vector<2000x128xf32>
    %get3A_2 = arith.constant 0 : index
    %get3A_3 = arith.constant 0 : index
    %get3A_4 = vector.load %arg2[%get3A_2, %get3A_3] : memref<128x128xf32, #tpu.memory_space<vmem>>, vector<128x128xf32>
    %dot_general3A = arith.constant dense<0.000000e+00> : vector<2000x128xf32>
    %dot_general3A_5 = tpu.matmul %get3A_1, %get3A_4, %dot_general3A {dimension_numbers = #tpu.dot_dimension_numbers<[1], [0], [0], [1], [0, 0, 1, 1], [], []>, precision = #tpu.contract_precision<fp32>, transpose_lhs_hint = false} : vector<2000x128xf32>, vector<128x128xf32>, vector<2000x128xf32> -> vector<2000x128xf32>
    %get3A_6 = arith.constant 0 : index
    %get3A_7 = arith.constant 0 : index
    %get3A_8 = vector.load %arg3[%get3A_6, %get3A_7] : memref<2000x1xf32, #tpu.memory_space<vmem>>, vector<2000x1xf32>
    %mul3A = vector.broadcast %get3A_8 : vector<2000x1xf32> to vector<2000x128xf32>
    %mul3A_9 = arith.mulf %dot_general3A_5, %mul3A : vector<2000x128xf32>
    %swap3A = arith.constant 0 : index
    %swap3A_10 = arith.constant 0 : index
    %swap3A_11 = vector.load %arg4[%swap3A, %swap3A_10] : memref<2000x128xf32, #tpu.memory_space<vmem>>, vector<2000x128xf32>
    tpu.vector_store %arg4[%swap3A, %swap3A_10], %mul3A_9 {strides = array<i32>} : memref<2000x128xf32, #tpu.memory_space<vmem>>, vector<2000x128xf32>,
    return
  }
  func.func @transform_0(%arg0: i32) -> (i32, i32) {
    %c0_i32 = arith.constant 0 : i32
    %c0_i32_0 = arith.constant 0 : i32
    return %arg0, %c0_i32 : i32, i32
  }
  func.func @transform_1(%arg0: i32) -> (i32, i32) {
    %c0_i32 = arith.constant 0 : i32
    %c0_i32_0 = arith.constant 0 : i32
    %c0_i32_1 = arith.constant 0 : i32
    return %c0_i32, %c0_i32_0 : i32, i32
  }
  func.func @transform_2(%arg0: i32) -> (i32, i32) {
    %c0_i32 = arith.constant 0 : i32
    %c0_i32_0 = arith.constant 0 : i32
    return %arg0, %c0_i32 : i32, i32
  }
  func.func @transform_3(%arg0: i32) -> (i32, i32) {
    %c0_i32 = arith.constant 0 : i32
    %c0_i32_0 = arith.constant 0 : i32
    return %arg0, %c0_i32 : i32, i32
  }
}

module attributes {stable_mosaic.version = 14 : i64} {
  func.func @_mid_body(%arg0: i32, %arg1: memref<2x2000x128xf32, #tpu.memory_space<vmem>>, %arg2: memref<2000x128xf32, #tpu.memory_space<vmem>>, %arg3: memref<2000x1xf32, #tpu.memory_space<vmem>>, %arg4: memref<1x128xf32, #tpu.memory_space<vmem>>, %arg5: memref<128x128xf32, #tpu.memory_space<vmem>>, %arg6: memref<2000x128xf32, #tpu.memory_space<vmem>>) attributes {dimension_semantics = [#tpu.dimension_semantics<arbitrary>], iteration_bounds = array<i64: 5>, scalar_prefetch = 0 : i64, scratch_operands = 0 : i64, tpu.core_type = #tpu.core_type<tc>, window_params = [{transform_indices = @transform_0, window_bounds = array<i64: 2, 2000, 128>}, {transform_indices = @transform_1, window_bounds = array<i64: 2000, 128>}, {transform_indices = @transform_2, window_bounds = array<i64: 2000, 1>}, {pipeline_mode = #tpu.pipeline_mode<synchronous>, transform_indices = @transform_3, window_bounds = array<i64: 1, 128>}, {pipeline_mode = #tpu.pipeline_mode<synchronous>, transform_indices = @transform_4, window_bounds = array<i64: 128, 128>}, {transform_indices = @transform_5, window_bounds = array<i64: 2000, 128>}]} {
    %get3A = arith.constant 0 : index
    %get3A_0 = arith.constant 0 : index
    %get3A_1 = arith.constant 0 : index
    %get3A_2 = vector.load %arg1[%get3A, %get3A_0, %get3A_1] : memref<2x2000x128xf32, #tpu.memory_space<vmem>>, vector<1x2000x128xf32>
    %get3A_3 = vector.shape_cast %get3A_2 : vector<1x2000x128xf32> to vector<2000x128xf32>
    %get3A_4 = arith.constant 1 : index
    %get3A_5 = arith.constant 0 : index
    %get3A_6 = arith.constant 0 : index
    %get3A_7 = vector.load %arg1[%get3A_4, %get3A_5, %get3A_6] : memref<2x2000x128xf32, #tpu.memory_space<vmem>>, vector<1x2000x128xf32>
    %get3A_8 = vector.shape_cast %get3A_7 : vector<1x2000x128xf32> to vector<2000x128xf32>
    %add3A = arith.addf %get3A_3, %get3A_8 : vector<2000x128xf32>
    %get3A_9 = arith.constant 0 : index
    %get3A_10 = arith.constant 0 : index
    %get3A_11 = vector.load %arg2[%get3A_9, %get3A_10] : memref<2000x128xf32, #tpu.memory_space<vmem>>, vector<2000x128xf32>
    %sub3A = arith.subf %add3A, %get3A_11 : vector<2000x128xf32>
    %get3A_12 = arith.constant 0 : index
    %get3A_13 = arith.constant 0 : index
    %get3A_14 = vector.load %arg3[%get3A_12, %get3A_13] : memref<2000x1xf32, #tpu.memory_space<vmem>>, vector<2000x1xf32>
    %mul3A = vector.broadcast %get3A_14 : vector<2000x1xf32> to vector<2000x128xf32>
    %mul3A_15 = arith.mulf %sub3A, %mul3A : vector<2000x128xf32>
    %get3A_16 = arith.constant 0 : index
    %get3A_17 = arith.constant 0 : index
    %get3A_18 = vector.load %arg4[%get3A_16, %get3A_17] : memref<1x128xf32, #tpu.memory_space<vmem>>, vector<1x128xf32>
    %add3A_19 = vector.broadcast %get3A_18 : vector<1x128xf32> to vector<2000x128xf32>
    %add3A_20 = arith.addf %mul3A_15, %add3A_19 : vector<2000x128xf32>
    %max3A = arith.constant 0.000000e+00 : f32
    %max3A_21 = vector.broadcast %max3A : f32 to vector<2000x128xf32>
    %max3A_22 = arith.maximumf %add3A_20, %max3A_21 : vector<2000x128xf32>
    %get3A_23 = arith.constant 0 : index
    %get3A_24 = arith.constant 0 : index
    %get3A_25 = vector.load %arg5[%get3A_23, %get3A_24] : memref<128x128xf32, #tpu.memory_space<vmem>>, vector<128x128xf32>
    %dot_general3A = arith.constant dense<0.000000e+00> : vector<2000x128xf32>
    %dot_general3A_26 = tpu.matmul %max3A_22, %get3A_25, %dot_general3A {dimension_numbers = #tpu.dot_dimension_numbers<[1], [0], [0], [1], [0, 0, 1, 1], [], []>, precision = #tpu.contract_precision<fp32>, transpose_lhs_hint = false} : vector<2000x128xf32>, vector<128x128xf32>, vector<2000x128xf32> -> vector<2000x128xf32>
    %get3A_27 = arith.constant 0 : index
    %get3A_28 = arith.constant 0 : index
    %get3A_29 = vector.load %arg3[%get3A_27, %get3A_28] : memref<2000x1xf32, #tpu.memory_space<vmem>>, vector<2000x1xf32>
    %mul3A_30 = vector.broadcast %get3A_29 : vector<2000x1xf32> to vector<2000x128xf32>
    %mul3A_31 = arith.mulf %dot_general3A_26, %mul3A_30 : vector<2000x128xf32>
    %swap3A = arith.constant 0 : index
    %swap3A_32 = arith.constant 0 : index
    %swap3A_33 = vector.load %arg6[%swap3A, %swap3A_32] : memref<2000x128xf32, #tpu.memory_space<vmem>>, vector<2000x128xf32>
    tpu.vector_store %arg6[%swap3A, %swap3A_32], %mul3A_31 {strides = array<i32>} : memref<2000x128xf32, #tpu.memory_space<vmem>>, vector<2000x128xf32>,
    return
  }
  func.func @transform_0(%arg0: i32) -> (i32, i32, i32) {
    %c0_i32 = arith.constant 0 : i32
    %c0_i32_0 = arith.constant 0 : i32
    %c0_i32_1 = arith.constant 0 : i32
    return %c0_i32, %arg0, %c0_i32_0 : i32, i32, i32
  }
  func.func @transform_1(%arg0: i32) -> (i32, i32) {
    %c0_i32 = arith.constant 0 : i32
    %c0_i32_0 = arith.constant 0 : i32
    return %arg0, %c0_i32 : i32, i32
  }
  func.func @transform_2(%arg0: i32) -> (i32, i32) {
    %c0_i32 = arith.constant 0 : i32
    %c0_i32_0 = arith.constant 0 : i32
    return %arg0, %c0_i32 : i32, i32
  }
  func.func @transform_3(%arg0: i32) -> (i32, i32) {
    %c0_i32 = arith.constant 0 : i32
    %c0_i32_0 = arith.constant 0 : i32
    %c0_i32_1 = arith.constant 0 : i32
    return %c0_i32, %c0_i32_0 : i32, i32
  }
  func.func @transform_4(%arg0: i32) -> (i32, i32) {
    %c0_i32 = arith.constant 0 : i32
    %c0_i32_0 = arith.constant 0 : i32
    %c0_i32_1 = arith.constant 0 : i32
    return %c0_i32, %c0_i32_0 : i32, i32
  }
  func.func @transform_5(%arg0: i32) -> (i32, i32) {
    %c0_i32 = arith.constant 0 : i32
    %c0_i32_0 = arith.constant 0 : i32
    return %arg0, %c0_i32 : i32, i32
  }
}

module attributes {stable_mosaic.version = 14 : i64} {
  func.func @_final_body(%arg0: i32, %arg1: memref<2x2000x128xf32, #tpu.memory_space<vmem>>, %arg2: memref<2000x128xf32, #tpu.memory_space<vmem>>, %arg3: memref<2000x1xf32, #tpu.memory_space<vmem>>, %arg4: memref<1x128xf32, #tpu.memory_space<vmem>>, %arg5: memref<2000x128xf32, #tpu.memory_space<vmem>>) attributes {dimension_semantics = [#tpu.dimension_semantics<arbitrary>], iteration_bounds = array<i64: 5>, scalar_prefetch = 0 : i64, scratch_operands = 0 : i64, tpu.core_type = #tpu.core_type<tc>, window_params = [{transform_indices = @transform_0, window_bounds = array<i64: 2, 2000, 128>}, {transform_indices = @transform_1, window_bounds = array<i64: 2000, 128>}, {transform_indices = @transform_2, window_bounds = array<i64: 2000, 1>}, {pipeline_mode = #tpu.pipeline_mode<synchronous>, transform_indices = @transform_3, window_bounds = array<i64: 1, 128>}, {transform_indices = @transform_4, window_bounds = array<i64: 2000, 128>}]} {
    %get3A = arith.constant 0 : index
    %get3A_0 = arith.constant 0 : index
    %get3A_1 = arith.constant 0 : index
    %get3A_2 = vector.load %arg1[%get3A, %get3A_0, %get3A_1] : memref<2x2000x128xf32, #tpu.memory_space<vmem>>, vector<1x2000x128xf32>
    %get3A_3 = vector.shape_cast %get3A_2 : vector<1x2000x128xf32> to vector<2000x128xf32>
    %get3A_4 = arith.constant 1 : index
    %get3A_5 = arith.constant 0 : index
    %get3A_6 = arith.constant 0 : index
    %get3A_7 = vector.load %arg1[%get3A_4, %get3A_5, %get3A_6] : memref<2x2000x128xf32, #tpu.memory_space<vmem>>, vector<1x2000x128xf32>
    %get3A_8 = vector.shape_cast %get3A_7 : vector<1x2000x128xf32> to vector<2000x128xf32>
    %add3A = arith.addf %get3A_3, %get3A_8 : vector<2000x128xf32>
    %get3A_9 = arith.constant 0 : index
    %get3A_10 = arith.constant 0 : index
    %get3A_11 = vector.load %arg2[%get3A_9, %get3A_10] : memref<2000x128xf32, #tpu.memory_space<vmem>>, vector<2000x128xf32>
    %sub3A = arith.subf %add3A, %get3A_11 : vector<2000x128xf32>
    %get3A_12 = arith.constant 0 : index
    %get3A_13 = arith.constant 0 : index
    %get3A_14 = vector.load %arg3[%get3A_12, %get3A_13] : memref<2000x1xf32, #tpu.memory_space<vmem>>, vector<2000x1xf32>
    %mul3A = vector.broadcast %get3A_14 : vector<2000x1xf32> to vector<2000x128xf32>
    %mul3A_15 = arith.mulf %sub3A, %mul3A : vector<2000x128xf32>
    %get3A_16 = arith.constant 0 : index
    %get3A_17 = arith.constant 0 : index
    %get3A_18 = vector.load %arg4[%get3A_16, %get3A_17] : memref<1x128xf32, #tpu.memory_space<vmem>>, vector<1x128xf32>
    %add3A_19 = vector.broadcast %get3A_18 : vector<1x128xf32> to vector<2000x128xf32>
    %add3A_20 = arith.addf %mul3A_15, %add3A_19 : vector<2000x128xf32>
    %max3A = arith.constant 0.000000e+00 : f32
    %max3A_21 = vector.broadcast %max3A : f32 to vector<2000x128xf32>
    %max3A_22 = arith.maximumf %add3A_20, %max3A_21 : vector<2000x128xf32>
    %swap3A = arith.constant 0 : index
    %swap3A_23 = arith.constant 0 : index
    %swap3A_24 = vector.load %arg5[%swap3A, %swap3A_23] : memref<2000x128xf32, #tpu.memory_space<vmem>>, vector<2000x128xf32>
    tpu.vector_store %arg5[%swap3A, %swap3A_23], %max3A_22 {strides = array<i32>} : memref<2000x128xf32, #tpu.memory_space<vmem>>, vector<2000x128xf32>,
    return
  }
  func.func @transform_0(%arg0: i32) -> (i32, i32, i32) {
    %c0_i32 = arith.constant 0 : i32
    %c0_i32_0 = arith.constant 0 : i32
    %c0_i32_1 = arith.constant 0 : i32
    return %c0_i32, %arg0, %c0_i32_0 : i32, i32, i32
  }
  func.func @transform_1(%arg0: i32) -> (i32, i32) {
    %c0_i32 = arith.constant 0 : i32
    %c0_i32_0 = arith.constant 0 : i32
    return %arg0, %c0_i32 : i32, i32
  }
  func.func @transform_2(%arg0: i32) -> (i32, i32) {
    %c0_i32 = arith.constant 0 : i32
    %c0_i32_0 = arith.constant 0 : i32
    return %arg0, %c0_i32 : i32, i32
  }
  func.func @transform_3(%arg0: i32) -> (i32, i32) {
    %c0_i32 = arith.constant 0 : i32
    %c0_i32_0 = arith.constant 0 : i32
    %c0_i32_1 = arith.constant 0 : i32
    return %c0_i32, %c0_i32_0 : i32, i32
  }
  func.func @transform_4(%arg0: i32) -> (i32, i32) {
    %c0_i32 = arith.constant 0 : i32
    %c0_i32_0 = arith.constant 0 : i32
    return %arg0, %c0_i32 : i32, i32
  }
}

</mosaic_0001>

<sc_bundles>
// kernel: kernel.12.cloned.1.call-start
scs
__scs_entry_jumppad:
0x0: {  	(pc) =	sbr.rel $0x88, $3  }
0x1: {  	(tag) =	ssettag $0x0;
	lr =	simm.s32 $0x1  }
0x2: {  	[smem:$0x3F9B] =	sst lr;
	_ =	strace $0xD0000000  }
0x3: {  	_ = 	snop  }
0x4: {  	_ = 	snop  }
0x5: {  	_ = 	snop  }
0x6: {  	_ = 	snop  }
0x7: {  	_ = 	snop  }
__scs_overlays_trampoline_lowered:
0x8: {  	[smem:$0x3FAA] =	sst s0  }
0x9: {  	[smem:$0x3FAB] =	sst s1  }
0xa: {  	[smem:$0x3FAC] =	sst s2  }
0xb: {  	[smem:$0x3FAD] =	sst s3  }
0xc: {  	[smem:$0x3FAE] =	sst s4  }
0xd: {  	[smem:$0x3FAF] =	sst s5  }
0xe: {  	[smem:$0x3FB0] =	sst s6  }
0xf: {  	[smem:$0x3FB1] =	sst s7  }
0x10: {  	[smem:$0x3FB2] =	sst s8  }
0x11: {  	[smem:$0x3FB3] =	sst s9;
	s0 =	simm.s32 @!p0 $0x0  }
0x12: {  	s1 =	sld [smem:$0x3F99];
	s0 =	simm.s32 @p0 $0x1  }
0x13: {  	[smem:$0x3FB4] =	sst s0;
	s0 =	simm.s32 @!p1 $0x0  }
0x14: {  	s2 =	sld [smem:$0x3F98];
	s0 =	simm.s32 @p1 $0x1  }
0x15: {  	[smem:$0x3FB5] =	sst s0;
	s0 =	simm.s32 @!p2 $0x0  }
0x16: {  	s3 =	sld [smem:$0x3FDB];
	s0 =	simm.s32 @p2 $0x1  }
0x17: {  	s4 =	simm.s32 $0x1BF5;
	[smem:$0x3FB7] =	sst s0  }
0x18: {  	s0 =	sld [smem:$0x3F9A];
	_ =	swait.ge [sflag:s4], $0x0  }
0x19: {  	s7 =	sld [smem:$0x3F9B]  }
0x1a: {  	s8 =	sadd.s32 $0xFFFFE003, lr  }
0x1b: {  	s9 =	sadd.s32 $0xFFFFFEF7, lr;
	s5 =	simm.s32 $0xFFFFFFFF;
	p2 =	slt.u32 s8, $0xFFFFF086  }
0x1c: {  	p1 =	slt.u32 s9, $0xF7A;
	s5 =	simm.s32 @!p2 $0x0  }
0x1d: {  	s5 =	simm.s32 @p1 $0x1;
	p0 =	seq.s32 s7, s2  }
0x1e: {  	s7 =	smul.u32 @!p0 $0xF7A, s2;
	p2 =	seq.s32 @!p0 s5, $0x0  }
0x1f: {  	s9 =	smul.u32 $0xF7A, s1;
	s8 =	simm.s32 @!p0 $0x1BF5;
	p2 =	por !p2, p0  }
0x20: {  	[sflag:s8] =	ssyncset.s32 @!p0 $0xFFFFF086;
	s6 =	sadd.s32 @!p0 s3, s7;
	s7 =	simm.s32 @!p0 $0x108  }
0x21: {  	s3 =	sadd.s32 s3, s9;
	s6 =	sadd.s32 @!p0 $0x88, s6;
	s7 =	simm.s32 @p2 $0x1082  }
0x22: {  	[simem:s7], [sflag:s8] =	dma.local @!p0 [hbm:s6], $0xF7A  }
0x23: {  	s9 =	sor.u32 $0xD0000000, s2;
	s6 =	simm.s32 $0x108;
	_ =	swait.ge @!p0 [sflag:s8], $0x0  }
0x24: {  	s3 =	sadd.s32 $0x88, s3;
	s6 =	simm.s32 @!p1 $0x1082;
	[sflag:s4] =	ssyncset.s32 $0xFFFFF086  }
0x25: {  	[simem:s6], [sflag:s4] =	dma.local [hbm:s3], $0xF7A  }
0x26: {  	[smem:$0x3F9B] =	sst s1;
	(tag) =	ssettag s2;
	_ =	strace s9  }
0x27: {  	s1 =	sld [smem:$0x3FAB]  }
0x28: {  	s2 =	sld [smem:$0x3FAC]  }
0x29: {  	s4 =	sld [smem:$0x3FAE]  }
0x2a: {  	p0 =	seq.s32 s5, $0x0;
	s5 =	sld [smem:$0x3FAF]  }
0x2b: {  	s6 =	sld [smem:$0x3FB0]  }
0x2c: {  	s7 =	sld [smem:$0x3FB1]  }
0x2d: {  	s3 =	simm.s32 $0x108;
	s8 =	sld [smem:$0x3FB2]  }
0x2e: {  	s3 =	simm.s32 @!p0 $0x1082;
	s9 =	sld [smem:$0x3FB3]  }
0x2f: {  	lr =	sadd.s32 s0, s3;
	s0 =	sld [smem:$0x3FAA]  }
0x30: {  	s3 =	sld [smem:$0x3FAD]  }
0x31: {  	[smem:$0x3FB6] =	sst s10  }
0x32: {  	s10 =	sld [smem:$0x3FB4];
	_ =	sdelay $0x3  }
0x33: {  	p0 =	seq.s32 s10, $0x1;
	s10 =	sld [smem:$0x3FB6];
	_ =	sdelay $0x3  }
0x34: {  	[smem:$0x3FB6] =	sst s10  }
0x35: {  	s10 =	sld [smem:$0x3FB5];
	_ =	sdelay $0x3  }
0x36: {  	p1 =	seq.s32 s10, $0x1;
	s10 =	sld [smem:$0x3FB6];
	_ =	sdelay $0x3  }
0x37: {  	[smem:$0x3FB6] =	sst s10  }
0x38: {  	s10 =	sld [smem:$0x3FB7]  }
0x39: {  	_ = 	snop;
	(pc) =	sbr.ind lr, $3  }
0x3a: {  	_ = 	snop  }
0x3b: {  	_ = 	snop  }
0x3c: {  	p2 =	seq.s32 s10, $0x1;
	s10 =	sld [smem:$0x3FB6]  }
0x3d: {  	_ =	shalt  }
0x3e: {  	_ =	shalt  }
0x3f: {  	_ =	shalt  }
0x40: {  	_ =	shalt  }
0x41: {  	_ =	shalt  }
0x42: {  	_ =	shalt  }
0x43: {  	_ =	shalt  }
0x44: {  	_ =	shalt  }
0x45: {  	_ =	shalt  }
0x46: {  	_ =	shalt  }
0x47: {  	_ =	shalt  }
0x48: {  	_ =	shalt  }
0x49: {  	_ =	shalt  }
0x4a: {  	_ =	shalt  }
0x4b: {  	_ =	shalt  }
0x4c: {  	_ =	shalt  }
0x4d: {  	_ =	shalt  }
0x4e: {  	_ =	shalt  }
0x4f: {  	_ =	shalt  }
0x50: {  	_ =	shalt  }
0x51: {  	_ =	shalt  }
0x52: {  	_ =	shalt  }
0x53: {  	_ =	shalt  }
0x54: {  	_ =	shalt  }
0x55: {  	_ =	shalt  }
0x56: {  	_ =	shalt  }
0x57: {  	_ =	shalt  }
0x58: {  	_ =	shalt  }
0x59: {  	_ =	shalt  }
0x5a: {  	_ =	shalt  }
0x5b: {  	_ =	shalt  }
0x5c: {  	_ =	shalt  }
0x5d: {  	_ =	shalt  }
0x5e: {  	_ =	shalt  }
0x5f: {  	_ =	shalt  }
0x60: {  	_ =	shalt  }
0x61: {  	_ =	shalt  }
0x62: {  	_ =	shalt  }
0x63: {  	_ =	shalt  }
0x64: {  	_ =	shalt  }
0x65: {  	_ =	shalt  }
0x66: {  	_ =	shalt  }
0x67: {  	_ =	shalt  }
0x68: {  	_ =	shalt  }
0x69: {  	_ =	shalt  }
0x6a: {  	_ =	shalt  }
0x6b: {  	_ =	shalt  }
0x6c: {  	_ =	shalt  }
0x6d: {  	_ =	shalt  }
0x6e: {  	_ =	shalt  }
0x6f: {  	_ =	shalt  }
0x70: {  	_ =	shalt  }
0x71: {  	_ =	shalt  }
0x72: {  	_ =	shalt  }
0x73: {  	_ =	shalt  }
0x74: {  	_ =	shalt  }
0x75: {  	_ =	shalt  }
0x76: {  	_ =	shalt  }
0x77: {  	_ =	shalt  }
0x78: {  	_ =	shalt  }
0x79: {  	_ =	shalt  }
0x7a: {  	_ =	shalt  }
0x7b: {  	_ =	shalt  }
0x7c: {  	_ =	shalt  }
0x7d: {  	_ =	shalt  }
0x7e: {  	_ =	shalt  }
0x7f: {  	_ =	shalt  }
0x80: {  	_ =	shalt  }
0x81: {  	_ =	shalt  }
0x82: {  	_ =	shalt  }
0x83: {  	_ =	shalt  }
0x84: {  	_ =	shalt  }
0x85: {  	_ =	shalt  }
0x86: {  	_ =	shalt  }
0x87: {  	_ =	shalt  }
.Lfunc_end0:
.L_simem_size_0:
called_computation.1_lowered:
.L_overlay_start_0:
0x88: {  	s2 =	sld [smem:$0x3FD9]  }
0x89: {  	s3 =	sld [smem:$0x3FFE];
	_ =	sdelay $0x1  }
0x8a: {  	s1 =	srdreg.scid  }
0x8b: {  	s0 =	sand.u32 $0x1, s1  }
0x8c: {  	s17 =	sshll.u32 s0, $0xA;
	s2 =	sadd.s32 s3, s2  }
0x8d: {  	s2 =	sadd.s32 s2, s17  }
0x8e: {  	[smem:$0x3FC2] =	sst s2  }
0x8f: {  	_ = 	snop  }
0x90: {  	s2 =	sld [smem:$0x3FD0];
	(tm) =	ssettm $0x1  }
0x91: {  	s18 =	sld [smem:$0x3FFB];
	_ =	sdelay $0x3  }
0x92: {  	_ =	strace s18  }
0x93: {  	s3 =	sld [smem:$0x3FFC];
	_ =	sdelay $0x3  }
0x94: {  	_ =	strace s3  }
0x95: {  	s3 =	sld [smem:$0x3FFD];
	_ =	sdelay $0x3  }
0x96: {  	_ =	strace s3  }
0x97: {  	_ =	strace $0x8FFFFFFF  }
0x98: {  	s19 =	sld [smem:$0x3FDB];
	_ =	sdelay $0x1  }
0x99: {  	s4 =	simm.s32 $_scs_section_size  }
0x9a: {  	s5 =	simm.s32 $_size__tile_overlayer_lowered;
	s6 =	simm.s32 $_tile_overlayer_lowered  }
0x9b: {  	s22 =	simm.s32 $0x1BFF;
	s21 =	sshll.u32 s6, $0x1;
	s3 =	sadd.s32 s4, s19  }
0x9c: {  	s7 =	simm.s32 $0x0;
	s20 =	sshll.u32 s5, $0x1;
	s5 =	sadd.s32 s21, s3  }
0x9d: {  	[timem:s7], [sflag:s22] =	dma.local [hbm:s5], s20  }
0x9e: {  	_ =	swait.ge [sflag:s22], s20  }
0x9f: {  	s4 =	ssub.s32 $0x0, s20;
	[sflag:s22] =	ssyncset.done $0x0  }
0xa0: {  	[sflag:s22] =	ssyncadd.s32 s4;
	_ =	sdelay $0x1  }
0xa1: {  	s23 =	simm.s32 $0x1B8B  }
0xa2: {  	_ =	swait.ge [sflag:s23], $0x1  }
0xa3: {  	[sflag:s23] =	ssyncset.done $0x0  }
0xa4: {  	s25 =	simm.s32 $0x1B8E;
	s24 =	sld [smem:$0x3FFE];
	[sflag:s23] =	ssyncadd.s32 $0xFFFFFFFF  }
0xa5: {  	s26 =	simm.s32 $execute0_lowered;
	[smem:$0x3FD2] =	sst s25  }
0xa6: {  	s5 =	sshll.u32 s26, $0x1;
	_ =	strace $0x80000049;
	[dreg:$0x1] =	wrdreg $0xFFFFFFFF  }
0xa7: {  	s28 =	simm.s32 $_size_execute0_lowered;
	s3 =	sadd.s32 s3, s5;
	[dreg:$0x0] =	wrdreg $0x0  }
0xa8: {  	s5 =	sshll.u32 s28, $0x1;
	[dreg:$0x2] =	wrdreg s3  }
0xa9: {  	[dreg:$0x3] =	wrdreg s5  }
0xaa: {  	[dreg:$0x4] =	wrdreg $0xC0  }
0xab: {  	_ =	task [dreg:s7], $0x5FFFF  }
0xac: {  	[dreg:$0x1] =	wrdreg $0xFFFFFFFF  }
0xad: {  	[dreg:$0x0] =	wrdreg $0x60  }
0xae: {  	[dreg:$0x2] =	wrdreg s2  }
0xaf: {  	[dreg:$0x3] =	wrdreg s24  }
0xb0: {  	[dreg:$0x4] =	wrdreg $0x0  }
0xb1: {  	[dreg:$0x5] =	wrdreg $0x9  }
0xb2: {  	_ =	task.clear_ibuf [dreg:s7], $0x6FFFF;
	_ =	strace $0x90000049  }
0xb3: {  	s29 =	simm.s32 $0x9;
	_ =	strace $0x8000004B  }
0xb4: {  	_ =	swait.ge [sflag:s29], $0x1  }
0xb5: {  	[sflag:s29] =	ssyncadd.s32 $0xFFFFFFFF  }
0xb6: {  	_ =	strace $0x9000004B  }
0xb7: {  	_ =	sfence  }
0xb8: {  	s30 =	sld [smem:$0x0];
	_ =	sdelay $0x2  }
0xb9: {  	s31 =	sshll.u32 s1, $0xD;
	s1 =	sshrl.u32 s1, $0x2  }
0xba: {  	s3 =	sand.u32 $0x4000, s31;
	s1 =	sadd.s32 s1, s30  }
0xbb: {  	s0 =	sor.u32 s3, s0;
	s1 =	sshll.u32 s1, $0x11  }
0xbc: {  	s0 =	sor.u32 s1, s0  }
0xbd: {  	s0 =	sadd.s32 $0x8F2B, s0  }
0xbe: {  	[sflag:s0] =	ssyncadd.remote.s32 $0x1  }
0xbf: {  	_ =	sfence.sel $0xFFFF  }
0xc0: {  	[dreg:$0x0] =	wrdreg $0xFFFFFFFF;
	(pc) =	sbr.abs _section_cstart, $3  }
0xc1: {  	[dreg:$0x1] =	wrdreg $0xFFFFFFFF  }
0xc2: {  	_ =	task.clear_ibuf [dreg:s7], $0x2FFFF;
	_ =	strace $0x9FFFFFFF  }
0xc3: {  	(tm) =	ssettm $0x7FFFFFFF  }
tec
execute0_lowered:
.L_overlay_start_1:
0x0: {  	(tag) =	ssettag $0x1  }
0x1: {  	s0 =	rddreg [dreg:$0x0]  }
0x2: {  	s1 =	srdreg.scid;
	s2 =	rddreg [dreg:$0x1]  }
0x3: {  	s3 =	rddreg [dreg:$0x2];
	s16 =	stileid.u32  }
0x4: {  	s4 =	simm.s32 $0x0;
	s12 =	simm.s32 $0x13880;
	s13 =	simm.s32 $0x7  }
0x5: {  	s14 =	simm.s32 $0x15F90;
	s18 =	simm.s32 $0x50;
	s19 =	simm.s32 $0x186A0  }
0x6: {  	s21 =	simm.s32 $0x1AEA0;
	s23 =	simm.s32 $0x1D6A0;
	s24 =	simm.s32 $0x1  }
0x7: {  	s28 =	simm.s32 $0x4;
	s30 =	simm.s32 $0x3;
	s29 =	simm.s32 $0x18650  }
0x8: {  	s31 =	simm.s32 $0x0;
	s1 =	sand.u32 $0x1, s1;
	[smem:$0x7FF] =	sst s4  }
0x9: {  	s8 =	smul.u32 $0x14000, s16;
	s15 =	sadd.s32 $0x12C000, s3;
	p0 =	seq.s32 s16, $0xF  }
0xa: {  	s5 =	sshll.u32 s1, $0x4;
	s6 =	ssub.s32 $0x2, s1;
	_ =	strace $0x8000004A  }
0xb: {  	s1 =	smul.u32 $0x138800, s1;
	s15 =	sshrl.u32 @p0 s15, $0x3;
	s5 =	sor.u32 s16, s5  }
0xc: {  	s7 =	sshrl.u32 s6, $0x1;
	s25 =	sshrl.u32 s8, $0x3;
	s17 =	sadd.s32 s8, s3  }
0xd: {  	s5 =	smul.u32 $0x4E2, s5;
	s11 =	ssub.s32 s6, s7;
	s7 =	sadd.s32 s0, s25  }
0xe: {  	s26 =	sadd.s32 s8, s1;
	s1 =	sshrl.u32 s1, $0x3;
	s8 =	sadd.s32 $0x25800, s0  }
0xf: {  	s17 =	sshrl.u32 @!p0 s17, $0x3;
	s25 =	simm.s32 $0x2;
	s9 =	sadd.s32 s5, s2  }
0x10: {  	s11 =	smax.u32 s11, $0x1;
	s2 =	sadd.s32 $0x16800, s2;
	s5 =	sadd.s32 $0x2C00, s9  }
0x11: {  	s6 =	sadd.s32 $0xCA00, s9;
	s9 =	sshrl.u32 s26, $0x3;
	s1 =	sadd.s32 s2, s1  }
0x12: {  	s9 =	sadd.s32 s2, s9;
	s10 =	sadd.s32 $0x25800, s1;
	s1 =	sshll.u32 @!p0 s16, $0x6  }
0x13: {  	s2 =	simm.s32 $0x6;
	s16 =	sor.u32 @!p0 $0x1C07, s1;
	s1 =	simm.s32 $0x5  }
.LBB2_1:
0x14: {  	[tilespmem:s12], [sflag:$0x7] =	stream.linear.gather [hbm4b:s5+s4], $0x2710, $0x38;
	[tilespmem:$0x1FEA0] =	vst v63  }
0x15: {  	_ =	swait.ge [sflag:s13], $0x2710  }
0x16: {  	[sflag:s13] =	ssyncset.done $0x0  }
0x17: {  	[sflag:s13] =	ssyncadd.s32 $0xFFFFD8F0  }
0x18: {  	[tilespmem:s14], [sflag:$0x7] =	stream.linear.gather [hbm4b:s6+s4], $0x2710, $0x38;
	[tilespmem:$0x1FEA0] =	vst v63  }
0x19: {  	_ =	swait.ge [sflag:s13], $0x2710  }
0x1a: {  	[sflag:s13] =	ssyncset.done $0x0  }
0x1b: {  	s20 =	simm.s32 @p0 $0x1FC7;
	[sflag:s13] =	ssyncadd.s32 $0xFFFFD8F0  }
0x1c: {  	[spmem:s15], [sflag:s20] =	dma.local @p0 [hbm:s8], $0x1900  }
0x1d: {  	s20 =	simm.s32 @p0 $0x7  }
0x1e: {  	_ =	swait.ge @p0 [sflag:s20], $0x1900  }
0x1f: {  	[sflag:s20] =	ssyncset.done @p0 $0x0  }
0x20: {  	[sflag:s20] =	ssyncadd.s32 @p0 $0xFFFFE700;
	s20 =	simm.s32 @!p0 $0x7  }
0x21: {  	[spmem:s17], [sflag:s16] =	dma.local @!p0 [hbm:s7], $0x2800  }
0x22: {  	_ =	swait.ge @!p0 [sflag:s20], $0x2800  }
0x23: {  	[sflag:s20] =	ssyncset.done @!p0 $0x0  }
0x24: {  	[sflag:s20] =	ssyncadd.s32 @!p0 $0xFFFFD800  }
0x25: {  	[bflag:$0x0] =	sbarrier.arrive $0xFFFF  }
0x26: {  	[tilespmem:s19], [sflag:$0x1] =	stream.indirect.gather [hbm4b:s0+s18], $0x80, s12, s18, $0xb8;
	[tilespmem:$0x1FEA0] =	vst v63  }
0x27: {  	s22 =	simm.s32 $0x138D0  }
0x28: {  	[tilespmem:s21], [sflag:$0x2] =	stream.indirect.gather [hbm4b:s0+s18], $0x80, s22, s18, $0xb8;
	[tilespmem:$0x1FEA0] =	vst v63  }
0x29: {  	s26 =	simm.s32 $0x13920  }
0x2a: {  	[tilespmem:s23], [sflag:$0x3] =	stream.indirect.gather [hbm4b:s0+s18], $0x80, s26, s18, $0xb8;
	[tilespmem:$0x1FEA0] =	vst v63  }
0x2b: {  	_ =	swait.ge [sflag:s24], $0x2800  }
0x2c: {  	[sflag:s24] =	ssyncset.done $0x0  }
0x2d: {  	[sflag:s24] =	ssyncadd.s32 $0xFFFFD800  }
0x2e: {  	[spmem:s3] =	stream.indirect.scatter.add.f32 [tilespmem:s19], [sflag:$0x4], $0x80, s14, s18, $0xb8;
	[tilespmem:$0x1FEA0] =	vst v63  }
0x2f: {  	_ =	swait.ge [sflag:s25], $0x2800  }
0x30: {  	[sflag:s25] =	ssyncset.done $0x0  }
0x31: {  	s22 =	simm.s32 $0x15FE0;
	[sflag:s25] =	ssyncadd.s32 $0xFFFFD800  }
0x32: {  	[spmem:s3] =	stream.indirect.scatter.add.f32 [tilespmem:s21], [sflag:$0x5], $0x80, s22, s18, $0xb8;
	[tilespmem:$0x1FEA0] =	vst v63  }
0x33: {  	_ =	swait.ge [sflag:s28], $0x2800  }
0x34: {  	[sflag:s28] =	ssyncset.done $0x0  }
0x35: {  	s26 =	simm.s32 $0x13970;
	[sflag:s28] =	ssyncadd.s32 $0xFFFFD800  }
0x36: {  	[tilespmem:s19], [sflag:$0x1] =	stream.indirect.gather [hbm4b:s0+s18], $0x80, s26, s18, $0xb8;
	[tilespmem:$0x1FEA0] =	vst v63  }
0x37: {  	_ =	swait.ge [sflag:s30], $0x2800  }
0x38: {  	[sflag:s30] =	ssyncset.done $0x0  }
0x39: {  	s22 =	simm.s32 $0x16030;
	[sflag:s30] =	ssyncadd.s32 $0xFFFFD800  }
0x3a: {  	[spmem:s3] =	stream.indirect.scatter.add.f32 [tilespmem:s23], [sflag:$0x6], $0x80, s22, s18, $0xb8;
	[tilespmem:$0x1FEA0] =	vst v63  }
0x3b: {  	_ =	swait.ge [sflag:s1], $0x2800  }
0x3c: {  	[sflag:s1] =	ssyncset.done $0x0  }
0x3d: {  	s26 =	simm.s32 $0x139C0;
	[sflag:s1] =	ssyncadd.s32 $0xFFFFD800  }
0x3e: {  	[tilespmem:s21], [sflag:$0x2] =	stream.indirect.gather [hbm4b:s0+s18], $0x80, s26, s18, $0xb8;
	[tilespmem:$0x1FEA0] =	vst v63  }
0x3f: {  	_ =	swait.ge [sflag:s24], $0x2800  }
0x40: {  	[sflag:s24] =	ssyncset.done $0x0  }
0x41: {  	s22 =	simm.s32 $0x16080;
	[sflag:s24] =	ssyncadd.s32 $0xFFFFD800  }
0x42: {  	[spmem:s3] =	stream.indirect.scatter.add.f32 [tilespmem:s19], [sflag:$0x4], $0x80, s22, s18, $0xb8;
	[tilespmem:$0x1FEA0] =	vst v63  }
0x43: {  	_ =	swait.ge [sflag:s2], $0x2800  }
0x44: {  	[sflag:s2] =	ssyncset.done $0x0  }
0x45: {  	s26 =	simm.s32 $0x13A10;
	[sflag:s2] =	ssyncadd.s32 $0xFFFFD800  }
0x46: {  	[tilespmem:s23], [sflag:$0x3] =	stream.indirect.gather [hbm4b:s0+s18], $0x80, s26, s18, $0xb8;
	[tilespmem:$0x1FEA0] =	vst v63  }
0x47: {  	_ =	swait.ge [sflag:s25], $0x2800  }
0x48: {  	[sflag:s25] =	ssyncset.done $0x0  }
0x49: {  	s22 =	simm.s32 $0x160D0;
	[sflag:s25] =	ssyncadd.s32 $0xFFFFD800  }
0x4a: {  	[spmem:s3] =	stream.indirect.scatter.add.f32 [tilespmem:s21], [sflag:$0x5], $0x80, s22, s18, $0xb8;
	[tilespmem:$0x1FEA0] =	vst v63  }
0x4b: {  	_ =	swait.ge [sflag:s28], $0x2800  }
0x4c: {  	[sflag:s28] =	ssyncset.done $0x0  }
0x4d: {  	s26 =	simm.s32 $0x13A60;
	[sflag:s28] =	ssyncadd.s32 $0xFFFFD800  }
0x4e: {  	[tilespmem:s19], [sflag:$0x1] =	stream.indirect.gather [hbm4b:s0+s18], $0x80, s26, s18, $0xb8;
	[tilespmem:$0x1FEA0] =	vst v63  }
0x4f: {  	_ =	swait.ge [sflag:s30], $0x2800  }
0x50: {  	[sflag:s30] =	ssyncset.done $0x0  }
0x51: {  	s20 =	simm.s32 $0x3C0;
	s22 =	simm.s32 $0x16120;
	[sflag:s30] =	ssyncadd.s32 $0xFFFFD800  }
.LBB2_2:
0x52: {  	[spmem:s3] =	stream.indirect.scatter.add.f32 [tilespmem:s23], [sflag:$0x6], $0x80, s22, s18, $0xb8;
	[tilespmem:$0x1FEA0] =	vst v63  }
0x53: {  	s22 =	smov.u32 s20  }
0x54: {  	p1 =	sne.s32 s20, $0x8E80;
	s20 =	sadd.s32 $0x3C0, s20;
	_ =	swait.ge [sflag:s1], $0x2800  }
0x55: {  	s22 =	sshra.s32 s22, $0x2;
	[sflag:s1] =	ssyncset.done $0x0  }
0x56: {  	s26 =	sadd.s32 $0x139C0, s22;
	[sflag:s1] =	ssyncadd.s32 $0xFFFFD800  }
0x57: {  	[tilespmem:s21], [sflag:$0x2] =	stream.indirect.gather [hbm4b:s0+s18], $0x80, s26, s18, $0xb8;
	[tilespmem:$0x1FEA0] =	vst v63  }
0x58: {  	_ =	swait.ge [sflag:s24], $0x2800  }
0x59: {  	[sflag:s24] =	ssyncset.done $0x0  }
0x5a: {  	s26 =	sadd.s32 $0x16080, s22;
	[sflag:s24] =	ssyncadd.s32 $0xFFFFD800  }
0x5b: {  	[spmem:s3] =	stream.indirect.scatter.add.f32 [tilespmem:s19], [sflag:$0x4], $0x80, s26, s18, $0xb8;
	[tilespmem:$0x1FEA0] =	vst v63  }
0x5c: {  	_ =	swait.ge [sflag:s2], $0x2800  }
0x5d: {  	[sflag:s2] =	ssyncset.done $0x0  }
0x5e: {  	s26 =	sadd.s32 $0x13A10, s22;
	[sflag:s2] =	ssyncadd.s32 $0xFFFFD800  }
0x5f: {  	[tilespmem:s23], [sflag:$0x3] =	stream.indirect.gather [hbm4b:s0+s18], $0x80, s26, s18, $0xb8;
	[tilespmem:$0x1FEA0] =	vst v63  }
0x60: {  	_ =	swait.ge [sflag:s25], $0x2800  }
0x61: {  	[sflag:s25] =	ssyncset.done $0x0  }
0x62: {  	s26 =	sadd.s32 $0x160D0, s22;
	[sflag:s25] =	ssyncadd.s32 $0xFFFFD800  }
0x63: {  	[spmem:s3] =	stream.indirect.scatter.add.f32 [tilespmem:s21], [sflag:$0x5], $0x80, s26, s18, $0xb8;
	[tilespmem:$0x1FEA0] =	vst v63  }
0x64: {  	_ =	swait.ge [sflag:s28], $0x2800  }
0x65: {  	[sflag:s28] =	ssyncset.done $0x0  }
.Ltmp0:
0x66: {  	s26 =	sadd.s32 $0x13A60, s22;
	[sflag:s28] =	ssyncadd.s32 $0xFFFFD800;
	(pc) =	sbr.rel @p1 .LBB2_2-.Ltmp0, $4  }
0x67: {  	[tilespmem:s19], [sflag:$0x1] =	stream.indirect.gather [hbm4b:s0+s18], $0x80, s26, s18, $0xb8;
	[tilespmem:$0x1FEA0] =	vst v63  }
0x68: {  	_ =	swait.ge [sflag:s30], $0x2800  }
0x69: {  	[sflag:s30] =	ssyncset.done $0x0  }
0x6a: {  	s22 =	sadd.s32 $0x16120, s22;
	[sflag:s30] =	ssyncadd.s32 $0xFFFFD800  }
0x6b: {  	[spmem:s3] =	stream.indirect.scatter.add.f32 [tilespmem:s23], [sflag:$0x6], $0x80, s22, s18, $0xb8;
	[tilespmem:$0x1FEA0] =	vst v63  }
0x6c: {  	_ =	swait.ge [sflag:s1], $0x2800  }
0x6d: {  	[sflag:s1] =	ssyncset.done $0x0  }
0x6e: {  	s20 =	simm.s32 $0x15E50;
	[sflag:s1] =	ssyncadd.s32 $0xFFFFD800  }
0x6f: {  	[tilespmem:s21], [sflag:$0x2] =	stream.indirect.gather [hbm4b:s0+s18], $0x80, s20, s18, $0xb8;
	[tilespmem:$0x1FEA0] =	vst v63  }
0x70: {  	_ =	swait.ge [sflag:s24], $0x2800  }
0x71: {  	[sflag:s24] =	ssyncset.done $0x0  }
0x72: {  	s26 =	simm.s32 $0x18510;
	[sflag:s24] =	ssyncadd.s32 $0xFFFFD800  }
0x73: {  	[spmem:s3] =	stream.indirect.scatter.add.f32 [tilespmem:s19], [sflag:$0x4], $0x80, s26, s18, $0xb8;
	[tilespmem:$0x1FEA0] =	vst v63  }
0x74: {  	_ =	swait.ge [sflag:s2], $0x2800  }
0x75: {  	[sflag:s2] =	ssyncset.done $0x0  }
0x76: {  	s22 =	simm.s32 $0x15EA0;
	[sflag:s2] =	ssyncadd.s32 $0xFFFFD800  }
0x77: {  	[tilespmem:s23], [sflag:$0x3] =	stream.indirect.gather [hbm4b:s0+s18], $0x80, s22, s18, $0xb8;
	[tilespmem:$0x1FEA0] =	vst v63  }
0x78: {  	_ =	swait.ge [sflag:s25], $0x2800  }
0x79: {  	[sflag:s25] =	ssyncset.done $0x0  }
0x7a: {  	s26 =	simm.s32 $0x18560;
	[sflag:s25] =	ssyncadd.s32 $0xFFFFD800  }
0x7b: {  	[spmem:s3] =	stream.indirect.scatter.add.f32 [tilespmem:s21], [sflag:$0x5], $0x80, s26, s18, $0xb8;
	[tilespmem:$0x1FEA0] =	vst v63  }
0x7c: {  	_ =	swait.ge [sflag:s28], $0x2800  }
0x7d: {  	[sflag:s28] =	ssyncset.done $0x0  }
0x7e: {  	s22 =	simm.s32 $0x15EF0;
	[sflag:s28] =	ssyncadd.s32 $0xFFFFD800  }
0x7f: {  	[tilespmem:s19], [sflag:$0x1] =	stream.indirect.gather [hbm4b:s0+s18], $0x80, s22, s18, $0xb8;
	[tilespmem:$0x1FEA0] =	vst v63  }
0x80: {  	_ =	swait.ge [sflag:s30], $0x2800  }
0x81: {  	[sflag:s30] =	ssyncset.done $0x0  }
0x82: {  	s26 =	simm.s32 $0x185B0;
	[sflag:s30] =	ssyncadd.s32 $0xFFFFD800  }
0x83: {  	[spmem:s3] =	stream.indirect.scatter.add.f32 [tilespmem:s23], [sflag:$0x6], $0x80, s26, s18, $0xb8;
	[tilespmem:$0x1FEA0] =	vst v63  }
0x84: {  	_ =	swait.ge [sflag:s1], $0x2800  }
0x85: {  	[sflag:s1] =	ssyncset.done $0x0  }
0x86: {  	s22 =	simm.s32 $0x15F40;
	[sflag:s1] =	ssyncadd.s32 $0xFFFFD800  }
0x87: {  	[tilespmem:s21], [sflag:$0x2] =	stream.indirect.gather [hbm4b:s0+s18], $0x80, s22, s18, $0xb8;
	[tilespmem:$0x1FEA0] =	vst v63  }
0x88: {  	_ =	swait.ge [sflag:s24], $0x2800  }
0x89: {  	[sflag:s24] =	ssyncset.done $0x0  }
0x8a: {  	s26 =	simm.s32 $0x18600;
	[sflag:s24] =	ssyncadd.s32 $0xFFFFD800  }
0x8b: {  	[spmem:s3] =	stream.indirect.scatter.add.f32 [tilespmem:s19], [sflag:$0x4], $0x80, s26, s18, $0xb8;
	[tilespmem:$0x1FEA0] =	vst v63  }
0x8c: {  	_ =	swait.ge [sflag:s2], $0x2800  }
0x8d: {  	[sflag:s2] =	ssyncset.done $0x0  }
0x8e: {  	[sflag:s2] =	ssyncadd.s32 $0xFFFFD800  }
0x8f: {  	_ =	swait.ge [sflag:s25], $0x2800  }
0x90: {  	[sflag:s25] =	ssyncset.done $0x0  }
0x91: {  	[sflag:s25] =	ssyncadd.s32 $0xFFFFD800  }
0x92: {  	[spmem:s3] =	stream.indirect.scatter.add.f32 [tilespmem:s21], [sflag:$0x5], $0x80, s29, s18, $0xb8;
	[tilespmem:$0x1FEA0] =	vst v63  }
0x93: {  	_ =	swait.ge [sflag:s28], $0x2800  }
0x94: {  	[sflag:s28] =	ssyncset.done $0x0  }
0x95: {  	[sflag:s28] =	ssyncadd.s32 $0xFFFFD800  }
0x96: {  	_ =	swait.ge [sflag:s1], $0x2800  }
0x97: {  	[sflag:s1] =	ssyncset.done $0x0  }
0x98: {  	[sflag:s1] =	ssyncadd.s32 $0xFFFFD800  }
0x99: {  	s20 =	simm.s32 @p0 $0x1FC7;
	[bflag:$0x0] =	sbarrier.arrive $0xFFFF  }
0x9a: {  	[hbm:s10], [sflag:s20] =	dma.local @p0 [spmem:s15], $0x1900  }
0x9b: {  	s20 =	simm.s32 @p0 $0x7  }
0x9c: {  	s31 =	sadd.s32 $0x1, s31;
	_ =	swait.ge @p0 [sflag:s20], $0x1900  }
0x9d: {  	p1 =	sne.s32 s31, s11;
	[sflag:s20] =	ssyncset.done @p0 $0x0  }
.Ltmp1:
0x9e: {  	[sflag:s20] =	ssyncadd.s32 @p0 $0xFFFFE700;
	s20 =	simm.s32 @!p0 $0x7;
	(pc) =	sbr.rel @p1 .LBB2_1-.Ltmp1, $4  }
0x9f: {  	[hbm:s9], [sflag:s16] =	dma.local @!p0 [spmem:s17], $0x2800  }
0xa0: {  	_ =	swait.ge @!p0 [sflag:s20], $0x2800  }
0xa1: {  	[sflag:s20] =	ssyncset.done @!p0 $0x0  }
0xa2: {  	[sflag:s20] =	ssyncadd.s32 @!p0 $0xFFFFD800  }
0xa3: {  	_ =	sfence.sel $0x180000  }
0xa4: {  	[bflag:$0x0] =	sbarrier.arrive $0xFFFF  }
0xa5: {  	_ =	strace $0x9000004A  }
0xa6: {  	s0 =	stileid.u32;
	[bflag:$0x2] =	sbarrier.arrive $0xFFFF  }
0xa7: {  	p0 =	sne.s32 s0, $0x0;
	s0 =	rddreg [dreg:$0x3]  }
0xa8: {  	s0 =	sadd.s32 @!p0 $0x100000, s0  }
0xa9: {  	[sflag:s0] =	ssyncadd.tile.s32 @!p0 $0x1;
	_ =	shalt  }
.Lfunc_end2:
_tile_overlayer_lowered:
.L_overlay_start_2:
0xaa: {  	(tag) =	ssettag $0x2  }
0xab: {  	s0 =	rddreg [dreg:$0x0];
	s2 =	stileid.u32  }
0xac: {  	s1 =	rddreg [dreg:$0x1];
	p0 =	sne.s32 s2, $0x0  }
0xad: {  	s3 =	rddreg [dreg:$0x2];
	[bflag:$0x3] =	sbarrier.arrive $0xFFFF;
	s2 =	simm.s32 @!p0 $0x1C07  }
0xae: {  	[timem:s3], [sflag:s2] =	dma.local @!p0 [hbm:s0], s1  }
0xaf: {  	s0 =	simm.s32 @!p0 $0x7  }
0xb0: {  	_ =	swait.ge @!p0 [sflag:s0], s1  }
0xb1: {  	s1 =	ssub.s32 @!p0 $0x0, s1;
	[sflag:s0] =	ssyncset.done @!p0 $0x0  }
0xb2: {  	[sflag:s0] =	ssyncadd.s32 @!p0 s1  }
0xb3: {  	[bflag:$0x3] =	sbarrier.arrive $0xFFFF  }
0xb4: {  	_ =	shalt  }

// kernel: kernel.15.cloned.1.call-start
scs
__scs_entry_jumppad:
0x0: {  	(pc) =	sbr.rel $0x88, $3  }
0x1: {  	(tag) =	ssettag $0x0;
	lr =	simm.s32 $0x1  }
0x2: {  	[smem:$0x3F9B] =	sst lr;
	_ =	strace $0xD0000000  }
0x3: {  	_ = 	snop  }
0x4: {  	_ = 	snop  }
0x5: {  	_ = 	snop  }
0x6: {  	_ = 	snop  }
0x7: {  	_ = 	snop  }
__scs_overlays_trampoline_lowered:
0x8: {  	[smem:$0x3FAA] =	sst s0  }
0x9: {  	[smem:$0x3FAB] =	sst s1  }
0xa: {  	[smem:$0x3FAC] =	sst s2  }
0xb: {  	[smem:$0x3FAD] =	sst s3  }
0xc: {  	[smem:$0x3FAE] =	sst s4  }
0xd: {  	[smem:$0x3FAF] =	sst s5  }
0xe: {  	[smem:$0x3FB0] =	sst s6  }
0xf: {  	[smem:$0x3FB1] =	sst s7  }
0x10: {  	[smem:$0x3FB2] =	sst s8  }
0x11: {  	[smem:$0x3FB3] =	sst s9;
	s0 =	simm.s32 @!p0 $0x0  }
0x12: {  	s1 =	sld [smem:$0x3F99];
	s0 =	simm.s32 @p0 $0x1  }
0x13: {  	[smem:$0x3FB4] =	sst s0;
	s0 =	simm.s32 @!p1 $0x0  }
0x14: {  	s2 =	sld [smem:$0x3F98];
	s0 =	simm.s32 @p1 $0x1  }
0x15: {  	[smem:$0x3FB5] =	sst s0;
	s0 =	simm.s32 @!p2 $0x0  }
0x16: {  	s3 =	sld [smem:$0x3FDB];
	s0 =	simm.s32 @p2 $0x1  }
0x17: {  	s4 =	simm.s32 $0x1BF5;
	[smem:$0x3FB7] =	sst s0  }
0x18: {  	s0 =	sld [smem:$0x3F9A];
	_ =	swait.ge [sflag:s4], $0x0  }
0x19: {  	s7 =	sld [smem:$0x3F9B]  }
0x1a: {  	s8 =	sadd.s32 $0xFFFFE003, lr  }
0x1b: {  	s9 =	sadd.s32 $0xFFFFFEF7, lr;
	s5 =	simm.s32 $0xFFFFFFFF;
	p2 =	slt.u32 s8, $0xFFFFF086  }
0x1c: {  	p1 =	slt.u32 s9, $0xF7A;
	s5 =	simm.s32 @!p2 $0x0  }
0x1d: {  	s5 =	simm.s32 @p1 $0x1;
	p0 =	seq.s32 s7, s2  }
0x1e: {  	s7 =	smul.u32 @!p0 $0xF7A, s2;
	p2 =	seq.s32 @!p0 s5, $0x0  }
0x1f: {  	s9 =	smul.u32 $0xF7A, s1;
	s8 =	simm.s32 @!p0 $0x1BF5;
	p2 =	por !p2, p0  }
0x20: {  	[sflag:s8] =	ssyncset.s32 @!p0 $0xFFFFF086;
	s6 =	sadd.s32 @!p0 s3, s7;
	s7 =	simm.s32 @!p0 $0x108  }
0x21: {  	s3 =	sadd.s32 s3, s9;
	s6 =	sadd.s32 @!p0 $0x88, s6;
	s7 =	simm.s32 @p2 $0x1082  }
0x22: {  	[simem:s7], [sflag:s8] =	dma.local @!p0 [hbm:s6], $0xF7A  }
0x23: {  	s9 =	sor.u32 $0xD0000000, s2;
	s6 =	simm.s32 $0x108;
	_ =	swait.ge @!p0 [sflag:s8], $0x0  }
0x24: {  	s3 =	sadd.s32 $0x88, s3;
	s6 =	simm.s32 @!p1 $0x1082;
	[sflag:s4] =	ssyncset.s32 $0xFFFFF086  }
0x25: {  	[simem:s6], [sflag:s4] =	dma.local [hbm:s3], $0xF7A  }
0x26: {  	[smem:$0x3F9B] =	sst s1;
	(tag) =	ssettag s2;
	_ =	strace s9  }
0x27: {  	s1 =	sld [smem:$0x3FAB]  }
0x28: {  	s2 =	sld [smem:$0x3FAC]  }
0x29: {  	s4 =	sld [smem:$0x3FAE]  }
0x2a: {  	p0 =	seq.s32 s5, $0x0;
	s5 =	sld [smem:$0x3FAF]  }
0x2b: {  	s6 =	sld [smem:$0x3FB0]  }
0x2c: {  	s7 =	sld [smem:$0x3FB1]  }
0x2d: {  	s3 =	simm.s32 $0x108;
	s8 =	sld [smem:$0x3FB2]  }
0x2e: {  	s3 =	simm.s32 @!p0 $0x1082;
	s9 =	sld [smem:$0x3FB3]  }
0x2f: {  	lr =	sadd.s32 s0, s3;
	s0 =	sld [smem:$0x3FAA]  }
0x30: {  	s3 =	sld [smem:$0x3FAD]  }
0x31: {  	[smem:$0x3FB6] =	sst s10  }
0x32: {  	s10 =	sld [smem:$0x3FB4];
	_ =	sdelay $0x3  }
0x33: {  	p0 =	seq.s32 s10, $0x1;
	s10 =	sld [smem:$0x3FB6];
	_ =	sdelay $0x3  }
0x34: {  	[smem:$0x3FB6] =	sst s10  }
0x35: {  	s10 =	sld [smem:$0x3FB5];
	_ =	sdelay $0x3  }
0x36: {  	p1 =	seq.s32 s10, $0x1;
	s10 =	sld [smem:$0x3FB6];
	_ =	sdelay $0x3  }
0x37: {  	[smem:$0x3FB6] =	sst s10  }
0x38: {  	s10 =	sld [smem:$0x3FB7]  }
0x39: {  	_ = 	snop;
	(pc) =	sbr.ind lr, $3  }
0x3a: {  	_ = 	snop  }
0x3b: {  	_ = 	snop  }
0x3c: {  	p2 =	seq.s32 s10, $0x1;
	s10 =	sld [smem:$0x3FB6]  }
0x3d: {  	_ =	shalt  }
0x3e: {  	_ =	shalt  }
0x3f: {  	_ =	shalt  }
0x40: {  	_ =	shalt  }
0x41: {  	_ =	shalt  }
0x42: {  	_ =	shalt  }
0x43: {  	_ =	shalt  }
0x44: {  	_ =	shalt  }
0x45: {  	_ =	shalt  }
0x46: {  	_ =	shalt  }
0x47: {  	_ =	shalt  }
0x48: {  	_ =	shalt  }
0x49: {  	_ =	shalt  }
0x4a: {  	_ =	shalt  }
0x4b: {  	_ =	shalt  }
0x4c: {  	_ =	shalt  }
0x4d: {  	_ =	shalt  }
0x4e: {  	_ =	shalt  }
0x4f: {  	_ =	shalt  }
0x50: {  	_ =	shalt  }
0x51: {  	_ =	shalt  }
0x52: {  	_ =	shalt  }
0x53: {  	_ =	shalt  }
0x54: {  	_ =	shalt  }
0x55: {  	_ =	shalt  }
0x56: {  	_ =	shalt  }
0x57: {  	_ =	shalt  }
0x58: {  	_ =	shalt  }
0x59: {  	_ =	shalt  }
0x5a: {  	_ =	shalt  }
0x5b: {  	_ =	shalt  }
0x5c: {  	_ =	shalt  }
0x5d: {  	_ =	shalt  }
0x5e: {  	_ =	shalt  }
0x5f: {  	_ =	shalt  }
0x60: {  	_ =	shalt  }
0x61: {  	_ =	shalt  }
0x62: {  	_ =	shalt  }
0x63: {  	_ =	shalt  }
0x64: {  	_ =	shalt  }
0x65: {  	_ =	shalt  }
0x66: {  	_ =	shalt  }
0x67: {  	_ =	shalt  }
0x68: {  	_ =	shalt  }
0x69: {  	_ =	shalt  }
0x6a: {  	_ =	shalt  }
0x6b: {  	_ =	shalt  }
0x6c: {  	_ =	shalt  }
0x6d: {  	_ =	shalt  }
0x6e: {  	_ =	shalt  }
0x6f: {  	_ =	shalt  }
0x70: {  	_ =	shalt  }
0x71: {  	_ =	shalt  }
0x72: {  	_ =	shalt  }
0x73: {  	_ =	shalt  }
0x74: {  	_ =	shalt  }
0x75: {  	_ =	shalt  }
0x76: {  	_ =	shalt  }
0x77: {  	_ =	shalt  }
0x78: {  	_ =	shalt  }
0x79: {  	_ =	shalt  }
0x7a: {  	_ =	shalt  }
0x7b: {  	_ =	shalt  }
0x7c: {  	_ =	shalt  }
0x7d: {  	_ =	shalt  }
0x7e: {  	_ =	shalt  }
0x7f: {  	_ =	shalt  }
0x80: {  	_ =	shalt  }
0x81: {  	_ =	shalt  }
0x82: {  	_ =	shalt  }
0x83: {  	_ =	shalt  }
0x84: {  	_ =	shalt  }
0x85: {  	_ =	shalt  }
0x86: {  	_ =	shalt  }
0x87: {  	_ =	shalt  }
.Lfunc_end0:
.L_simem_size_0:
called_computation.2_lowered:
.L_overlay_start_0:
0x88: {  	s2 =	sld [smem:$0x3FD9]  }
0x89: {  	s3 =	sld [smem:$0x3FFE];
	_ =	sdelay $0x1  }
0x8a: {  	s1 =	srdreg.scid  }
0x8b: {  	s0 =	sand.u32 $0x1, s1  }
0x8c: {  	s17 =	sshll.u32 s0, $0xA;
	s2 =	sadd.s32 s3, s2  }
0x8d: {  	s2 =	sadd.s32 s2, s17  }
0x8e: {  	[smem:$0x3FC2] =	sst s2  }
0x8f: {  	_ = 	snop  }
0x90: {  	s2 =	sld [smem:$0x3FD0];
	(tm) =	ssettm $0x1  }
0x91: {  	s18 =	sld [smem:$0x3FFB];
	_ =	sdelay $0x3  }
0x92: {  	_ =	strace s18  }
0x93: {  	s3 =	sld [smem:$0x3FFC];
	_ =	sdelay $0x3  }
0x94: {  	_ =	strace s3  }
0x95: {  	s3 =	sld [smem:$0x3FFD];
	_ =	sdelay $0x3  }
0x96: {  	_ =	strace s3  }
0x97: {  	_ =	strace $0x8FFFFFFF  }
0x98: {  	s19 =	sld [smem:$0x3FDB];
	_ =	sdelay $0x1  }
0x99: {  	s4 =	simm.s32 $_scs_section_size  }
0x9a: {  	s5 =	simm.s32 $_size__tile_overlayer_lowered;
	s6 =	simm.s32 $_tile_overlayer_lowered  }
0x9b: {  	s22 =	simm.s32 $0x1BFF;
	s21 =	sshll.u32 s6, $0x1;
	s3 =	sadd.s32 s4, s19  }
0x9c: {  	s7 =	simm.s32 $0x0;
	s20 =	sshll.u32 s5, $0x1;
	s5 =	sadd.s32 s21, s3  }
0x9d: {  	[timem:s7], [sflag:s22] =	dma.local [hbm:s5], s20  }
0x9e: {  	_ =	swait.ge [sflag:s22], s20  }
0x9f: {  	s4 =	ssub.s32 $0x0, s20;
	[sflag:s22] =	ssyncset.done $0x0  }
0xa0: {  	[sflag:s22] =	ssyncadd.s32 s4;
	_ =	sdelay $0x1  }
0xa1: {  	s23 =	simm.s32 $0x1B8B  }
0xa2: {  	_ =	swait.ge [sflag:s23], $0x1  }
0xa3: {  	[sflag:s23] =	ssyncset.done $0x0  }
0xa4: {  	s25 =	simm.s32 $0x1B8E;
	s24 =	sld [smem:$0x3FFE];
	[sflag:s23] =	ssyncadd.s32 $0xFFFFFFFF  }
0xa5: {  	s26 =	simm.s32 $execute0_lowered;
	[smem:$0x3FD2] =	sst s25  }
0xa6: {  	s5 =	sshll.u32 s26, $0x1;
	_ =	strace $0x8000004C;
	[dreg:$0x1] =	wrdreg $0xFFFFFFFF  }
0xa7: {  	s28 =	simm.s32 $_size_execute0_lowered;
	s3 =	sadd.s32 s3, s5;
	[dreg:$0x0] =	wrdreg $0x0  }
0xa8: {  	s5 =	sshll.u32 s28, $0x1;
	[dreg:$0x2] =	wrdreg s3  }
0xa9: {  	[dreg:$0x3] =	wrdreg s5  }
0xaa: {  	[dreg:$0x4] =	wrdreg $0xC0  }
0xab: {  	_ =	task [dreg:s7], $0x5FFFF  }
0xac: {  	[dreg:$0x1] =	wrdreg $0xFFFFFFFF  }
0xad: {  	[dreg:$0x0] =	wrdreg $0x60  }
0xae: {  	[dreg:$0x2] =	wrdreg s2  }
0xaf: {  	[dreg:$0x3] =	wrdreg s24  }
0xb0: {  	[dreg:$0x4] =	wrdreg $0x0  }
0xb1: {  	[dreg:$0x5] =	wrdreg $0x9  }
0xb2: {  	_ =	task.clear_ibuf [dreg:s7], $0x6FFFF;
	_ =	strace $0x9000004C  }
0xb3: {  	s29 =	simm.s32 $0x9;
	_ =	strace $0x8000004E  }
0xb4: {  	_ =	swait.ge [sflag:s29], $0x1  }
0xb5: {  	[sflag:s29] =	ssyncadd.s32 $0xFFFFFFFF  }
0xb6: {  	_ =	strace $0x9000004E  }
0xb7: {  	_ =	sfence  }
0xb8: {  	s30 =	sld [smem:$0x0];
	_ =	sdelay $0x2  }
0xb9: {  	s31 =	sshll.u32 s1, $0xD;
	s1 =	sshrl.u32 s1, $0x2  }
0xba: {  	s3 =	sand.u32 $0x4000, s31;
	s1 =	sadd.s32 s1, s30  }
0xbb: {  	s0 =	sor.u32 s3, s0;
	s1 =	sshll.u32 s1, $0x11  }
0xbc: {  	s0 =	sor.u32 s1, s0  }
0xbd: {  	s0 =	sadd.s32 $0x8F2B, s0  }
0xbe: {  	[sflag:s0] =	ssyncadd.remote.s32 $0x1  }
0xbf: {  	_ =	sfence.sel $0xFFFF  }
0xc0: {  	[dreg:$0x0] =	wrdreg $0xFFFFFFFF;
	(pc) =	sbr.abs _section_cstart, $3  }
0xc1: {  	[dreg:$0x1] =	wrdreg $0xFFFFFFFF  }
0xc2: {  	_ =	task.clear_ibuf [dreg:s7], $0x2FFFF;
	_ =	strace $0x9FFFFFFF  }
0xc3: {  	(tm) =	ssettm $0x7FFFFFFF  }
tec
execute0_lowered:
.L_overlay_start_1:
0x0: {  	(tag) =	ssettag $0x1  }
0x1: {  	s0 =	rddreg [dreg:$0x0]  }
0x2: {  	s1 =	srdreg.scid;
	s2 =	rddreg [dreg:$0x1]  }
0x3: {  	s3 =	rddreg [dreg:$0x2];
	s16 =	stileid.u32  }
0x4: {  	s4 =	simm.s32 $0x0;
	s12 =	simm.s32 $0x13880;
	s13 =	simm.s32 $0x7  }
0x5: {  	s14 =	simm.s32 $0x15F90;
	s18 =	simm.s32 $0x50;
	s19 =	simm.s32 $0x186A0  }
0x6: {  	s21 =	simm.s32 $0x1AEA0;
	s23 =	simm.s32 $0x1D6A0;
	s24 =	simm.s32 $0x1  }
0x7: {  	s28 =	simm.s32 $0x4;
	s30 =	simm.s32 $0x3;
	s29 =	simm.s32 $0x18650  }
0x8: {  	s31 =	simm.s32 $0x0;
	s1 =	sand.u32 $0x1, s1;
	[smem:$0x7FF] =	sst s4  }
0x9: {  	s8 =	smul.u32 $0x14000, s16;
	s15 =	sadd.s32 $0x12C000, s3;
	p0 =	seq.s32 s16, $0xF  }
0xa: {  	s5 =	sshll.u32 s1, $0x4;
	s6 =	ssub.s32 $0x2, s1;
	_ =	strace $0x8000004D  }
0xb: {  	s1 =	smul.u32 $0x138800, s1;
	s15 =	sshrl.u32 @p0 s15, $0x3;
	s5 =	sor.u32 s16, s5  }
0xc: {  	s7 =	sshrl.u32 s6, $0x1;
	s25 =	sshrl.u32 s8, $0x3;
	s17 =	sadd.s32 s8, s3  }
0xd: {  	s5 =	smul.u32 $0x4E2, s5;
	s11 =	ssub.s32 s6, s7;
	s7 =	sadd.s32 s0, s25  }
0xe: {  	s26 =	sadd.s32 s8, s1;
	s1 =	sshrl.u32 s1, $0x3;
	s8 =	sadd.s32 $0x25800, s0  }
0xf: {  	s17 =	sshrl.u32 @!p0 s17, $0x3;
	s25 =	simm.s32 $0x2;
	s9 =	sadd.s32 s5, s2  }
0x10: {  	s11 =	smax.u32 s11, $0x1;
	s2 =	sadd.s32 $0x16800, s2;
	s5 =	sadd.s32 $0x2C00, s9  }
0x11: {  	s6 =	sadd.s32 $0xCA00, s9;
	s9 =	sshrl.u32 s26, $0x3;
	s1 =	sadd.s32 s2, s1  }
0x12: {  	s9 =	sadd.s32 s2, s9;
	s10 =	sadd.s32 $0x25800, s1;
	s1 =	sshll.u32 @!p0 s16, $0x6  }
0x13: {  	s2 =	simm.s32 $0x6;
	s16 =	sor.u32 @!p0 $0x1C07, s1;
	s1 =	simm.s32 $0x5  }
.LBB2_1:
0x14: {  	[tilespmem:s12], [sflag:$0x7] =	stream.linear.gather [hbm4b:s5+s4], $0x2710, $0x38;
	[tilespmem:$0x1FEA0] =	vst v63  }
0x15: {  	_ =	swait.ge [sflag:s13], $0x2710  }
0x16: {  	[sflag:s13] =	ssyncset.done $0x0  }
0x17: {  	[sflag:s13] =	ssyncadd.s32 $0xFFFFD8F0  }
0x18: {  	[tilespmem:s14], [sflag:$0x7] =	stream.linear.gather [hbm4b:s6+s4], $0x2710, $0x38;
	[tilespmem:$0x1FEA0] =	vst v63  }
0x19: {  	_ =	swait.ge [sflag:s13], $0x2710  }
0x1a: {  	[sflag:s13] =	ssyncset.done $0x0  }
0x1b: {  	s20 =	simm.s32 @p0 $0x1FC7;
	[sflag:s13] =	ssyncadd.s32 $0xFFFFD8F0  }
0x1c: {  	[spmem:s15], [sflag:s20] =	dma.local @p0 [hbm:s8], $0x1900  }
0x1d: {  	s20 =	simm.s32 @p0 $0x7  }
0x1e: {  	_ =	swait.ge @p0 [sflag:s20], $0x1900  }
0x1f: {  	[sflag:s20] =	ssyncset.done @p0 $0x0  }
0x20: {  	[sflag:s20] =	ssyncadd.s32 @p0 $0xFFFFE700;
	s20 =	simm.s32 @!p0 $0x7  }
0x21: {  	[spmem:s17], [sflag:s16] =	dma.local @!p0 [hbm:s7], $0x2800  }
0x22: {  	_ =	swait.ge @!p0 [sflag:s20], $0x2800  }
0x23: {  	[sflag:s20] =	ssyncset.done @!p0 $0x0  }
0x24: {  	[sflag:s20] =	ssyncadd.s32 @!p0 $0xFFFFD800  }
0x25: {  	[bflag:$0x0] =	sbarrier.arrive $0xFFFF  }
0x26: {  	[tilespmem:s19], [sflag:$0x1] =	stream.indirect.gather [hbm4b:s0+s18], $0x80, s12, s18, $0xb8;
	[tilespmem:$0x1FEA0] =	vst v63  }
0x27: {  	s22 =	simm.s32 $0x138D0  }
0x28: {  	[tilespmem:s21], [sflag:$0x2] =	stream.indirect.gather [hbm4b:s0+s18], $0x80, s22, s18, $0xb8;
	[tilespmem:$0x1FEA0] =	vst v63  }
0x29: {  	s26 =	simm.s32 $0x13920  }
0x2a: {  	[tilespmem:s23], [sflag:$0x3] =	stream.indirect.gather [hbm4b:s0+s18], $0x80, s26, s18, $0xb8;
	[tilespmem:$0x1FEA0] =	vst v63  }
0x2b: {  	_ =	swait.ge [sflag:s24], $0x2800  }
0x2c: {  	[sflag:s24] =	ssyncset.done $0x0  }
0x2d: {  	[sflag:s24] =	ssyncadd.s32 $0xFFFFD800  }
0x2e: {  	[spmem:s3] =	stream.indirect.scatter.add.f32 [tilespmem:s19], [sflag:$0x4], $0x80, s14, s18, $0xb8;
	[tilespmem:$0x1FEA0] =	vst v63  }
0x2f: {  	_ =	swait.ge [sflag:s25], $0x2800  }
0x30: {  	[sflag:s25] =	ssyncset.done $0x0  }
0x31: {  	s22 =	simm.s32 $0x15FE0;
	[sflag:s25] =	ssyncadd.s32 $0xFFFFD800  }
0x32: {  	[spmem:s3] =	stream.indirect.scatter.add.f32 [tilespmem:s21], [sflag:$0x5], $0x80, s22, s18, $0xb8;
	[tilespmem:$0x1FEA0] =	vst v63  }
0x33: {  	_ =	swait.ge [sflag:s28], $0x2800  }
0x34: {  	[sflag:s28] =	ssyncset.done $0x0  }
0x35: {  	s26 =	simm.s32 $0x13970;
	[sflag:s28] =	ssyncadd.s32 $0xFFFFD800  }
0x36: {  	[tilespmem:s19], [sflag:$0x1] =	stream.indirect.gather [hbm4b:s0+s18], $0x80, s26, s18, $0xb8;
	[tilespmem:$0x1FEA0] =	vst v63  }
0x37: {  	_ =	swait.ge [sflag:s30], $0x2800  }
0x38: {  	[sflag:s30] =	ssyncset.done $0x0  }
0x39: {  	s22 =	simm.s32 $0x16030;
	[sflag:s30] =	ssyncadd.s32 $0xFFFFD800  }
0x3a: {  	[spmem:s3] =	stream.indirect.scatter.add.f32 [tilespmem:s23], [sflag:$0x6], $0x80, s22, s18, $0xb8;
	[tilespmem:$0x1FEA0] =	vst v63  }
0x3b: {  	_ =	swait.ge [sflag:s1], $0x2800  }
0x3c: {  	[sflag:s1] =	ssyncset.done $0x0  }
0x3d: {  	s26 =	simm.s32 $0x139C0;
	[sflag:s1] =	ssyncadd.s32 $0xFFFFD800  }
0x3e: {  	[tilespmem:s21], [sflag:$0x2] =	stream.indirect.gather [hbm4b:s0+s18], $0x80, s26, s18, $0xb8;
	[tilespmem:$0x1FEA0] =	vst v63  }
0x3f: {  	_ =	swait.ge [sflag:s24], $0x2800  }
0x40: {  	[sflag:s24] =	ssyncset.done $0x0  }
0x41: {  	s22 =	simm.s32 $0x16080;
	[sflag:s24] =	ssyncadd.s32 $0xFFFFD800  }
0x42: {  	[spmem:s3] =	stream.indirect.scatter.add.f32 [tilespmem:s19], [sflag:$0x4], $0x80, s22, s18, $0xb8;
	[tilespmem:$0x1FEA0] =	vst v63  }
0x43: {  	_ =	swait.ge [sflag:s2], $0x2800  }
0x44: {  	[sflag:s2] =	ssyncset.done $0x0  }
0x45: {  	s26 =	simm.s32 $0x13A10;
	[sflag:s2] =	ssyncadd.s32 $0xFFFFD800  }
0x46: {  	[tilespmem:s23], [sflag:$0x3] =	stream.indirect.gather [hbm4b:s0+s18], $0x80, s26, s18, $0xb8;
	[tilespmem:$0x1FEA0] =	vst v63  }
0x47: {  	_ =	swait.ge [sflag:s25], $0x2800  }
0x48: {  	[sflag:s25] =	ssyncset.done $0x0  }
0x49: {  	s22 =	simm.s32 $0x160D0;
	[sflag:s25] =	ssyncadd.s32 $0xFFFFD800  }
0x4a: {  	[spmem:s3] =	stream.indirect.scatter.add.f32 [tilespmem:s21], [sflag:$0x5], $0x80, s22, s18, $0xb8;
	[tilespmem:$0x1FEA0] =	vst v63  }
0x4b: {  	_ =	swait.ge [sflag:s28], $0x2800  }
0x4c: {  	[sflag:s28] =	ssyncset.done $0x0  }
0x4d: {  	s26 =	simm.s32 $0x13A60;
	[sflag:s28] =	ssyncadd.s32 $0xFFFFD800  }
0x4e: {  	[tilespmem:s19], [sflag:$0x1] =	stream.indirect.gather [hbm4b:s0+s18], $0x80, s26, s18, $0xb8;
	[tilespmem:$0x1FEA0] =	vst v63  }
0x4f: {  	_ =	swait.ge [sflag:s30], $0x2800  }
0x50: {  	[sflag:s30] =	ssyncset.done $0x0  }
0x51: {  	s20 =	simm.s32 $0x3C0;
	s22 =	simm.s32 $0x16120;
	[sflag:s30] =	ssyncadd.s32 $0xFFFFD800  }
.LBB2_2:
0x52: {  	[spmem:s3] =	stream.indirect.scatter.add.f32 [tilespmem:s23], [sflag:$0x6], $0x80, s22, s18, $0xb8;
	[tilespmem:$0x1FEA0] =	vst v63  }
0x53: {  	s22 =	smov.u32 s20  }
0x54: {  	p1 =	sne.s32 s20, $0x8E80;
	s20 =	sadd.s32 $0x3C0, s20;
	_ =	swait.ge [sflag:s1], $0x2800  }
0x55: {  	s22 =	sshra.s32 s22, $0x2;
	[sflag:s1] =	ssyncset.done $0x0  }
0x56: {  	s26 =	sadd.s32 $0x139C0, s22;
	[sflag:s1] =	ssyncadd.s32 $0xFFFFD800  }
0x57: {  	[tilespmem:s21], [sflag:$0x2] =	stream.indirect.gather [hbm4b:s0+s18], $0x80, s26, s18, $0xb8;
	[tilespmem:$0x1FEA0] =	vst v63  }
0x58: {  	_ =	swait.ge [sflag:s24], $0x2800  }
0x59: {  	[sflag:s24] =	ssyncset.done $0x0  }
0x5a: {  	s26 =	sadd.s32 $0x16080, s22;
	[sflag:s24] =	ssyncadd.s32 $0xFFFFD800  }
0x5b: {  	[spmem:s3] =	stream.indirect.scatter.add.f32 [tilespmem:s19], [sflag:$0x4], $0x80, s26, s18, $0xb8;
	[tilespmem:$0x1FEA0] =	vst v63  }
0x5c: {  	_ =	swait.ge [sflag:s2], $0x2800  }
0x5d: {  	[sflag:s2] =	ssyncset.done $0x0  }
0x5e: {  	s26 =	sadd.s32 $0x13A10, s22;
	[sflag:s2] =	ssyncadd.s32 $0xFFFFD800  }
0x5f: {  	[tilespmem:s23], [sflag:$0x3] =	stream.indirect.gather [hbm4b:s0+s18], $0x80, s26, s18, $0xb8;
	[tilespmem:$0x1FEA0] =	vst v63  }
0x60: {  	_ =	swait.ge [sflag:s25], $0x2800  }
0x61: {  	[sflag:s25] =	ssyncset.done $0x0  }
0x62: {  	s26 =	sadd.s32 $0x160D0, s22;
	[sflag:s25] =	ssyncadd.s32 $0xFFFFD800  }
0x63: {  	[spmem:s3] =	stream.indirect.scatter.add.f32 [tilespmem:s21], [sflag:$0x5], $0x80, s26, s18, $0xb8;
	[tilespmem:$0x1FEA0] =	vst v63  }
0x64: {  	_ =	swait.ge [sflag:s28], $0x2800  }
0x65: {  	[sflag:s28] =	ssyncset.done $0x0  }
.Ltmp0:
0x66: {  	s26 =	sadd.s32 $0x13A60, s22;
	[sflag:s28] =	ssyncadd.s32 $0xFFFFD800;
	(pc) =	sbr.rel @p1 .LBB2_2-.Ltmp0, $4  }
0x67: {  	[tilespmem:s19], [sflag:$0x1] =	stream.indirect.gather [hbm4b:s0+s18], $0x80, s26, s18, $0xb8;
	[tilespmem:$0x1FEA0] =	vst v63  }
0x68: {  	_ =	swait.ge [sflag:s30], $0x2800  }
0x69: {  	[sflag:s30] =	ssyncset.done $0x0  }
0x6a: {  	s22 =	sadd.s32 $0x16120, s22;
	[sflag:s30] =	ssyncadd.s32 $0xFFFFD800  }
0x6b: {  	[spmem:s3] =	stream.indirect.scatter.add.f32 [tilespmem:s23], [sflag:$0x6], $0x80, s22, s18, $0xb8;
	[tilespmem:$0x1FEA0] =	vst v63  }
0x6c: {  	_ =	swait.ge [sflag:s1], $0x2800  }
0x6d: {  	[sflag:s1] =	ssyncset.done $0x0  }
0x6e: {  	s20 =	simm.s32 $0x15E50;
	[sflag:s1] =	ssyncadd.s32 $0xFFFFD800  }
0x6f: {  	[tilespmem:s21], [sflag:$0x2] =	stream.indirect.gather [hbm4b:s0+s18], $0x80, s20, s18, $0xb8;
	[tilespmem:$0x1FEA0] =	vst v63  }
0x70: {  	_ =	swait.ge [sflag:s24], $0x2800  }
0x71: {  	[sflag:s24] =	ssyncset.done $0x0  }
0x72: {  	s26 =	simm.s32 $0x18510;
	[sflag:s24] =	ssyncadd.s32 $0xFFFFD800  }
0x73: {  	[spmem:s3] =	stream.indirect.scatter.add.f32 [tilespmem:s19], [sflag:$0x4], $0x80, s26, s18, $0xb8;
	[tilespmem:$0x1FEA0] =	vst v63  }
0x74: {  	_ =	swait.ge [sflag:s2], $0x2800  }
0x75: {  	[sflag:s2] =	ssyncset.done $0x0  }
0x76: {  	s22 =	simm.s32 $0x15EA0;
	[sflag:s2] =	ssyncadd.s32 $0xFFFFD800  }
0x77: {  	[tilespmem:s23], [sflag:$0x3] =	stream.indirect.gather [hbm4b:s0+s18], $0x80, s22, s18, $0xb8;
	[tilespmem:$0x1FEA0] =	vst v63  }
0x78: {  	_ =	swait.ge [sflag:s25], $0x2800  }
0x79: {  	[sflag:s25] =	ssyncset.done $0x0  }
0x7a: {  	s26 =	simm.s32 $0x18560;
	[sflag:s25] =	ssyncadd.s32 $0xFFFFD800  }
0x7b: {  	[spmem:s3] =	stream.indirect.scatter.add.f32 [tilespmem:s21], [sflag:$0x5], $0x80, s26, s18, $0xb8;
	[tilespmem:$0x1FEA0] =	vst v63  }
0x7c: {  	_ =	swait.ge [sflag:s28], $0x2800  }
0x7d: {  	[sflag:s28] =	ssyncset.done $0x0  }
0x7e: {  	s22 =	simm.s32 $0x15EF0;
	[sflag:s28] =	ssyncadd.s32 $0xFFFFD800  }
0x7f: {  	[tilespmem:s19], [sflag:$0x1] =	stream.indirect.gather [hbm4b:s0+s18], $0x80, s22, s18, $0xb8;
	[tilespmem:$0x1FEA0] =	vst v63  }
0x80: {  	_ =	swait.ge [sflag:s30], $0x2800  }
0x81: {  	[sflag:s30] =	ssyncset.done $0x0  }
0x82: {  	s26 =	simm.s32 $0x185B0;
	[sflag:s30] =	ssyncadd.s32 $0xFFFFD800  }
0x83: {  	[spmem:s3] =	stream.indirect.scatter.add.f32 [tilespmem:s23], [sflag:$0x6], $0x80, s26, s18, $0xb8;
	[tilespmem:$0x1FEA0] =	vst v63  }
0x84: {  	_ =	swait.ge [sflag:s1], $0x2800  }
0x85: {  	[sflag:s1] =	ssyncset.done $0x0  }
0x86: {  	s22 =	simm.s32 $0x15F40;
	[sflag:s1] =	ssyncadd.s32 $0xFFFFD800  }
0x87: {  	[tilespmem:s21], [sflag:$0x2] =	stream.indirect.gather [hbm4b:s0+s18], $0x80, s22, s18, $0xb8;
	[tilespmem:$0x1FEA0] =	vst v63  }
0x88: {  	_ =	swait.ge [sflag:s24], $0x2800  }
0x89: {  	[sflag:s24] =	ssyncset.done $0x0  }
0x8a: {  	s26 =	simm.s32 $0x18600;
	[sflag:s24] =	ssyncadd.s32 $0xFFFFD800  }
0x8b: {  	[spmem:s3] =	stream.indirect.scatter.add.f32 [tilespmem:s19], [sflag:$0x4], $0x80, s26, s18, $0xb8;
	[tilespmem:$0x1FEA0] =	vst v63  }
0x8c: {  	_ =	swait.ge [sflag:s2], $0x2800  }
0x8d: {  	[sflag:s2] =	ssyncset.done $0x0  }
0x8e: {  	[sflag:s2] =	ssyncadd.s32 $0xFFFFD800  }
0x8f: {  	_ =	swait.ge [sflag:s25], $0x2800  }
0x90: {  	[sflag:s25] =	ssyncset.done $0x0  }
0x91: {  	[sflag:s25] =	ssyncadd.s32 $0xFFFFD800  }
0x92: {  	[spmem:s3] =	stream.indirect.scatter.add.f32 [tilespmem:s21], [sflag:$0x5], $0x80, s29, s18, $0xb8;
	[tilespmem:$0x1FEA0] =	vst v63  }
0x93: {  	_ =	swait.ge [sflag:s28], $0x2800  }
0x94: {  	[sflag:s28] =	ssyncset.done $0x0  }
0x95: {  	[sflag:s28] =	ssyncadd.s32 $0xFFFFD800  }
0x96: {  	_ =	swait.ge [sflag:s1], $0x2800  }
0x97: {  	[sflag:s1] =	ssyncset.done $0x0  }
0x98: {  	[sflag:s1] =	ssyncadd.s32 $0xFFFFD800  }
0x99: {  	s20 =	simm.s32 @p0 $0x1FC7;
	[bflag:$0x0] =	sbarrier.arrive $0xFFFF  }
0x9a: {  	[hbm:s10], [sflag:s20] =	dma.local @p0 [spmem:s15], $0x1900  }
0x9b: {  	s20 =	simm.s32 @p0 $0x7  }
0x9c: {  	s31 =	sadd.s32 $0x1, s31;
	_ =	swait.ge @p0 [sflag:s20], $0x1900  }
0x9d: {  	p1 =	sne.s32 s31, s11;
	[sflag:s20] =	ssyncset.done @p0 $0x0  }
.Ltmp1:
0x9e: {  	[sflag:s20] =	ssyncadd.s32 @p0 $0xFFFFE700;
	s20 =	simm.s32 @!p0 $0x7;
	(pc) =	sbr.rel @p1 .LBB2_1-.Ltmp1, $4  }
0x9f: {  	[hbm:s9], [sflag:s16] =	dma.local @!p0 [spmem:s17], $0x2800  }
0xa0: {  	_ =	swait.ge @!p0 [sflag:s20], $0x2800  }
0xa1: {  	[sflag:s20] =	ssyncset.done @!p0 $0x0  }
0xa2: {  	[sflag:s20] =	ssyncadd.s32 @!p0 $0xFFFFD800  }
0xa3: {  	_ =	sfence.sel $0x180000  }
0xa4: {  	[bflag:$0x0] =	sbarrier.arrive $0xFFFF  }
0xa5: {  	_ =	strace $0x9000004D  }
0xa6: {  	s0 =	stileid.u32;
	[bflag:$0x2] =	sbarrier.arrive $0xFFFF  }
0xa7: {  	p0 =	sne.s32 s0, $0x0;
	s0 =	rddreg [dreg:$0x3]  }
0xa8: {  	s0 =	sadd.s32 @!p0 $0x100000, s0  }
0xa9: {  	[sflag:s0] =	ssyncadd.tile.s32 @!p0 $0x1;
	_ =	shalt  }
.Lfunc_end2:
_tile_overlayer_lowered:
.L_overlay_start_2:
0xaa: {  	(tag) =	ssettag $0x2  }
0xab: {  	s0 =	rddreg [dreg:$0x0];
	s2 =	stileid.u32  }
0xac: {  	s1 =	rddreg [dreg:$0x1];
	p0 =	sne.s32 s2, $0x0  }
0xad: {  	s3 =	rddreg [dreg:$0x2];
	[bflag:$0x3] =	sbarrier.arrive $0xFFFF;
	s2 =	simm.s32 @!p0 $0x1C07  }
0xae: {  	[timem:s3], [sflag:s2] =	dma.local @!p0 [hbm:s0], s1  }
0xaf: {  	s0 =	simm.s32 @!p0 $0x7  }
0xb0: {  	_ =	swait.ge @!p0 [sflag:s0], s1  }
0xb1: {  	s1 =	ssub.s32 @!p0 $0x0, s1;
	[sflag:s0] =	ssyncset.done @!p0 $0x0  }
0xb2: {  	[sflag:s0] =	ssyncadd.s32 @!p0 s1  }
0xb3: {  	[bflag:$0x3] =	sbarrier.arrive $0xFFFF  }
0xb4: {  	_ =	shalt  }

// kernel: kernel.9.cloned.1.call-start
scs
__scs_entry_jumppad:
0x0: {  	(pc) =	sbr.rel $0x88, $3  }
0x1: {  	(tag) =	ssettag $0x0;
	lr =	simm.s32 $0x1  }
0x2: {  	[smem:$0x3F9B] =	sst lr;
	_ =	strace $0xD0000000  }
0x3: {  	_ = 	snop  }
0x4: {  	_ = 	snop  }
0x5: {  	_ = 	snop  }
0x6: {  	_ = 	snop  }
0x7: {  	_ = 	snop  }
__scs_overlays_trampoline_lowered:
0x8: {  	[smem:$0x3FAA] =	sst s0  }
0x9: {  	[smem:$0x3FAB] =	sst s1  }
0xa: {  	[smem:$0x3FAC] =	sst s2  }
0xb: {  	[smem:$0x3FAD] =	sst s3  }
0xc: {  	[smem:$0x3FAE] =	sst s4  }
0xd: {  	[smem:$0x3FAF] =	sst s5  }
0xe: {  	[smem:$0x3FB0] =	sst s6  }
0xf: {  	[smem:$0x3FB1] =	sst s7  }
0x10: {  	[smem:$0x3FB2] =	sst s8  }
0x11: {  	[smem:$0x3FB3] =	sst s9;
	s0 =	simm.s32 @!p0 $0x0  }
0x12: {  	s1 =	sld [smem:$0x3F99];
	s0 =	simm.s32 @p0 $0x1  }
0x13: {  	[smem:$0x3FB4] =	sst s0;
	s0 =	simm.s32 @!p1 $0x0  }
0x14: {  	s2 =	sld [smem:$0x3F98];
	s0 =	simm.s32 @p1 $0x1  }
0x15: {  	[smem:$0x3FB5] =	sst s0;
	s0 =	simm.s32 @!p2 $0x0  }
0x16: {  	s3 =	sld [smem:$0x3FDB];
	s0 =	simm.s32 @p2 $0x1  }
0x17: {  	s4 =	simm.s32 $0x1BF5;
	[smem:$0x3FB7] =	sst s0  }
0x18: {  	s0 =	sld [smem:$0x3F9A];
	_ =	swait.ge [sflag:s4], $0x0  }
0x19: {  	s7 =	sld [smem:$0x3F9B]  }
0x1a: {  	s8 =	sadd.s32 $0xFFFFE003, lr  }
0x1b: {  	s9 =	sadd.s32 $0xFFFFFEF7, lr;
	s5 =	simm.s32 $0xFFFFFFFF;
	p2 =	slt.u32 s8, $0xFFFFF086  }
0x1c: {  	p1 =	slt.u32 s9, $0xF7A;
	s5 =	simm.s32 @!p2 $0x0  }
0x1d: {  	s5 =	simm.s32 @p1 $0x1;
	p0 =	seq.s32 s7, s2  }
0x1e: {  	s7 =	smul.u32 @!p0 $0xF7A, s2;
	p2 =	seq.s32 @!p0 s5, $0x0  }
0x1f: {  	s9 =	smul.u32 $0xF7A, s1;
	s8 =	simm.s32 @!p0 $0x1BF5;
	p2 =	por !p2, p0  }
0x20: {  	[sflag:s8] =	ssyncset.s32 @!p0 $0xFFFFF086;
	s6 =	sadd.s32 @!p0 s3, s7;
	s7 =	simm.s32 @!p0 $0x108  }
0x21: {  	s3 =	sadd.s32 s3, s9;
	s6 =	sadd.s32 @!p0 $0x88, s6;
	s7 =	simm.s32 @p2 $0x1082  }
0x22: {  	[simem:s7], [sflag:s8] =	dma.local @!p0 [hbm:s6], $0xF7A  }
0x23: {  	s9 =	sor.u32 $0xD0000000, s2;
	s6 =	simm.s32 $0x108;
	_ =	swait.ge @!p0 [sflag:s8], $0x0  }
0x24: {  	s3 =	sadd.s32 $0x88, s3;
	s6 =	simm.s32 @!p1 $0x1082;
	[sflag:s4] =	ssyncset.s32 $0xFFFFF086  }
0x25: {  	[simem:s6], [sflag:s4] =	dma.local [hbm:s3], $0xF7A  }
0x26: {  	[smem:$0x3F9B] =	sst s1;
	(tag) =	ssettag s2;
	_ =	strace s9  }
0x27: {  	s1 =	sld [smem:$0x3FAB]  }
0x28: {  	s2 =	sld [smem:$0x3FAC]  }
0x29: {  	s4 =	sld [smem:$0x3FAE]  }
0x2a: {  	p0 =	seq.s32 s5, $0x0;
	s5 =	sld [smem:$0x3FAF]  }
0x2b: {  	s6 =	sld [smem:$0x3FB0]  }
0x2c: {  	s7 =	sld [smem:$0x3FB1]  }
0x2d: {  	s3 =	simm.s32 $0x108;
	s8 =	sld [smem:$0x3FB2]  }
0x2e: {  	s3 =	simm.s32 @!p0 $0x1082;
	s9 =	sld [smem:$0x3FB3]  }
0x2f: {  	lr =	sadd.s32 s0, s3;
	s0 =	sld [smem:$0x3FAA]  }
0x30: {  	s3 =	sld [smem:$0x3FAD]  }
0x31: {  	[smem:$0x3FB6] =	sst s10  }
0x32: {  	s10 =	sld [smem:$0x3FB4];
	_ =	sdelay $0x3  }
0x33: {  	p0 =	seq.s32 s10, $0x1;
	s10 =	sld [smem:$0x3FB6];
	_ =	sdelay $0x3  }
0x34: {  	[smem:$0x3FB6] =	sst s10  }
0x35: {  	s10 =	sld [smem:$0x3FB5];
	_ =	sdelay $0x3  }
0x36: {  	p1 =	seq.s32 s10, $0x1;
	s10 =	sld [smem:$0x3FB6];
	_ =	sdelay $0x3  }
0x37: {  	[smem:$0x3FB6] =	sst s10  }
0x38: {  	s10 =	sld [smem:$0x3FB7]  }
0x39: {  	_ = 	snop;
	(pc) =	sbr.ind lr, $3  }
0x3a: {  	_ = 	snop  }
0x3b: {  	_ = 	snop  }
0x3c: {  	p2 =	seq.s32 s10, $0x1;
	s10 =	sld [smem:$0x3FB6]  }
0x3d: {  	_ =	shalt  }
0x3e: {  	_ =	shalt  }
0x3f: {  	_ =	shalt  }
0x40: {  	_ =	shalt  }
0x41: {  	_ =	shalt  }
0x42: {  	_ =	shalt  }
0x43: {  	_ =	shalt  }
0x44: {  	_ =	shalt  }
0x45: {  	_ =	shalt  }
0x46: {  	_ =	shalt  }
0x47: {  	_ =	shalt  }
0x48: {  	_ =	shalt  }
0x49: {  	_ =	shalt  }
0x4a: {  	_ =	shalt  }
0x4b: {  	_ =	shalt  }
0x4c: {  	_ =	shalt  }
0x4d: {  	_ =	shalt  }
0x4e: {  	_ =	shalt  }
0x4f: {  	_ =	shalt  }
0x50: {  	_ =	shalt  }
0x51: {  	_ =	shalt  }
0x52: {  	_ =	shalt  }
0x53: {  	_ =	shalt  }
0x54: {  	_ =	shalt  }
0x55: {  	_ =	shalt  }
0x56: {  	_ =	shalt  }
0x57: {  	_ =	shalt  }
0x58: {  	_ =	shalt  }
0x59: {  	_ =	shalt  }
0x5a: {  	_ =	shalt  }
0x5b: {  	_ =	shalt  }
0x5c: {  	_ =	shalt  }
0x5d: {  	_ =	shalt  }
0x5e: {  	_ =	shalt  }
0x5f: {  	_ =	shalt  }
0x60: {  	_ =	shalt  }
0x61: {  	_ =	shalt  }
0x62: {  	_ =	shalt  }
0x63: {  	_ =	shalt  }
0x64: {  	_ =	shalt  }
0x65: {  	_ =	shalt  }
0x66: {  	_ =	shalt  }
0x67: {  	_ =	shalt  }
0x68: {  	_ =	shalt  }
0x69: {  	_ =	shalt  }
0x6a: {  	_ =	shalt  }
0x6b: {  	_ =	shalt  }
0x6c: {  	_ =	shalt  }
0x6d: {  	_ =	shalt  }
0x6e: {  	_ =	shalt  }
0x6f: {  	_ =	shalt  }
0x70: {  	_ =	shalt  }
0x71: {  	_ =	shalt  }
0x72: {  	_ =	shalt  }
0x73: {  	_ =	shalt  }
0x74: {  	_ =	shalt  }
0x75: {  	_ =	shalt  }
0x76: {  	_ =	shalt  }
0x77: {  	_ =	shalt  }
0x78: {  	_ =	shalt  }
0x79: {  	_ =	shalt  }
0x7a: {  	_ =	shalt  }
0x7b: {  	_ =	shalt  }
0x7c: {  	_ =	shalt  }
0x7d: {  	_ =	shalt  }
0x7e: {  	_ =	shalt  }
0x7f: {  	_ =	shalt  }
0x80: {  	_ =	shalt  }
0x81: {  	_ =	shalt  }
0x82: {  	_ =	shalt  }
0x83: {  	_ =	shalt  }
0x84: {  	_ =	shalt  }
0x85: {  	_ =	shalt  }
0x86: {  	_ =	shalt  }
0x87: {  	_ =	shalt  }
.Lfunc_end0:
.L_simem_size_0:
called_computation_lowered:
.L_overlay_start_0:
0x88: {  	s2 =	sld [smem:$0x3FD9]  }
0x89: {  	s3 =	sld [smem:$0x3FFE];
	_ =	sdelay $0x1  }
0x8a: {  	s1 =	srdreg.scid  }
0x8b: {  	s0 =	sand.u32 $0x1, s1  }
0x8c: {  	s17 =	sshll.u32 s0, $0xA;
	s2 =	sadd.s32 s3, s2  }
0x8d: {  	s2 =	sadd.s32 s2, s17  }
0x8e: {  	[smem:$0x3FC2] =	sst s2  }
0x8f: {  	_ = 	snop  }
0x90: {  	s2 =	sld [smem:$0x3FD0];
	(tm) =	ssettm $0x1  }
0x91: {  	s18 =	sld [smem:$0x3FFB];
	_ =	sdelay $0x3  }
0x92: {  	_ =	strace s18  }
0x93: {  	s3 =	sld [smem:$0x3FFC];
	_ =	sdelay $0x3  }
0x94: {  	_ =	strace s3  }
0x95: {  	s3 =	sld [smem:$0x3FFD];
	_ =	sdelay $0x3  }
0x96: {  	_ =	strace s3  }
0x97: {  	_ =	strace $0x8FFFFFFF  }
0x98: {  	s19 =	sld [smem:$0x3FDB];
	_ =	sdelay $0x1  }
0x99: {  	s4 =	simm.s32 $_scs_section_size  }
0x9a: {  	s5 =	simm.s32 $_size__tile_overlayer_lowered;
	s6 =	simm.s32 $_tile_overlayer_lowered  }
0x9b: {  	s22 =	simm.s32 $0x1BFF;
	s21 =	sshll.u32 s6, $0x1;
	s3 =	sadd.s32 s4, s19  }
0x9c: {  	s7 =	simm.s32 $0x0;
	s20 =	sshll.u32 s5, $0x1;
	s5 =	sadd.s32 s21, s3  }
0x9d: {  	[timem:s7], [sflag:s22] =	dma.local [hbm:s5], s20  }
0x9e: {  	_ =	swait.ge [sflag:s22], s20  }
0x9f: {  	s4 =	ssub.s32 $0x0, s20;
	[sflag:s22] =	ssyncset.done $0x0  }
0xa0: {  	[sflag:s22] =	ssyncadd.s32 s4;
	_ =	sdelay $0x1  }
0xa1: {  	s23 =	simm.s32 $0x1B8B  }
0xa2: {  	_ =	swait.ge [sflag:s23], $0x1  }
0xa3: {  	[sflag:s23] =	ssyncset.done $0x0  }
0xa4: {  	s25 =	simm.s32 $0x1B8E;
	s24 =	sld [smem:$0x3FFE];
	[sflag:s23] =	ssyncadd.s32 $0xFFFFFFFF  }
0xa5: {  	s26 =	simm.s32 $execute0_lowered;
	[smem:$0x3FD2] =	sst s25  }
0xa6: {  	s5 =	sshll.u32 s26, $0x1;
	_ =	strace $0x80000046;
	[dreg:$0x1] =	wrdreg $0xFFFFFFFF  }
0xa7: {  	s28 =	simm.s32 $_size_execute0_lowered;
	s3 =	sadd.s32 s3, s5;
	[dreg:$0x0] =	wrdreg $0x0  }
0xa8: {  	s5 =	sshll.u32 s28, $0x1;
	[dreg:$0x2] =	wrdreg s3  }
0xa9: {  	[dreg:$0x3] =	wrdreg s5  }
0xaa: {  	[dreg:$0x4] =	wrdreg $0xC0  }
0xab: {  	_ =	task [dreg:s7], $0x5FFFF  }
0xac: {  	[dreg:$0x1] =	wrdreg $0xFFFFFFFF  }
0xad: {  	[dreg:$0x0] =	wrdreg $0x60  }
0xae: {  	[dreg:$0x2] =	wrdreg s24  }
0xaf: {  	[dreg:$0x3] =	wrdreg s2  }
0xb0: {  	[dreg:$0x4] =	wrdreg $0x9  }
0xb1: {  	_ =	task.clear_ibuf [dreg:s7], $0x5FFFF;
	_ =	strace $0x90000046  }
0xb2: {  	s29 =	simm.s32 $0x9;
	_ =	strace $0x80000048  }
0xb3: {  	_ =	swait.ge [sflag:s29], $0x1  }
0xb4: {  	[sflag:s29] =	ssyncadd.s32 $0xFFFFFFFF  }
0xb5: {  	_ =	strace $0x90000048  }
0xb6: {  	_ =	sfence  }
0xb7: {  	s30 =	sld [smem:$0x0];
	_ =	sdelay $0x2  }
0xb8: {  	s31 =	sshll.u32 s1, $0xD;
	s1 =	sshrl.u32 s1, $0x2  }
0xb9: {  	s3 =	sand.u32 $0x4000, s31;
	s1 =	sadd.s32 s1, s30  }
0xba: {  	s0 =	sor.u32 s3, s0;
	s1 =	sshll.u32 s1, $0x11  }
0xbb: {  	s0 =	sor.u32 s1, s0  }
0xbc: {  	s0 =	sadd.s32 $0x8F2B, s0  }
0xbd: {  	[sflag:s0] =	ssyncadd.remote.s32 $0x1  }
0xbe: {  	_ =	sfence.sel $0xFFFF  }
0xbf: {  	[dreg:$0x0] =	wrdreg $0xFFFFFFFF;
	(pc) =	sbr.abs _section_cstart, $3  }
0xc0: {  	[dreg:$0x1] =	wrdreg $0xFFFFFFFF  }
0xc1: {  	_ =	task.clear_ibuf [dreg:s7], $0x2FFFF;
	_ =	strace $0x9FFFFFFF  }
0xc2: {  	(tm) =	ssettm $0x7FFFFFFF  }
0xc3: {  	_ =	shalt  }
tec
execute0_lowered:
.L_overlay_start_1:
0x0: {  	(tag) =	ssettag $0x1  }
0x1: {  	s0 =	srdreg.scid  }
0x2: {  	s3 =	sand.u32 $0x1, s0  }
0x3: {  	s4 =	rddreg [dreg:$0x0];
	s0 =	stileid.u32;
	s1 =	sshll.u32 s3, $0x4  }
0x4: {  	s5 =	rddreg [dreg:$0x1];
	s9 =	simm.s32 $0x2780;
	s2 =	sor.u32 s0, s1  }
0x5: {  	s10 =	simm.s32 $0x0;
	s7 =	sshll.u32 s0, $0x7;
	s6 =	sshrl.u32 s2, $0x3  }
0x6: {  	s3 =	ssub.s32 $0x2, s3;
	s1 =	rddreg [dreg:$0x2];
	s8 =	smul.u32 $0x13C00, s6  }
0x7: {  	s7 =	sand.u32 $0x380, s7;
	s2 =	simm.s32 $0x0;
	s6 =	smul.u32 $0x14000, s6  }
0x8: {  	s31 =	sshrl.u32 s3, $0x1;
	[smem:$0x7FF] =	sst s2;
	s8 =	sor.u32 s7, s8  }
0x9: {  	_ =	strace $0x80000047;
	s6 =	sor.u32 s7, s6;
	s8 =	sshrl.u32 s8, $0x3  }
0xa: {  	s7 =	ssub.s32 s3, s31;
	s6 =	sshrl.u32 s6, $0x3;
	s4 =	sadd.s32 s8, s4  }
0xb: {  	s8 =	simm.s32 $0x1;
	s3 =	sadd.s32 $0x16800, s4;
	s4 =	sadd.s32 s5, s6  }
0xc: {  	v0 =	vimm.f32 $0.0e+00;
	v1 =	vimm.f32 $1.000000000e+00;
	s5 =	smax.u32 s7, $0x1;
	s6 =	simm.s32 $0x80;
	s7 =	simm.s32 $0x400  }
.LBB2_1:
0xd: {  	[tilespmem:s2], [sflag:$0x1] =	stream.strided.gather [hbm4b:s3+s6], $0x2780, s7, s6, $0x38;
	[tilespmem:$0x4F80] =	vst v63  }
0xe: {  	_ =	swait.ge [sflag:s8], $0x2780  }
0xf: {  	[sflag:s8] =	ssyncset.done $0x0  }
0x10: {  	s11 =	simm.s32 $0x0;
	[sflag:s8] =	ssyncadd.s32 $0xFFFFD880  }
.LBB2_2:
0x11: {  	p0 =	sne.s32 s11, $0x9FC0  }
.Ltmp0:
0x12: {  	_ = 	snop;
	(pc) =	sbr.rel @p0 .LBB2_2-.Ltmp0, $3  }
0x13: {  	_ =	sdelay $0x1  }
0x14: {  	s12 =	sshra.s32 s11, $0x2  }
0x15: {  	s11 =	sadd.s32 $0x40, s11;
	[tilespmem:s12+$0x2780] =	vst v0  }
0x16: {  	s12 =	simm.s32 $0x0;
	s11 =	simm.s32 $0x40  }
.LBB2_4:
0x17: {  	p0 =	sne.s32 s11, $0x9C00;
	v2 =	vld [tilespmem:s12+$0x0];
	_ =	sdelay $0x3  }
.Ltmp1:
0x18: {  	(pc) =	sbr.rel @p0 .LBB2_4-.Ltmp1, $2  }
0x19: {  	_ =	sdelay $0x2  }
0x1a: {  	s12 =	sshra.s32 s11, $0x2;
	s11 =	sadd.s32 $0x40, s11;
	[tilespmem:v2+s9+$0x0] =	vst.idx.add.f32.msk $0xffff, v1  }
0x1b: {  	v2 =	vld [tilespmem:s12+$0x0];
	_ =	sdelay $0x5  }
0x1c: {  	s10 =	sadd.s32 $0x1, s10  }
0x1d: {  	p0 =	sne.s32 s10, s5  }
.Ltmp2:
0x1e: {  	[tilespmem:v2+s9+$0x0] =	vst.idx.add.f32.msk $0xffff, v1;
	(pc) =	sbr.rel @p0 .LBB2_1-.Ltmp2, $4  }
0x1f: {  	[hbm4b:s4+s6] =	stream.strided.scatter [tilespmem:s9], [sflag:$0x1], $0x2800, s7, s6, $0x38;
	[tilespmem:$0x4F80] =	vst v63  }
0x20: {  	_ =	swait.ge [sflag:s8], $0x2800  }
0x21: {  	[sflag:s8] =	ssyncset.done $0x0  }
0x22: {  	[sflag:s8] =	ssyncadd.s32 $0xFFFFD800  }
0x23: {  	_ =	sfence.sel $0x180000  }
0x24: {  	[bflag:$0x0] =	sbarrier.arrive $0xFFFF  }
0x25: {  	p0 =	sne.s32 s0, $0x0;
	_ =	strace $0x90000047  }
0x26: {  	s0 =	sadd.s32 @!p0 $0x100000, s1;
	[bflag:$0x2] =	sbarrier.arrive $0xFFFF  }
0x27: {  	[sflag:s0] =	ssyncadd.tile.s32 @!p0 $0x1;
	_ =	shalt  }
.Lfunc_end2:
_tile_overlayer_lowered:
.L_overlay_start_2:
0x28: {  	(tag) =	ssettag $0x2  }
0x29: {  	s0 =	rddreg [dreg:$0x0];
	s2 =	stileid.u32  }
0x2a: {  	s1 =	rddreg [dreg:$0x1];
	p0 =	sne.s32 s2, $0x0  }
0x2b: {  	s3 =	rddreg [dreg:$0x2];
	[bflag:$0x3] =	sbarrier.arrive $0xFFFF;
	s2 =	simm.s32 @!p0 $0x1C01  }
0x2c: {  	[timem:s3], [sflag:s2] =	dma.local @!p0 [hbm:s0], s1  }
0x2d: {  	s0 =	simm.s32 @!p0 $0x1  }
0x2e: {  	_ =	swait.ge @!p0 [sflag:s0], s1  }
0x2f: {  	s1 =	ssub.s32 @!p0 $0x0, s1;
	[sflag:s0] =	ssyncset.done @!p0 $0x0  }
0x30: {  	[sflag:s0] =	ssyncadd.s32 @!p0 s1  }
0x31: {  	[bflag:$0x3] =	sbarrier.arrive $0xFFFF  }
0x32: {  	_ =	shalt  }

</sc_bundles>
